<compile_context>
chip_gen: v7x
topology: tpu7x:2x2x1
jax: 0.10.2.dev20260603
libtpu: 0.0.44.dev20260713+nightly
codegen_flags: <defaults>
</compile_context>

<pallas_src>
import functools

import jax
import jax.numpy as jnp
from jax import lax
from jax.experimental import pallas as pl
from jax.experimental.pallas import tpu as pltpu
from jax.experimental.pallas import tpu_sc as plsc

NC = 2
NS = 16
NW = NC * NS
K = 80
NBUF = 3
R = 2000


def _deg_body(dst_hbm, out_hbm, deg_sh, dst_v, ones_v, zero_v):
  c = lax.axis_index("c")
  s = lax.axis_index("s")
  wid = c * NS + s
  np_, = deg_sh.shape
  zt = np_ // NS
  nchunk, kd = dst_v.shape

  def fill_zero(j, _):
    zero_v[pl.ds(j * 16, 16)] = jnp.zeros((16,), jnp.float32)
    return 0
  lax.fori_loop(0, zt // 16, fill_zero, 0)

  def fill_one(j, _):
    ones_v[pl.ds(j * 16, 16)] = jnp.ones((16,), jnp.float32)
    return 0
  lax.fori_loop(0, kd // 16, fill_one, 0)

  pltpu.sync_copy(zero_v, deg_sh.at[pl.ds(s * zt, zt)])
  pltpu.sync_copy(dst_hbm.at[wid], dst_v)
  plsc.subcore_barrier()

  def body(j, _):
    pltpu.sync_copy(ones_v, deg_sh.at[dst_v.at[j]], add=True)
    return 0
  lax.fori_loop(0, nchunk, body, 0)

  plsc.subcore_barrier()
  pltpu.sync_copy(deg_sh.at[pl.ds(s * zt, zt)],
                  out_hbm.at[pl.ds(c * np_ + s * zt, zt)])


def _edge_body(hs_hbm, zeros_hbm, src_hbm, dst_hbm, out_hbm, acc_sh, src_v,
               dst_v, rows_v, sem, nchunk):
  c = lax.axis_index("c")
  s = lax.axis_index("s")
  wid = c * NS + s
  n = acc_sh.shape[0]
  rt = (n // NS + 7) // 8 * 8
  rt_last = n - (NS - 1) * rt
  ew = nchunk * K
  base = wid * ew

  sem_g, sem_s = sem
  pltpu.async_copy(src_hbm.at[pl.ds(base, ew)], src_v, sem_g)
  pltpu.async_copy(dst_hbm.at[wid], dst_v, sem_s)

  @pl.when((c == 0) & (s < NS - 1))
  def _():
    pltpu.sync_copy(hs_hbm.at[pl.ds(s * rt, rt)], acc_sh.at[pl.ds(s * rt, rt)])

  @pl.when((c == 0) & (s == NS - 1))
  def _():
    pltpu.sync_copy(hs_hbm.at[pl.ds((NS - 1) * rt, rt_last)],
                    acc_sh.at[pl.ds((NS - 1) * rt, rt_last)])

  @pl.when((c == 1) & (s < NS - 1))
  def _():
    pltpu.sync_copy(zeros_hbm, acc_sh.at[pl.ds(s * rt, rt)])

  @pl.when((c == 1) & (s == NS - 1))
  def _():
    pltpu.sync_copy(zeros_hbm.at[pl.ds(0, rt_last)],
                    acc_sh.at[pl.ds((NS - 1) * rt, rt_last)])

  pltpu.make_async_copy(src_hbm.at[pl.ds(base, ew)], src_v, sem_g).wait()
  pltpu.make_async_copy(dst_hbm.at[wid], dst_v, sem_s).wait()
  plsc.subcore_barrier()
  for p in range(NBUF - 1):
    pltpu.async_copy(hs_hbm.at[src_v.at[pl.ds(p * K, K)]], rows_v.at[p],
                     sem_g)

  def body(j, _):
    b = lax.rem(j, NBUF)
    pltpu.make_async_copy(hs_hbm.at[src_v.at[pl.ds(j * K, K)]],
                          rows_v.at[b], sem_g).wait()

    @pl.when(j >= NBUF - 1)
    def _():
      pltpu.make_async_copy(rows_v.at[lax.rem(j + 1, NBUF)],
                            acc_sh.at[dst_v.at[j - (NBUF - 1)]],
                            sem_s).wait()

    @pl.when(j + NBUF - 1 < nchunk)
    def _():
      pltpu.async_copy(hs_hbm.at[src_v.at[pl.ds((j + NBUF - 1) * K, K)]],
                       rows_v.at[lax.rem(j + NBUF - 1, NBUF)], sem_g)

    pltpu.async_copy(rows_v.at[b], acc_sh.at[dst_v.at[j]], sem_s, add=True)
    return 0
  lax.fori_loop(0, nchunk, body, 0)

  for p in range(NBUF - 1):
    j = nchunk - (NBUF - 1) + p
    pltpu.make_async_copy(rows_v.at[j % NBUF], acc_sh.at[dst_v.at[j]],
                          sem_s).wait()
  plsc.subcore_barrier()

  @pl.when(s < NS - 1)
  def _():
    pltpu.sync_copy(acc_sh.at[pl.ds(s * rt, rt)],
                    out_hbm.at[pl.ds(c * n + s * rt, rt)])

  @pl.when(s == NS - 1)
  def _():
    pltpu.sync_copy(acc_sh.at[pl.ds((NS - 1) * rt, rt_last)],
                    out_hbm.at[pl.ds(c * n + (NS - 1) * rt, rt_last)])


def _mm_tc(x_ref, w_ref, out_ref):
  out_ref[...] = jnp.dot(x_ref[...], w_ref[...],
                         preferred_element_type=jnp.float32)


def _scale_tc(xw_ref, degt_ref, hs_ref, dis_ref):
  d = jnp.sum(degt_ref[...], axis=1, keepdims=True) + 1.0
  dis = lax.rsqrt(d)
  hs_ref[...] = xw_ref[...] * dis
  dis_ref[...] = dis


def _mid_tc(acc0_ref, acc1_ref, dis_ref, b_ref, w_ref, out_ref):
  dis = dis_ref[...]
  h = (acc0_ref[...] + acc1_ref[...]) * dis + b_ref[...]
  h = jnp.maximum(h, 0.0)
  out_ref[...] = jnp.dot(h, w_ref[...],
                         preferred_element_type=jnp.float32) * dis


def _head_tc(acc0_ref, acc1_ref, dis_ref, b_ref, wfc_ref, bfc_ref,
             out_ref, colsum):
  i = pl.program_id(0)
  nblk = pl.num_programs(0)
  dis = dis_ref[...]
  h = (acc0_ref[...] + acc1_ref[...]) * dis + b_ref[...]
  h = jnp.maximum(h, 0.0)

  @pl.when(i == 0)
  def _():
    colsum[...] = jnp.zeros_like(colsum)

  colsum[...] += jnp.sum(h, axis=0, keepdims=True)

  @pl.when(i == nblk - 1)
  def _():
    g = colsum[...] / (nblk * h.shape[0])
    out_ref[...] = jnp.dot(g, wfc_ref[...],
                           preferred_element_type=jnp.float32) + bfc_ref[...]


def kernel(x, edge_index, W1, b1, W2, b2, W3, b3, Wfc, bfc):
  n, d = x.shape
  h = W1.shape[1]
  o = Wfc.shape[1]
  e = edge_index.shape[1]
  ew = e // NW
  nchunk = ew // K
  np_ = ((n + 255) // 256) * 256
  nblk = n // R

  src_flat = edge_index[0]
  dst3 = edge_index[1].reshape(NW, nchunk, K)
  kd = 80
  dst3b = edge_index[1].reshape(NW, ew // kd, kd)

  mesh = plsc.VectorSubcoreMesh(core_axis_name="c", subcore_axis_name="s")

  deg_kernel = pl.kernel(
      _deg_body,
      out_type=jax.ShapeDtypeStruct((NC * np_,), jnp.float32),
      mesh=mesh,
      scratch_types=[
          pltpu.VMEM_SHARED((np_,), jnp.float32),
          pltpu.VMEM((ew // kd, kd), jnp.int32),
          pltpu.VMEM((kd,), jnp.float32),
          pltpu.VMEM((np_ // NS,), jnp.float32),
      ],
  )
  deg_parts = deg_kernel(dst3b)
  degt = deg_parts.reshape(NC, np_).T[:n]

  rt = (n // NS + 7) // 8 * 8
  zeros_rt = jnp.zeros((rt, h), jnp.float32)

  edge_kernel = pl.kernel(
      functools.partial(_edge_body, nchunk=nchunk),
      out_type=jax.ShapeDtypeStruct((2 * n, h), jnp.float32),
      mesh=mesh,
      compiler_params=pltpu.CompilerParams(use_tc_tiling_on_sc=False),
      scratch_types=[
          pltpu.VMEM_SHARED((n, h), jnp.float32),
          pltpu.VMEM((ew,), jnp.int32),
          pltpu.VMEM((nchunk, K), jnp.int32),
          pltpu.VMEM((NBUF, K, h), jnp.float32),
          (pltpu.SemaphoreType.DMA, pltpu.SemaphoreType.DMA),
      ],
  )

  row = lambda i: (i, 0)
  row_hi = lambda i: (i + nblk, 0)
  fixed = lambda i: (0, 0)

  xw1 = pl.pallas_call(
      _mm_tc,
      grid=(nblk,),
      in_specs=[
          pl.BlockSpec((R, d), row),
          pl.BlockSpec((d, h), fixed),
      ],
      out_specs=pl.BlockSpec((R, h), row),
      out_shape=jax.ShapeDtypeStruct((n, h), jnp.float32),
  )(x, W1)

  hs1, dis = pl.pallas_call(
      _scale_tc,
      grid=(nblk,),
      in_specs=[
          pl.BlockSpec((R, h), row),
          pl.BlockSpec((R, NC), row),
      ],
      out_specs=[
          pl.BlockSpec((R, h), row),
          pl.BlockSpec((R, 1), row),
      ],
      out_shape=[
          jax.ShapeDtypeStruct((n, h), jnp.float32),
          jax.ShapeDtypeStruct((n, 1), jnp.float32),
      ],
  )(xw1, degt)

  def mid(acc, b, w):
    return pl.pallas_call(
        _mid_tc,
        grid=(nblk,),
        in_specs=[
            pl.BlockSpec((R, h), row),
            pl.BlockSpec((R, h), row_hi),
            pl.BlockSpec((R, 1), row),
            pl.BlockSpec((1, h), fixed),
            pl.BlockSpec((h, h), fixed),
        ],
        out_specs=pl.BlockSpec((R, h), row),
        out_shape=jax.ShapeDtypeStruct((n, h), jnp.float32),
    )(acc, acc, dis, b.reshape(1, h), w)

  acc1 = edge_kernel(hs1, zeros_rt, src_flat, dst3)
  hs2 = mid(acc1, b1, W2)
  acc2 = edge_kernel(hs2, zeros_rt, src_flat, dst3)
  hs3 = mid(acc2, b2, W3)
  acc3 = edge_kernel(hs3, zeros_rt, src_flat, dst3)

  wfc_p = jnp.zeros((h, 128), jnp.float32).at[:, :o].set(Wfc)
  bfc_p = jnp.zeros((1, 128), jnp.float32).at[0, :o].set(bfc)

  head = pl.pallas_call(
      _head_tc,
      grid=(nblk,),
      in_specs=[
          pl.BlockSpec((R, h), row),
          pl.BlockSpec((R, h), row_hi),
          pl.BlockSpec((R, 1), row),
          pl.BlockSpec((1, h), fixed),
          pl.BlockSpec((h, 128), fixed),
          pl.BlockSpec((1, 128), fixed),
      ],
      out_specs=pl.BlockSpec((1, 128), fixed),
      out_shape=jax.ShapeDtypeStruct((1, 128), jnp.float32),
      scratch_shapes=[pltpu.VMEM((1, 128), jnp.float32)],
  )
  out = head(acc3, acc3, dis, b3.reshape(1, h), wfc_p, bfc_p)
  return out[0, :o]

# --- scband reference (transcript-rebuilt; emitter-appended) ---
"""Pipeline reference for scband-gcn-36661840838723 (READ-ONLY COPY).

The authoritative reference and input builder live on the scoring server;
editing this copy changes nothing except your own understanding.
"""

import jax, jax.numpy as jnp
import numpy as np

N = 10000
E = 320000
D = 128
H = 128
O = 6


def setup_inputs(seed: int = 0) -> dict:
    key = jax.random.key(seed)
    ks = jax.random.split(key, 12)
    x = jax.random.normal(ks[0], (N, D), dtype=jnp.float32)
    edge_index = jax.random.randint(ks[1], (2, E), 0, N, dtype=jnp.int32)
    W1 = jax.random.normal(ks[2], (D, H), dtype=jnp.float32) * 0.05
    b1 = jnp.zeros((H,), dtype=jnp.float32)
    W2 = jax.random.normal(ks[3], (H, H), dtype=jnp.float32) * 0.05
    b2 = jnp.zeros((H,), dtype=jnp.float32)
    W3 = jax.random.normal(ks[4], (H, H), dtype=jnp.float32) * 0.05
    b3 = jnp.zeros((H,), dtype=jnp.float32)
    Wfc = jax.random.normal(ks[5], (H, O), dtype=jnp.float32) * 0.05
    bfc = jnp.zeros((O,), dtype=jnp.float32)
    return {"x": x, "edge_index": edge_index, "W1": W1, "b1": b1,
            "W2": W2, "b2": b2, "W3": W3, "b3": b3, "Wfc": Wfc, "bfc": bfc}


def gcn_conv(h, edge_index, W, b):
    # PyG GCNConv: add self-loops, symmetric normalization D^-1/2 A_hat D^-1/2,
    # linear transform then scatter-add aggregation, then bias.
    n = h.shape[0]
    src = edge_index[0]
    dst = edge_index[1]
    loop = jnp.arange(n, dtype=src.dtype)
    src = jnp.concatenate([src, loop])
    dst = jnp.concatenate([dst, loop])
    h = h @ W
    deg = jnp.zeros((n,), dtype=h.dtype).at[dst].add(1.0)
    deg_inv_sqrt = jnp.where(deg > 0, deg ** -0.5, 0.0)
    norm = deg_inv_sqrt[src] * deg_inv_sqrt[dst]
    msgs = h[src] * norm[:, None]
    out = jax.ops.segment_sum(msgs, dst, num_segments=n)
    return out + b


def reference(x, edge_index, W1, b1, W2, b2, W3, b3, Wfc, bfc):
    # dropout_rate=0.0 -> dropout is identity
    h = jax.nn.relu(gcn_conv(x, edge_index, W1, b1))
    h = jax.nn.relu(gcn_conv(h, edge_index, W2, b2))
    h = jax.nn.relu(gcn_conv(h, edge_index, W3, b3))
    g = jnp.mean(h, axis=0)
    return g @ Wfc + bfc

if __name__ == "__main__":
    import jax
    _d = setup_inputs()
    print(jax.jit(kernel)(*tuple(_d.values())))

</pallas_src>

<mosaic_0001>
#map = affine_map<(d0, d1) -> (0, 0)>
#map1 = affine_map<(d0, d1) -> (0)>
#map2 = affine_map<(d0, d1) -> (0, 0, 0)>
module attributes {stable_mosaic.version = 14 : i64} {
  func.func @_edge_body(%arg0: i32, %arg1: i32, %arg2: memref<10000x128xf32, #tpu.memory_space<hbm>>, %arg3: memref<632x128xf32, #tpu.memory_space<hbm>>, %arg4: memref<320000xi32, #tpu.memory_space<hbm>>, %arg5: memref<32x125x80xi32, #tpu.memory_space<hbm>>, %arg6: memref<20000x128xf32, #tpu.memory_space<hbm>>, %arg7: memref<10000x128xf32, #tpu.memory_space<vmem_shared>>, %arg8: memref<10000xi32, #tpu.memory_space<vmem>>, %arg9: memref<125x80xi32, #tpu.memory_space<vmem>>, %arg10: memref<3x80x128xf32, #tpu.memory_space<vmem>>, %arg11: memref<!tpu.dma_semaphore, #tpu.memory_space<semaphore_mem>>, %arg12: memref<!tpu.dma_semaphore, #tpu.memory_space<semaphore_mem>>) attributes {dimension_semantics = [#tpu.dimension_semantics<core_parallel>, #tpu.dimension_semantics<subcore_parallel>], iteration_bounds = array<i64: 2, 16>, scalar_prefetch = 0 : i64, scratch_operands = 6 : i64, tpu.core_type = #tpu.core_type<sc_vector_subcore>, window_params = [{transform_indices = #map}, {transform_indices = #map}, {transform_indices = #map1}, {transform_indices = #map2}, {transform_indices = #map}]} {
    %mul3A = arith.constant 16 : i32
    %mul3A_0 = arith.muli %arg0, %mul3A : i32
    %add3A = arith.addi %mul3A_0, %arg1 : i32
    %mul3A_1 = arith.constant 10000 : i32
    %mul3A_2 = arith.muli %add3A, %mul3A_1 : i32
    %dma_start3A = tpu.memref_slice %arg4[%mul3A_2] : memref<320000xi32, #tpu.memory_space<hbm>> -> memref<10000xi32, #tpu.memory_space<hbm>>
    %dma_start3A_3 = tpu.memref_slice %arg4[%mul3A_2] : memref<320000xi32, #tpu.memory_space<hbm>> -> memref<10000xi32, #tpu.memory_space<hbm>>
    tpu.enqueue_dma source(%dma_start3A_3 : memref<10000xi32, #tpu.memory_space<hbm>>) target(%arg8 : memref<10000xi32, #tpu.memory_space<vmem>>) target_semaphore(%arg11 : memref<!tpu.dma_semaphore, #tpu.memory_space<semaphore_mem>>)
    %dma_start3A_4 = arith.constant 0 : i32
    %dma_start3A_5 = arith.constant 0 : i32
    %dma_start3A_6 = tpu.memref_slice %arg5[%add3A, %dma_start3A_4, %dma_start3A_5] : memref<32x125x80xi32, #tpu.memory_space<hbm>> -> memref<1x125x80xi32, #tpu.memory_space<hbm>>
    %dma_start3A_7 = tpu.memref_squeeze %dma_start3A_6 : memref<1x125x80xi32, #tpu.memory_space<hbm>> -> memref<125x80xi32, #tpu.memory_space<hbm>>
    %dma_start3A_8 = arith.constant 0 : i32
    %dma_start3A_9 = arith.constant 0 : i32
    %dma_start3A_10 = tpu.memref_slice %arg5[%add3A, %dma_start3A_8, %dma_start3A_9] : memref<32x125x80xi32, #tpu.memory_space<hbm>> -> memref<1x125x80xi32, #tpu.memory_space<hbm>>
    %dma_start3A_11 = tpu.memref_squeeze %dma_start3A_10 : memref<1x125x80xi32, #tpu.memory_space<hbm>> -> memref<125x80xi32, #tpu.memory_space<hbm>>
    tpu.enqueue_dma source(%dma_start3A_11 : memref<125x80xi32, #tpu.memory_space<hbm>>) target(%arg9 : memref<125x80xi32, #tpu.memory_space<vmem>>) target_semaphore(%arg12 : memref<!tpu.dma_semaphore, #tpu.memory_space<semaphore_mem>>)
    %eq3A = arith.constant 0 : i32
    %eq3A_12 = arith.cmpi eq, %arg0, %eq3A : i32
    %lt3A = arith.constant 15 : i32
    %lt3A_13 = arith.cmpi slt, %arg1, %lt3A : i32
    %and3A = arith.andi %eq3A_12, %lt3A_13 : i1
    %convert_element_type3A = arith.extui %and3A : i1 to i32
    %cond3A = arith.constant 0 : i32
    %cond3A_14 = arith.cmpi ne, %convert_element_type3A, %cond3A : i32
    scf.if %cond3A_14 {
      %mul3A_109 = arith.constant 632 : i32
      %mul3A_110 = arith.muli %arg1, %mul3A_109 : i32
      %mul3A_111 = arith.constant 632 : i32
      %mul3A_112 = arith.muli %arg1, %mul3A_111 : i32
      "tpu.region"() ({
        %run_scoped3A = tpu.sem_alloc : memref<!tpu.dma_semaphore, #tpu.memory_space<semaphore_mem>>
        %dma_start3A_113 = arith.constant 0 : i32
        %dma_start3A_114 = tpu.memref_slice %arg7[%mul3A_112, %dma_start3A_113] : memref<10000x128xf32, #tpu.memory_space<vmem_shared>> -> memref<632x128xf32, #tpu.memory_space<vmem_shared>>
        %dma_start3A_115 = arith.constant 0 : i32
        %dma_start3A_116 = tpu.memref_slice %arg2[%mul3A_110, %dma_start3A_115] : memref<10000x128xf32, #tpu.memory_space<hbm>> -> memref<632x128xf32, #tpu.memory_space<hbm>>
        tpu.enqueue_dma source(%dma_start3A_116 : memref<632x128xf32, #tpu.memory_space<hbm>>) target(%dma_start3A_114 : memref<632x128xf32, #tpu.memory_space<vmem_shared>>) target_semaphore(%run_scoped3A : memref<!tpu.dma_semaphore, #tpu.memory_space<semaphore_mem>>)
        %dma_wait3A_117 = arith.constant 0 : i32
        %dma_wait3A_118 = tpu.memref_slice %arg7[%mul3A_112, %dma_wait3A_117] : memref<10000x128xf32, #tpu.memory_space<vmem_shared>> -> memref<632x128xf32, #tpu.memory_space<vmem_shared>>
        %dma_wait3A_119 = arith.constant 0 : i32
        %dma_wait3A_120 = tpu.memref_slice %arg2[%mul3A_110, %dma_wait3A_119] : memref<10000x128xf32, #tpu.memory_space<hbm>> -> memref<632x128xf32, #tpu.memory_space<hbm>>
        tpu.wait_dma2 semaphore(%run_scoped3A : memref<!tpu.dma_semaphore, #tpu.memory_space<semaphore_mem>>) src(%dma_wait3A_120 : memref<632x128xf32, #tpu.memory_space<hbm>>) dst(%dma_wait3A_118 : memref<632x128xf32, #tpu.memory_space<vmem_shared>>)
        tpu.yield
      }) : () -> ()
    } else {
    }
    %eq3A_15 = arith.constant 0 : i32
    %eq3A_16 = arith.cmpi eq, %arg0, %eq3A_15 : i32
    %eq3A_17 = arith.constant 15 : i32
    %eq3A_18 = arith.cmpi eq, %arg1, %eq3A_17 : i32
    %and3A_19 = arith.andi %eq3A_16, %eq3A_18 : i1
    %convert_element_type3A_20 = arith.extui %and3A_19 : i1 to i32
    %cond3A_21 = arith.constant 0 : i32
    %cond3A_22 = arith.cmpi ne, %convert_element_type3A_20, %cond3A_21 : i32
    scf.if %cond3A_22 {
      "tpu.region"() ({
        %run_scoped3A = tpu.sem_alloc : memref<!tpu.dma_semaphore, #tpu.memory_space<semaphore_mem>>
        %dma_start3A_109 = arith.constant 9480 : i32
        %dma_start3A_110 = arith.constant 0 : i32
        %dma_start3A_111 = tpu.memref_slice %arg7[%dma_start3A_109, %dma_start3A_110] : memref<10000x128xf32, #tpu.memory_space<vmem_shared>> -> memref<520x128xf32, #tpu.memory_space<vmem_shared>>
        %dma_start3A_112 = arith.constant 9480 : i32
        %dma_start3A_113 = arith.constant 0 : i32
        %dma_start3A_114 = tpu.memref_slice %arg2[%dma_start3A_112, %dma_start3A_113] : memref<10000x128xf32, #tpu.memory_space<hbm>> -> memref<520x128xf32, #tpu.memory_space<hbm>>
        tpu.enqueue_dma source(%dma_start3A_114 : memref<520x128xf32, #tpu.memory_space<hbm>>) target(%dma_start3A_111 : memref<520x128xf32, #tpu.memory_space<vmem_shared>>) target_semaphore(%run_scoped3A : memref<!tpu.dma_semaphore, #tpu.memory_space<semaphore_mem>>)
        %dma_wait3A_115 = arith.constant 9480 : i32
        %dma_wait3A_116 = arith.constant 0 : i32
        %dma_wait3A_117 = tpu.memref_slice %arg7[%dma_wait3A_115, %dma_wait3A_116] : memref<10000x128xf32, #tpu.memory_space<vmem_shared>> -> memref<520x128xf32, #tpu.memory_space<vmem_shared>>
        %dma_wait3A_118 = arith.constant 9480 : i32
        %dma_wait3A_119 = arith.constant 0 : i32
        %dma_wait3A_120 = tpu.memref_slice %arg2[%dma_wait3A_118, %dma_wait3A_119] : memref<10000x128xf32, #tpu.memory_space<hbm>> -> memref<520x128xf32, #tpu.memory_space<hbm>>
        tpu.wait_dma2 semaphore(%run_scoped3A : memref<!tpu.dma_semaphore, #tpu.memory_space<semaphore_mem>>) src(%dma_wait3A_120 : memref<520x128xf32, #tpu.memory_space<hbm>>) dst(%dma_wait3A_117 : memref<520x128xf32, #tpu.memory_space<vmem_shared>>)
        tpu.yield
      }) : () -> ()
    } else {
    }
    %eq3A_23 = arith.constant 1 : i32
    %eq3A_24 = arith.cmpi eq, %arg0, %eq3A_23 : i32
    %lt3A_25 = arith.constant 15 : i32
    %lt3A_26 = arith.cmpi slt, %arg1, %lt3A_25 : i32
    %and3A_27 = arith.andi %eq3A_24, %lt3A_26 : i1
    %convert_element_type3A_28 = arith.extui %and3A_27 : i1 to i32
    %cond3A_29 = arith.constant 0 : i32
    %cond3A_30 = arith.cmpi ne, %convert_element_type3A_28, %cond3A_29 : i32
    scf.if %cond3A_30 {
      %mul3A_109 = arith.constant 632 : i32
      %mul3A_110 = arith.muli %arg1, %mul3A_109 : i32
      "tpu.region"() ({
        %run_scoped3A = tpu.sem_alloc : memref<!tpu.dma_semaphore, #tpu.memory_space<semaphore_mem>>
        %dma_start3A_111 = arith.constant 0 : i32
        %dma_start3A_112 = tpu.memref_slice %arg7[%mul3A_110, %dma_start3A_111] : memref<10000x128xf32, #tpu.memory_space<vmem_shared>> -> memref<632x128xf32, #tpu.memory_space<vmem_shared>>
        tpu.enqueue_dma source(%arg3 : memref<632x128xf32, #tpu.memory_space<hbm>>) target(%dma_start3A_112 : memref<632x128xf32, #tpu.memory_space<vmem_shared>>) target_semaphore(%run_scoped3A : memref<!tpu.dma_semaphore, #tpu.memory_space<semaphore_mem>>)
        %dma_wait3A_113 = arith.constant 0 : i32
        %dma_wait3A_114 = tpu.memref_slice %arg7[%mul3A_110, %dma_wait3A_113] : memref<10000x128xf32, #tpu.memory_space<vmem_shared>> -> memref<632x128xf32, #tpu.memory_space<vmem_shared>>
        tpu.wait_dma2 semaphore(%run_scoped3A : memref<!tpu.dma_semaphore, #tpu.memory_space<semaphore_mem>>) src(%arg3 : memref<632x128xf32, #tpu.memory_space<hbm>>) dst(%dma_wait3A_114 : memref<632x128xf32, #tpu.memory_space<vmem_shared>>)
        tpu.yield
      }) : () -> ()
    } else {
    }
    %eq3A_31 = arith.constant 1 : i32
    %eq3A_32 = arith.cmpi eq, %arg0, %eq3A_31 : i32
    %eq3A_33 = arith.constant 15 : i32
    %eq3A_34 = arith.cmpi eq, %arg1, %eq3A_33 : i32
    %and3A_35 = arith.andi %eq3A_32, %eq3A_34 : i1
    %convert_element_type3A_36 = arith.extui %and3A_35 : i1 to i32
    %cond3A_37 = arith.constant 0 : i32
    %cond3A_38 = arith.cmpi ne, %convert_element_type3A_36, %cond3A_37 : i32
    scf.if %cond3A_38 {
      "tpu.region"() ({
        %run_scoped3A = tpu.sem_alloc : memref<!tpu.dma_semaphore, #tpu.memory_space<semaphore_mem>>
        %dma_start3A_109 = arith.constant 9480 : i32
        %dma_start3A_110 = arith.constant 0 : i32
        %dma_start3A_111 = tpu.memref_slice %arg7[%dma_start3A_109, %dma_start3A_110] : memref<10000x128xf32, #tpu.memory_space<vmem_shared>> -> memref<520x128xf32, #tpu.memory_space<vmem_shared>>
        %dma_start3A_112 = arith.constant 0 : i32
        %dma_start3A_113 = arith.constant 0 : i32
        %dma_start3A_114 = tpu.memref_slice %arg3[%dma_start3A_112, %dma_start3A_113] : memref<632x128xf32, #tpu.memory_space<hbm>> -> memref<520x128xf32, #tpu.memory_space<hbm>>
        tpu.enqueue_dma source(%dma_start3A_114 : memref<520x128xf32, #tpu.memory_space<hbm>>) target(%dma_start3A_111 : memref<520x128xf32, #tpu.memory_space<vmem_shared>>) target_semaphore(%run_scoped3A : memref<!tpu.dma_semaphore, #tpu.memory_space<semaphore_mem>>)
        %dma_wait3A_115 = arith.constant 9480 : i32
        %dma_wait3A_116 = arith.constant 0 : i32
        %dma_wait3A_117 = tpu.memref_slice %arg7[%dma_wait3A_115, %dma_wait3A_116] : memref<10000x128xf32, #tpu.memory_space<vmem_shared>> -> memref<520x128xf32, #tpu.memory_space<vmem_shared>>
        %dma_wait3A_118 = arith.constant 0 : i32
        %dma_wait3A_119 = arith.constant 0 : i32
        %dma_wait3A_120 = tpu.memref_slice %arg3[%dma_wait3A_118, %dma_wait3A_119] : memref<632x128xf32, #tpu.memory_space<hbm>> -> memref<520x128xf32, #tpu.memory_space<hbm>>
        tpu.wait_dma2 semaphore(%run_scoped3A : memref<!tpu.dma_semaphore, #tpu.memory_space<semaphore_mem>>) src(%dma_wait3A_120 : memref<520x128xf32, #tpu.memory_space<hbm>>) dst(%dma_wait3A_117 : memref<520x128xf32, #tpu.memory_space<vmem_shared>>)
        tpu.yield
      }) : () -> ()
    } else {
    }
    %dma_wait3A = tpu.memref_slice %arg4[%mul3A_2] : memref<320000xi32, #tpu.memory_space<hbm>> -> memref<10000xi32, #tpu.memory_space<hbm>>
    %dma_wait3A_39 = tpu.memref_slice %arg4[%mul3A_2] : memref<320000xi32, #tpu.memory_space<hbm>> -> memref<10000xi32, #tpu.memory_space<hbm>>
    tpu.wait_dma2 semaphore(%arg11 : memref<!tpu.dma_semaphore, #tpu.memory_space<semaphore_mem>>) src(%dma_wait3A_39 : memref<10000xi32, #tpu.memory_space<hbm>>) dst(%arg8 : memref<10000xi32, #tpu.memory_space<vmem>>)
    %dma_wait3A_40 = arith.constant 0 : i32
    %dma_wait3A_41 = arith.constant 0 : i32
    %dma_wait3A_42 = tpu.memref_slice %arg5[%add3A, %dma_wait3A_40, %dma_wait3A_41] : memref<32x125x80xi32, #tpu.memory_space<hbm>> -> memref<1x125x80xi32, #tpu.memory_space<hbm>>
    %dma_wait3A_43 = tpu.memref_squeeze %dma_wait3A_42 : memref<1x125x80xi32, #tpu.memory_space<hbm>> -> memref<125x80xi32, #tpu.memory_space<hbm>>
    %dma_wait3A_44 = arith.constant 0 : i32
    %dma_wait3A_45 = arith.constant 0 : i32
    %dma_wait3A_46 = tpu.memref_slice %arg5[%add3A, %dma_wait3A_44, %dma_wait3A_45] : memref<32x125x80xi32, #tpu.memory_space<hbm>> -> memref<1x125x80xi32, #tpu.memory_space<hbm>>
    %dma_wait3A_47 = tpu.memref_squeeze %dma_wait3A_46 : memref<1x125x80xi32, #tpu.memory_space<hbm>> -> memref<125x80xi32, #tpu.memory_space<hbm>>
    tpu.wait_dma2 semaphore(%arg12 : memref<!tpu.dma_semaphore, #tpu.memory_space<semaphore_mem>>) src(%dma_wait3A_47 : memref<125x80xi32, #tpu.memory_space<hbm>>) dst(%arg9 : memref<125x80xi32, #tpu.memory_space<vmem>>)
    %barrier3A = arith.constant 0 : index
    tpu.barrier barrier_id(%barrier3A)
    %dma_start3A_48 = arith.constant 0 : i32
    %dma_start3A_49 = arith.constant 0 : i32
    %dma_start3A_50 = arith.constant 0 : i32
    %dma_start3A_51 = tpu.memref_slice %arg10[%dma_start3A_48, %dma_start3A_49, %dma_start3A_50] : memref<3x80x128xf32, #tpu.memory_space<vmem>> -> memref<1x80x128xf32, #tpu.memory_space<vmem>>
    %dma_start3A_52 = tpu.memref_squeeze %dma_start3A_51 : memref<1x80x128xf32, #tpu.memory_space<vmem>> -> memref<80x128xf32, #tpu.memory_space<vmem>>
    %dma_start3A_53 = arith.constant 0 : i32
    %dma_start3A_54 = tpu.memref_slice %arg8[%dma_start3A_53] : memref<10000xi32, #tpu.memory_space<vmem>> -> memref<80xi32, #tpu.memory_space<vmem>>
    %dma_start3A_55 = arith.constant 0 : i32
    %dma_start3A_56 = arith.constant 0 : i32
    %dma_start3A_57 = tpu.memref_slice %arg2[%dma_start3A_55, %dma_start3A_56] : memref<10000x128xf32, #tpu.memory_space<hbm>> -> memref<10000x128xf32, #tpu.memory_space<hbm>>
    tpu.enqueue_indirect_dma source(%dma_start3A_57 : memref<10000x128xf32, #tpu.memory_space<hbm>>) target(%dma_start3A_52 : memref<80x128xf32, #tpu.memory_space<vmem>>) offsets(%dma_start3A_54 : memref<80xi32, #tpu.memory_space<vmem>>) semaphore(%arg11 : memref<!tpu.dma_semaphore, #tpu.memory_space<semaphore_mem>>)
    %dma_start3A_58 = arith.constant 1 : i32
    %dma_start3A_59 = arith.constant 0 : i32
    %dma_start3A_60 = arith.constant 0 : i32
    %dma_start3A_61 = tpu.memref_slice %arg10[%dma_start3A_58, %dma_start3A_59, %dma_start3A_60] : memref<3x80x128xf32, #tpu.memory_space<vmem>> -> memref<1x80x128xf32, #tpu.memory_space<vmem>>
    %dma_start3A_62 = tpu.memref_squeeze %dma_start3A_61 : memref<1x80x128xf32, #tpu.memory_space<vmem>> -> memref<80x128xf32, #tpu.memory_space<vmem>>
    %dma_start3A_63 = arith.constant 80 : i32
    %dma_start3A_64 = tpu.memref_slice %arg8[%dma_start3A_63] : memref<10000xi32, #tpu.memory_space<vmem>> -> memref<80xi32, #tpu.memory_space<vmem>>
    %dma_start3A_65 = arith.constant 0 : i32
    %dma_start3A_66 = arith.constant 0 : i32
    %dma_start3A_67 = tpu.memref_slice %arg2[%dma_start3A_65, %dma_start3A_66] : memref<10000x128xf32, #tpu.memory_space<hbm>> -> memref<10000x128xf32, #tpu.memory_space<hbm>>
    tpu.enqueue_indirect_dma source(%dma_start3A_67 : memref<10000x128xf32, #tpu.memory_space<hbm>>) target(%dma_start3A_62 : memref<80x128xf32, #tpu.memory_space<vmem>>) offsets(%dma_start3A_64 : memref<80xi32, #tpu.memory_space<vmem>>) semaphore(%arg11 : memref<!tpu.dma_semaphore, #tpu.memory_space<semaphore_mem>>)
    %scan3A = arith.constant 0 : i32
    %scan3A_68 = arith.constant 0 : i32
    %scan3A_69 = arith.constant 125 : i32
    %scan3A_70 = arith.addi %scan3A_68, %scan3A_69 : i32
    %scan3A_71 = arith.constant 1 : i32
    %scan3A_72 = scf.for %scan3A_109 = %scan3A_68 to %scan3A_70 step %scan3A_71 iter_args(%scan3A_110 = %scan3A) -> (i32)  : i32 {
      %rem3A = arith.constant 3 : i32
      %rem3A_111 = arith.remsi %scan3A_109, %rem3A : i32
      %mul3A_112 = arith.constant 80 : i32
      %mul3A_113 = arith.muli %scan3A_109, %mul3A_112 : i32
      %dma_wait3A_114 = arith.constant 0 : i32
      %dma_wait3A_115 = arith.constant 0 : i32
      %dma_wait3A_116 = tpu.memref_slice %arg10[%rem3A_111, %dma_wait3A_114, %dma_wait3A_115] : memref<3x80x128xf32, #tpu.memory_space<vmem>> -> memref<1x80x128xf32, #tpu.memory_space<vmem>>
      %dma_wait3A_117 = tpu.memref_squeeze %dma_wait3A_116 : memref<1x80x128xf32, #tpu.memory_space<vmem>> -> memref<80x128xf32, #tpu.memory_space<vmem>>
      %dma_wait3A_118 = tpu.memref_slice %arg8[%mul3A_113] : memref<10000xi32, #tpu.memory_space<vmem>> -> memref<80xi32, #tpu.memory_space<vmem>>
      %dma_wait3A_119 = arith.constant 0 : i32
      %dma_wait3A_120 = arith.constant 0 : i32
      %dma_wait3A_121 = tpu.memref_slice %arg2[%dma_wait3A_119, %dma_wait3A_120] : memref<10000x128xf32, #tpu.memory_space<hbm>> -> memref<10000x128xf32, #tpu.memory_space<hbm>>
      tpu.wait_indirect_dma semaphore(%arg11 : memref<!tpu.dma_semaphore, #tpu.memory_space<semaphore_mem>>) src(%dma_wait3A_121 : memref<10000x128xf32, #tpu.memory_space<hbm>>) dst(%dma_wait3A_117 : memref<80x128xf32, #tpu.memory_space<vmem>>)
      %ge3A = arith.constant 2 : i32
      %ge3A_122 = arith.cmpi sge, %scan3A_109, %ge3A : i32
      %convert_element_type3A_123 = arith.extui %ge3A_122 : i1 to i32
      %cond3A_124 = arith.constant 0 : i32
      %cond3A_125 = arith.cmpi ne, %convert_element_type3A_123, %cond3A_124 : i32
      scf.if %cond3A_125 {
        %add3A_145 = arith.constant 1 : i32
        %add3A_146 = arith.addi %scan3A_109, %add3A_145 : i32
        %rem3A_147 = arith.constant 3 : i32
        %rem3A_148 = arith.remsi %add3A_146, %rem3A_147 : i32
        %sub3A_149 = arith.constant 2 : i32
        %sub3A_150 = arith.subi %scan3A_109, %sub3A_149 : i32
        %dma_wait3A_151 = arith.constant 0 : i32
        %dma_wait3A_152 = arith.constant 0 : i32
        %dma_wait3A_153 = tpu.memref_slice %arg10[%rem3A_148, %dma_wait3A_151, %dma_wait3A_152] : memref<3x80x128xf32, #tpu.memory_space<vmem>> -> memref<1x80x128xf32, #tpu.memory_space<vmem>>
        %dma_wait3A_154 = tpu.memref_squeeze %dma_wait3A_153 : memref<1x80x128xf32, #tpu.memory_space<vmem>> -> memref<80x128xf32, #tpu.memory_space<vmem>>
        %dma_wait3A_155 = arith.constant 0 : i32
        %dma_wait3A_156 = tpu.memref_slice %arg9[%sub3A_150, %dma_wait3A_155] : memref<125x80xi32, #tpu.memory_space<vmem>> -> memref<1x80xi32, #tpu.memory_space<vmem>>
        %dma_wait3A_157 = tpu.memref_squeeze %dma_wait3A_156 : memref<1x80xi32, #tpu.memory_space<vmem>> -> memref<80xi32, #tpu.memory_space<vmem>>
        %dma_wait3A_158 = arith.constant 0 : i32
        %dma_wait3A_159 = arith.constant 0 : i32
        %dma_wait3A_160 = tpu.memref_slice %arg7[%dma_wait3A_158, %dma_wait3A_159] : memref<10000x128xf32, #tpu.memory_space<vmem_shared>> -> memref<10000x128xf32, #tpu.memory_space<vmem_shared>>
        tpu.wait_indirect_dma semaphore(%arg12 : memref<!tpu.dma_semaphore, #tpu.memory_space<semaphore_mem>>) src(%dma_wait3A_154 : memref<80x128xf32, #tpu.memory_space<vmem>>) dst(%dma_wait3A_160 : memref<10000x128xf32, #tpu.memory_space<vmem_shared>>)
      } else {
      }
      %add3A_126 = arith.constant 3 : i32
      %add3A_127 = arith.addi %scan3A_109, %add3A_126 : i32
      %sub3A = arith.constant 1 : i32
      %sub3A_128 = arith.subi %add3A_127, %sub3A : i32
      %lt3A_129 = arith.constant 125 : i32
      %lt3A_130 = arith.cmpi slt, %sub3A_128, %lt3A_129 : i32
      %convert_element_type3A_131 = arith.extui %lt3A_130 : i1 to i32
      %cond3A_132 = arith.constant 0 : i32
      %cond3A_133 = arith.cmpi ne, %convert_element_type3A_131, %cond3A_132 : i32
      scf.if %cond3A_133 {
        %add3A_145 = arith.constant 3 : i32
        %add3A_146 = arith.addi %scan3A_109, %add3A_145 : i32
        %sub3A_147 = arith.constant 1 : i32
        %sub3A_148 = arith.subi %add3A_146, %sub3A_147 : i32
        %mul3A_149 = arith.constant 80 : i32
        %mul3A_150 = arith.muli %sub3A_148, %mul3A_149 : i32
        %add3A_151 = arith.constant 3 : i32
        %add3A_152 = arith.addi %scan3A_109, %add3A_151 : i32
        %sub3A_153 = arith.constant 1 : i32
        %sub3A_154 = arith.subi %add3A_152, %sub3A_153 : i32
        %rem3A_155 = arith.constant 3 : i32
        %rem3A_156 = arith.remsi %sub3A_154, %rem3A_155 : i32
        %dma_start3A_157 = arith.constant 0 : i32
        %dma_start3A_158 = arith.constant 0 : i32
        %dma_start3A_159 = tpu.memref_slice %arg10[%rem3A_156, %dma_start3A_157, %dma_start3A_158] : memref<3x80x128xf32, #tpu.memory_space<vmem>> -> memref<1x80x128xf32, #tpu.memory_space<vmem>>
        %dma_start3A_160 = tpu.memref_squeeze %dma_start3A_159 : memref<1x80x128xf32, #tpu.memory_space<vmem>> -> memref<80x128xf32, #tpu.memory_space<vmem>>
        %dma_start3A_161 = tpu.memref_slice %arg8[%mul3A_150] : memref<10000xi32, #tpu.memory_space<vmem>> -> memref<80xi32, #tpu.memory_space<vmem>>
        %dma_start3A_162 = arith.constant 0 : i32
        %dma_start3A_163 = arith.constant 0 : i32
        %dma_start3A_164 = tpu.memref_slice %arg2[%dma_start3A_162, %dma_start3A_163] : memref<10000x128xf32, #tpu.memory_space<hbm>> -> memref<10000x128xf32, #tpu.memory_space<hbm>>
        tpu.enqueue_indirect_dma source(%dma_start3A_164 : memref<10000x128xf32, #tpu.memory_space<hbm>>) target(%dma_start3A_160 : memref<80x128xf32, #tpu.memory_space<vmem>>) offsets(%dma_start3A_161 : memref<80xi32, #tpu.memory_space<vmem>>) semaphore(%arg11 : memref<!tpu.dma_semaphore, #tpu.memory_space<semaphore_mem>>)
      } else {
      }
      %dma_start3A_134 = arith.constant 0 : i32
      %dma_start3A_135 = arith.constant 0 : i32
      %dma_start3A_136 = tpu.memref_slice %arg10[%rem3A_111, %dma_start3A_134, %dma_start3A_135] : memref<3x80x128xf32, #tpu.memory_space<vmem>> -> memref<1x80x128xf32, #tpu.memory_space<vmem>>
      %dma_start3A_137 = tpu.memref_squeeze %dma_start3A_136 : memref<1x80x128xf32, #tpu.memory_space<vmem>> -> memref<80x128xf32, #tpu.memory_space<vmem>>
      %dma_start3A_138 = arith.constant 0 : i32
      %dma_start3A_139 = tpu.memref_slice %arg9[%scan3A_109, %dma_start3A_138] : memref<125x80xi32, #tpu.memory_space<vmem>> -> memref<1x80xi32, #tpu.memory_space<vmem>>
      %dma_start3A_140 = tpu.memref_squeeze %dma_start3A_139 : memref<1x80xi32, #tpu.memory_space<vmem>> -> memref<80xi32, #tpu.memory_space<vmem>>
      %dma_start3A_141 = arith.constant 0 : i32
      %dma_start3A_142 = arith.constant 0 : i32
      %dma_start3A_143 = tpu.memref_slice %arg7[%dma_start3A_141, %dma_start3A_142] : memref<10000x128xf32, #tpu.memory_space<vmem_shared>> -> memref<10000x128xf32, #tpu.memory_space<vmem_shared>>
      tpu.enqueue_indirect_dma source(%dma_start3A_137 : memref<80x128xf32, #tpu.memory_space<vmem>>) target(%dma_start3A_143 : memref<10000x128xf32, #tpu.memory_space<vmem_shared>>) offsets(%dma_start3A_140 : memref<80xi32, #tpu.memory_space<vmem>>) semaphore(%arg12 : memref<!tpu.dma_semaphore, #tpu.memory_space<semaphore_mem>>) {add = true}
      %scan3A_144 = arith.constant 0 : i32
      scf.yield %scan3A_144 : i32
    }
    %scan3A_73 = arith.constant 125 : i32
    %dma_wait3A_74 = arith.constant 0 : i32
    %dma_wait3A_75 = arith.constant 123 : i32
    %dma_wait3A_76 = arith.constant 0 : i32
    %dma_wait3A_77 = arith.constant 0 : i32
    %dma_wait3A_78 = tpu.memref_slice %arg10[%dma_wait3A_74, %dma_wait3A_76, %dma_wait3A_77] : memref<3x80x128xf32, #tpu.memory_space<vmem>> -> memref<1x80x128xf32, #tpu.memory_space<vmem>>
    %dma_wait3A_79 = tpu.memref_squeeze %dma_wait3A_78 : memref<1x80x128xf32, #tpu.memory_space<vmem>> -> memref<80x128xf32, #tpu.memory_space<vmem>>
    %dma_wait3A_80 = arith.constant 0 : i32
    %dma_wait3A_81 = tpu.memref_slice %arg9[%dma_wait3A_75, %dma_wait3A_80] : memref<125x80xi32, #tpu.memory_space<vmem>> -> memref<1x80xi32, #tpu.memory_space<vmem>>
    %dma_wait3A_82 = tpu.memref_squeeze %dma_wait3A_81 : memref<1x80xi32, #tpu.memory_space<vmem>> -> memref<80xi32, #tpu.memory_space<vmem>>
    %dma_wait3A_83 = arith.constant 0 : i32
    %dma_wait3A_84 = arith.constant 0 : i32
    %dma_wait3A_85 = tpu.memref_slice %arg7[%dma_wait3A_83, %dma_wait3A_84] : memref<10000x128xf32, #tpu.memory_space<vmem_shared>> -> memref<10000x128xf32, #tpu.memory_space<vmem_shared>>
    tpu.wait_indirect_dma semaphore(%arg12 : memref<!tpu.dma_semaphore, #tpu.memory_space<semaphore_mem>>) src(%dma_wait3A_79 : memref<80x128xf32, #tpu.memory_space<vmem>>) dst(%dma_wait3A_85 : memref<10000x128xf32, #tpu.memory_space<vmem_shared>>)
    %dma_wait3A_86 = arith.constant 1 : i32
    %dma_wait3A_87 = arith.constant 124 : i32
    %dma_wait3A_88 = arith.constant 0 : i32
    %dma_wait3A_89 = arith.constant 0 : i32
    %dma_wait3A_90 = tpu.memref_slice %arg10[%dma_wait3A_86, %dma_wait3A_88, %dma_wait3A_89] : memref<3x80x128xf32, #tpu.memory_space<vmem>> -> memref<1x80x128xf32, #tpu.memory_space<vmem>>
    %dma_wait3A_91 = tpu.memref_squeeze %dma_wait3A_90 : memref<1x80x128xf32, #tpu.memory_space<vmem>> -> memref<80x128xf32, #tpu.memory_space<vmem>>
    %dma_wait3A_92 = arith.constant 0 : i32
    %dma_wait3A_93 = tpu.memref_slice %arg9[%dma_wait3A_87, %dma_wait3A_92] : memref<125x80xi32, #tpu.memory_space<vmem>> -> memref<1x80xi32, #tpu.memory_space<vmem>>
    %dma_wait3A_94 = tpu.memref_squeeze %dma_wait3A_93 : memref<1x80xi32, #tpu.memory_space<vmem>> -> memref<80xi32, #tpu.memory_space<vmem>>
    %dma_wait3A_95 = arith.constant 0 : i32
    %dma_wait3A_96 = arith.constant 0 : i32
    %dma_wait3A_97 = tpu.memref_slice %arg7[%dma_wait3A_95, %dma_wait3A_96] : memref<10000x128xf32, #tpu.memory_space<vmem_shared>> -> memref<10000x128xf32, #tpu.memory_space<vmem_shared>>
    tpu.wait_indirect_dma semaphore(%arg12 : memref<!tpu.dma_semaphore, #tpu.memory_space<semaphore_mem>>) src(%dma_wait3A_91 : memref<80x128xf32, #tpu.memory_space<vmem>>) dst(%dma_wait3A_97 : memref<10000x128xf32, #tpu.memory_space<vmem_shared>>)
    %barrier3A_98 = arith.constant 0 : index
    tpu.barrier barrier_id(%barrier3A_98)
    %lt3A_99 = arith.constant 15 : i32
    %lt3A_100 = arith.cmpi slt, %arg1, %lt3A_99 : i32
    %convert_element_type3A_101 = arith.extui %lt3A_100 : i1 to i32
    %cond3A_102 = arith.constant 0 : i32
    %cond3A_103 = arith.cmpi ne, %convert_element_type3A_101, %cond3A_102 : i32
    scf.if %cond3A_103 {
      %mul3A_109 = arith.constant 632 : i32
      %mul3A_110 = arith.muli %arg1, %mul3A_109 : i32
      %mul3A_111 = arith.constant 10000 : i32
      %mul3A_112 = arith.muli %arg0, %mul3A_111 : i32
      %mul3A_113 = arith.constant 632 : i32
      %mul3A_114 = arith.muli %arg1, %mul3A_113 : i32
      %add3A_115 = arith.addi %mul3A_112, %mul3A_114 : i32
      "tpu.region"() ({
        %run_scoped3A = tpu.sem_alloc : memref<!tpu.dma_semaphore, #tpu.memory_space<semaphore_mem>>
        %dma_start3A_116 = arith.constant 0 : i32
        %dma_start3A_117 = tpu.memref_slice %arg6[%add3A_115, %dma_start3A_116] : memref<20000x128xf32, #tpu.memory_space<hbm>> -> memref<632x128xf32, #tpu.memory_space<hbm>>
        %dma_start3A_118 = arith.constant 0 : i32
        %dma_start3A_119 = tpu.memref_slice %arg7[%mul3A_110, %dma_start3A_118] : memref<10000x128xf32, #tpu.memory_space<vmem_shared>> -> memref<632x128xf32, #tpu.memory_space<vmem_shared>>
        tpu.enqueue_dma source(%dma_start3A_119 : memref<632x128xf32, #tpu.memory_space<vmem_shared>>) target(%dma_start3A_117 : memref<632x128xf32, #tpu.memory_space<hbm>>) target_semaphore(%run_scoped3A : memref<!tpu.dma_semaphore, #tpu.memory_space<semaphore_mem>>)
        %dma_wait3A_120 = arith.constant 0 : i32
        %dma_wait3A_121 = tpu.memref_slice %arg6[%add3A_115, %dma_wait3A_120] : memref<20000x128xf32, #tpu.memory_space<hbm>> -> memref<632x128xf32, #tpu.memory_space<hbm>>
        %dma_wait3A_122 = arith.constant 0 : i32
        %dma_wait3A_123 = tpu.memref_slice %arg7[%mul3A_110, %dma_wait3A_122] : memref<10000x128xf32, #tpu.memory_space<vmem_shared>> -> memref<632x128xf32, #tpu.memory_space<vmem_shared>>
        tpu.wait_dma2 semaphore(%run_scoped3A : memref<!tpu.dma_semaphore, #tpu.memory_space<semaphore_mem>>) src(%dma_wait3A_123 : memref<632x128xf32, #tpu.memory_space<vmem_shared>>) dst(%dma_wait3A_121 : memref<632x128xf32, #tpu.memory_space<hbm>>)
        tpu.yield
      }) : () -> ()
    } else {
    }
    %eq3A_104 = arith.constant 15 : i32
    %eq3A_105 = arith.cmpi eq, %arg1, %eq3A_104 : i32
    %convert_element_type3A_106 = arith.extui %eq3A_105 : i1 to i32
    %cond3A_107 = arith.constant 0 : i32
    %cond3A_108 = arith.cmpi ne, %convert_element_type3A_106, %cond3A_107 : i32
    scf.if %cond3A_108 {
      %mul3A_109 = arith.constant 10000 : i32
      %mul3A_110 = arith.muli %arg0, %mul3A_109 : i32
      %add3A_111 = arith.constant 9480 : i32
      %add3A_112 = arith.addi %mul3A_110, %add3A_111 : i32
      "tpu.region"() ({
        %run_scoped3A = tpu.sem_alloc : memref<!tpu.dma_semaphore, #tpu.memory_space<semaphore_mem>>
        %dma_start3A_113 = arith.constant 0 : i32
        %dma_start3A_114 = tpu.memref_slice %arg6[%add3A_112, %dma_start3A_113] : memref<20000x128xf32, #tpu.memory_space<hbm>> -> memref<520x128xf32, #tpu.memory_space<hbm>>
        %dma_start3A_115 = arith.constant 9480 : i32
        %dma_start3A_116 = arith.constant 0 : i32
        %dma_start3A_117 = tpu.memref_slice %arg7[%dma_start3A_115, %dma_start3A_116] : memref<10000x128xf32, #tpu.memory_space<vmem_shared>> -> memref<520x128xf32, #tpu.memory_space<vmem_shared>>
        tpu.enqueue_dma source(%dma_start3A_117 : memref<520x128xf32, #tpu.memory_space<vmem_shared>>) target(%dma_start3A_114 : memref<520x128xf32, #tpu.memory_space<hbm>>) target_semaphore(%run_scoped3A : memref<!tpu.dma_semaphore, #tpu.memory_space<semaphore_mem>>)
        %dma_wait3A_118 = arith.constant 0 : i32
        %dma_wait3A_119 = tpu.memref_slice %arg6[%add3A_112, %dma_wait3A_118] : memref<20000x128xf32, #tpu.memory_space<hbm>> -> memref<520x128xf32, #tpu.memory_space<hbm>>
        %dma_wait3A_120 = arith.constant 9480 : i32
        %dma_wait3A_121 = arith.constant 0 : i32
        %dma_wait3A_122 = tpu.memref_slice %arg7[%dma_wait3A_120, %dma_wait3A_121] : memref<10000x128xf32, #tpu.memory_space<vmem_shared>> -> memref<520x128xf32, #tpu.memory_space<vmem_shared>>
        tpu.wait_dma2 semaphore(%run_scoped3A : memref<!tpu.dma_semaphore, #tpu.memory_space<semaphore_mem>>) src(%dma_wait3A_122 : memref<520x128xf32, #tpu.memory_space<vmem_shared>>) dst(%dma_wait3A_119 : memref<520x128xf32, #tpu.memory_space<hbm>>)
        tpu.yield
      }) : () -> ()
    } else {
    }
    return
  }
}

#map = affine_map<(d0, d1) -> (0, 0)>
#map1 = affine_map<(d0, d1) -> (0)>
#map2 = affine_map<(d0, d1) -> (0, 0, 0)>
module attributes {stable_mosaic.version = 14 : i64} {
  func.func @_edge_body(%arg0: i32, %arg1: i32, %arg2: memref<10000x128xf32, #tpu.memory_space<hbm>>, %arg3: memref<632x128xf32, #tpu.memory_space<hbm>>, %arg4: memref<320000xi32, #tpu.memory_space<hbm>>, %arg5: memref<32x125x80xi32, #tpu.memory_space<hbm>>, %arg6: memref<20000x128xf32, #tpu.memory_space<hbm>>, %arg7: memref<10000x128xf32, #tpu.memory_space<vmem_shared>>, %arg8: memref<10000xi32, #tpu.memory_space<vmem>>, %arg9: memref<125x80xi32, #tpu.memory_space<vmem>>, %arg10: memref<3x80x128xf32, #tpu.memory_space<vmem>>, %arg11: memref<!tpu.dma_semaphore, #tpu.memory_space<semaphore_mem>>, %arg12: memref<!tpu.dma_semaphore, #tpu.memory_space<semaphore_mem>>) attributes {dimension_semantics = [#tpu.dimension_semantics<core_parallel>, #tpu.dimension_semantics<subcore_parallel>], iteration_bounds = array<i64: 2, 16>, scalar_prefetch = 0 : i64, scratch_operands = 6 : i64, tpu.core_type = #tpu.core_type<sc_vector_subcore>, window_params = [{transform_indices = #map}, {transform_indices = #map}, {transform_indices = #map1}, {transform_indices = #map2}, {transform_indices = #map}]} {
    %mul3A = arith.constant 16 : i32
    %mul3A_0 = arith.muli %arg0, %mul3A : i32
    %add3A = arith.addi %mul3A_0, %arg1 : i32
    %mul3A_1 = arith.constant 10000 : i32
    %mul3A_2 = arith.muli %add3A, %mul3A_1 : i32
    %dma_start3A = tpu.memref_slice %arg4[%mul3A_2] : memref<320000xi32, #tpu.memory_space<hbm>> -> memref<10000xi32, #tpu.memory_space<hbm>>
    %dma_start3A_3 = tpu.memref_slice %arg4[%mul3A_2] : memref<320000xi32, #tpu.memory_space<hbm>> -> memref<10000xi32, #tpu.memory_space<hbm>>
    tpu.enqueue_dma source(%dma_start3A_3 : memref<10000xi32, #tpu.memory_space<hbm>>) target(%arg8 : memref<10000xi32, #tpu.memory_space<vmem>>) target_semaphore(%arg11 : memref<!tpu.dma_semaphore, #tpu.memory_space<semaphore_mem>>)
    %dma_start3A_4 = arith.constant 0 : i32
    %dma_start3A_5 = arith.constant 0 : i32
    %dma_start3A_6 = tpu.memref_slice %arg5[%add3A, %dma_start3A_4, %dma_start3A_5] : memref<32x125x80xi32, #tpu.memory_space<hbm>> -> memref<1x125x80xi32, #tpu.memory_space<hbm>>
    %dma_start3A_7 = tpu.memref_squeeze %dma_start3A_6 : memref<1x125x80xi32, #tpu.memory_space<hbm>> -> memref<125x80xi32, #tpu.memory_space<hbm>>
    %dma_start3A_8 = arith.constant 0 : i32
    %dma_start3A_9 = arith.constant 0 : i32
    %dma_start3A_10 = tpu.memref_slice %arg5[%add3A, %dma_start3A_8, %dma_start3A_9] : memref<32x125x80xi32, #tpu.memory_space<hbm>> -> memref<1x125x80xi32, #tpu.memory_space<hbm>>
    %dma_start3A_11 = tpu.memref_squeeze %dma_start3A_10 : memref<1x125x80xi32, #tpu.memory_space<hbm>> -> memref<125x80xi32, #tpu.memory_space<hbm>>
    tpu.enqueue_dma source(%dma_start3A_11 : memref<125x80xi32, #tpu.memory_space<hbm>>) target(%arg9 : memref<125x80xi32, #tpu.memory_space<vmem>>) target_semaphore(%arg12 : memref<!tpu.dma_semaphore, #tpu.memory_space<semaphore_mem>>)
    %eq3A = arith.constant 0 : i32
    %eq3A_12 = arith.cmpi eq, %arg0, %eq3A : i32
    %lt3A = arith.constant 15 : i32
    %lt3A_13 = arith.cmpi slt, %arg1, %lt3A : i32
    %and3A = arith.andi %eq3A_12, %lt3A_13 : i1
    %convert_element_type3A = arith.extui %and3A : i1 to i32
    %cond3A = arith.constant 0 : i32
    %cond3A_14 = arith.cmpi ne, %convert_element_type3A, %cond3A : i32
    scf.if %cond3A_14 {
      %mul3A_109 = arith.constant 632 : i32
      %mul3A_110 = arith.muli %arg1, %mul3A_109 : i32
      %mul3A_111 = arith.constant 632 : i32
      %mul3A_112 = arith.muli %arg1, %mul3A_111 : i32
      "tpu.region"() ({
        %run_scoped3A = tpu.sem_alloc : memref<!tpu.dma_semaphore, #tpu.memory_space<semaphore_mem>>
        %dma_start3A_113 = arith.constant 0 : i32
        %dma_start3A_114 = tpu.memref_slice %arg7[%mul3A_112, %dma_start3A_113] : memref<10000x128xf32, #tpu.memory_space<vmem_shared>> -> memref<632x128xf32, #tpu.memory_space<vmem_shared>>
        %dma_start3A_115 = arith.constant 0 : i32
        %dma_start3A_116 = tpu.memref_slice %arg2[%mul3A_110, %dma_start3A_115] : memref<10000x128xf32, #tpu.memory_space<hbm>> -> memref<632x128xf32, #tpu.memory_space<hbm>>
        tpu.enqueue_dma source(%dma_start3A_116 : memref<632x128xf32, #tpu.memory_space<hbm>>) target(%dma_start3A_114 : memref<632x128xf32, #tpu.memory_space<vmem_shared>>) target_semaphore(%run_scoped3A : memref<!tpu.dma_semaphore, #tpu.memory_space<semaphore_mem>>)
        %dma_wait3A_117 = arith.constant 0 : i32
        %dma_wait3A_118 = tpu.memref_slice %arg7[%mul3A_112, %dma_wait3A_117] : memref<10000x128xf32, #tpu.memory_space<vmem_shared>> -> memref<632x128xf32, #tpu.memory_space<vmem_shared>>
        %dma_wait3A_119 = arith.constant 0 : i32
        %dma_wait3A_120 = tpu.memref_slice %arg2[%mul3A_110, %dma_wait3A_119] : memref<10000x128xf32, #tpu.memory_space<hbm>> -> memref<632x128xf32, #tpu.memory_space<hbm>>
        tpu.wait_dma2 semaphore(%run_scoped3A : memref<!tpu.dma_semaphore, #tpu.memory_space<semaphore_mem>>) src(%dma_wait3A_120 : memref<632x128xf32, #tpu.memory_space<hbm>>) dst(%dma_wait3A_118 : memref<632x128xf32, #tpu.memory_space<vmem_shared>>)
        tpu.yield
      }) : () -> ()
    } else {
    }
    %eq3A_15 = arith.constant 0 : i32
    %eq3A_16 = arith.cmpi eq, %arg0, %eq3A_15 : i32
    %eq3A_17 = arith.constant 15 : i32
    %eq3A_18 = arith.cmpi eq, %arg1, %eq3A_17 : i32
    %and3A_19 = arith.andi %eq3A_16, %eq3A_18 : i1
    %convert_element_type3A_20 = arith.extui %and3A_19 : i1 to i32
    %cond3A_21 = arith.constant 0 : i32
    %cond3A_22 = arith.cmpi ne, %convert_element_type3A_20, %cond3A_21 : i32
    scf.if %cond3A_22 {
      "tpu.region"() ({
        %run_scoped3A = tpu.sem_alloc : memref<!tpu.dma_semaphore, #tpu.memory_space<semaphore_mem>>
        %dma_start3A_109 = arith.constant 9480 : i32
        %dma_start3A_110 = arith.constant 0 : i32
        %dma_start3A_111 = tpu.memref_slice %arg7[%dma_start3A_109, %dma_start3A_110] : memref<10000x128xf32, #tpu.memory_space<vmem_shared>> -> memref<520x128xf32, #tpu.memory_space<vmem_shared>>
        %dma_start3A_112 = arith.constant 9480 : i32
        %dma_start3A_113 = arith.constant 0 : i32
        %dma_start3A_114 = tpu.memref_slice %arg2[%dma_start3A_112, %dma_start3A_113] : memref<10000x128xf32, #tpu.memory_space<hbm>> -> memref<520x128xf32, #tpu.memory_space<hbm>>
        tpu.enqueue_dma source(%dma_start3A_114 : memref<520x128xf32, #tpu.memory_space<hbm>>) target(%dma_start3A_111 : memref<520x128xf32, #tpu.memory_space<vmem_shared>>) target_semaphore(%run_scoped3A : memref<!tpu.dma_semaphore, #tpu.memory_space<semaphore_mem>>)
        %dma_wait3A_115 = arith.constant 9480 : i32
        %dma_wait3A_116 = arith.constant 0 : i32
        %dma_wait3A_117 = tpu.memref_slice %arg7[%dma_wait3A_115, %dma_wait3A_116] : memref<10000x128xf32, #tpu.memory_space<vmem_shared>> -> memref<520x128xf32, #tpu.memory_space<vmem_shared>>
        %dma_wait3A_118 = arith.constant 9480 : i32
        %dma_wait3A_119 = arith.constant 0 : i32
        %dma_wait3A_120 = tpu.memref_slice %arg2[%dma_wait3A_118, %dma_wait3A_119] : memref<10000x128xf32, #tpu.memory_space<hbm>> -> memref<520x128xf32, #tpu.memory_space<hbm>>
        tpu.wait_dma2 semaphore(%run_scoped3A : memref<!tpu.dma_semaphore, #tpu.memory_space<semaphore_mem>>) src(%dma_wait3A_120 : memref<520x128xf32, #tpu.memory_space<hbm>>) dst(%dma_wait3A_117 : memref<520x128xf32, #tpu.memory_space<vmem_shared>>)
        tpu.yield
      }) : () -> ()
    } else {
    }
    %eq3A_23 = arith.constant 1 : i32
    %eq3A_24 = arith.cmpi eq, %arg0, %eq3A_23 : i32
    %lt3A_25 = arith.constant 15 : i32
    %lt3A_26 = arith.cmpi slt, %arg1, %lt3A_25 : i32
    %and3A_27 = arith.andi %eq3A_24, %lt3A_26 : i1
    %convert_element_type3A_28 = arith.extui %and3A_27 : i1 to i32
    %cond3A_29 = arith.constant 0 : i32
    %cond3A_30 = arith.cmpi ne, %convert_element_type3A_28, %cond3A_29 : i32
    scf.if %cond3A_30 {
      %mul3A_109 = arith.constant 632 : i32
      %mul3A_110 = arith.muli %arg1, %mul3A_109 : i32
      "tpu.region"() ({
        %run_scoped3A = tpu.sem_alloc : memref<!tpu.dma_semaphore, #tpu.memory_space<semaphore_mem>>
        %dma_start3A_111 = arith.constant 0 : i32
        %dma_start3A_112 = tpu.memref_slice %arg7[%mul3A_110, %dma_start3A_111] : memref<10000x128xf32, #tpu.memory_space<vmem_shared>> -> memref<632x128xf32, #tpu.memory_space<vmem_shared>>
        tpu.enqueue_dma source(%arg3 : memref<632x128xf32, #tpu.memory_space<hbm>>) target(%dma_start3A_112 : memref<632x128xf32, #tpu.memory_space<vmem_shared>>) target_semaphore(%run_scoped3A : memref<!tpu.dma_semaphore, #tpu.memory_space<semaphore_mem>>)
        %dma_wait3A_113 = arith.constant 0 : i32
        %dma_wait3A_114 = tpu.memref_slice %arg7[%mul3A_110, %dma_wait3A_113] : memref<10000x128xf32, #tpu.memory_space<vmem_shared>> -> memref<632x128xf32, #tpu.memory_space<vmem_shared>>
        tpu.wait_dma2 semaphore(%run_scoped3A : memref<!tpu.dma_semaphore, #tpu.memory_space<semaphore_mem>>) src(%arg3 : memref<632x128xf32, #tpu.memory_space<hbm>>) dst(%dma_wait3A_114 : memref<632x128xf32, #tpu.memory_space<vmem_shared>>)
        tpu.yield
      }) : () -> ()
    } else {
    }
    %eq3A_31 = arith.constant 1 : i32
    %eq3A_32 = arith.cmpi eq, %arg0, %eq3A_31 : i32
    %eq3A_33 = arith.constant 15 : i32
    %eq3A_34 = arith.cmpi eq, %arg1, %eq3A_33 : i32
    %and3A_35 = arith.andi %eq3A_32, %eq3A_34 : i1
    %convert_element_type3A_36 = arith.extui %and3A_35 : i1 to i32
    %cond3A_37 = arith.constant 0 : i32
    %cond3A_38 = arith.cmpi ne, %convert_element_type3A_36, %cond3A_37 : i32
    scf.if %cond3A_38 {
      "tpu.region"() ({
        %run_scoped3A = tpu.sem_alloc : memref<!tpu.dma_semaphore, #tpu.memory_space<semaphore_mem>>
        %dma_start3A_109 = arith.constant 9480 : i32
        %dma_start3A_110 = arith.constant 0 : i32
        %dma_start3A_111 = tpu.memref_slice %arg7[%dma_start3A_109, %dma_start3A_110] : memref<10000x128xf32, #tpu.memory_space<vmem_shared>> -> memref<520x128xf32, #tpu.memory_space<vmem_shared>>
        %dma_start3A_112 = arith.constant 0 : i32
        %dma_start3A_113 = arith.constant 0 : i32
        %dma_start3A_114 = tpu.memref_slice %arg3[%dma_start3A_112, %dma_start3A_113] : memref<632x128xf32, #tpu.memory_space<hbm>> -> memref<520x128xf32, #tpu.memory_space<hbm>>
        tpu.enqueue_dma source(%dma_start3A_114 : memref<520x128xf32, #tpu.memory_space<hbm>>) target(%dma_start3A_111 : memref<520x128xf32, #tpu.memory_space<vmem_shared>>) target_semaphore(%run_scoped3A : memref<!tpu.dma_semaphore, #tpu.memory_space<semaphore_mem>>)
        %dma_wait3A_115 = arith.constant 9480 : i32
        %dma_wait3A_116 = arith.constant 0 : i32
        %dma_wait3A_117 = tpu.memref_slice %arg7[%dma_wait3A_115, %dma_wait3A_116] : memref<10000x128xf32, #tpu.memory_space<vmem_shared>> -> memref<520x128xf32, #tpu.memory_space<vmem_shared>>
        %dma_wait3A_118 = arith.constant 0 : i32
        %dma_wait3A_119 = arith.constant 0 : i32
        %dma_wait3A_120 = tpu.memref_slice %arg3[%dma_wait3A_118, %dma_wait3A_119] : memref<632x128xf32, #tpu.memory_space<hbm>> -> memref<520x128xf32, #tpu.memory_space<hbm>>
        tpu.wait_dma2 semaphore(%run_scoped3A : memref<!tpu.dma_semaphore, #tpu.memory_space<semaphore_mem>>) src(%dma_wait3A_120 : memref<520x128xf32, #tpu.memory_space<hbm>>) dst(%dma_wait3A_117 : memref<520x128xf32, #tpu.memory_space<vmem_shared>>)
        tpu.yield
      }) : () -> ()
    } else {
    }
    %dma_wait3A = tpu.memref_slice %arg4[%mul3A_2] : memref<320000xi32, #tpu.memory_space<hbm>> -> memref<10000xi32, #tpu.memory_space<hbm>>
    %dma_wait3A_39 = tpu.memref_slice %arg4[%mul3A_2] : memref<320000xi32, #tpu.memory_space<hbm>> -> memref<10000xi32, #tpu.memory_space<hbm>>
    tpu.wait_dma2 semaphore(%arg11 : memref<!tpu.dma_semaphore, #tpu.memory_space<semaphore_mem>>) src(%dma_wait3A_39 : memref<10000xi32, #tpu.memory_space<hbm>>) dst(%arg8 : memref<10000xi32, #tpu.memory_space<vmem>>)
    %dma_wait3A_40 = arith.constant 0 : i32
    %dma_wait3A_41 = arith.constant 0 : i32
    %dma_wait3A_42 = tpu.memref_slice %arg5[%add3A, %dma_wait3A_40, %dma_wait3A_41] : memref<32x125x80xi32, #tpu.memory_space<hbm>> -> memref<1x125x80xi32, #tpu.memory_space<hbm>>
    %dma_wait3A_43 = tpu.memref_squeeze %dma_wait3A_42 : memref<1x125x80xi32, #tpu.memory_space<hbm>> -> memref<125x80xi32, #tpu.memory_space<hbm>>
    %dma_wait3A_44 = arith.constant 0 : i32
    %dma_wait3A_45 = arith.constant 0 : i32
    %dma_wait3A_46 = tpu.memref_slice %arg5[%add3A, %dma_wait3A_44, %dma_wait3A_45] : memref<32x125x80xi32, #tpu.memory_space<hbm>> -> memref<1x125x80xi32, #tpu.memory_space<hbm>>
    %dma_wait3A_47 = tpu.memref_squeeze %dma_wait3A_46 : memref<1x125x80xi32, #tpu.memory_space<hbm>> -> memref<125x80xi32, #tpu.memory_space<hbm>>
    tpu.wait_dma2 semaphore(%arg12 : memref<!tpu.dma_semaphore, #tpu.memory_space<semaphore_mem>>) src(%dma_wait3A_47 : memref<125x80xi32, #tpu.memory_space<hbm>>) dst(%arg9 : memref<125x80xi32, #tpu.memory_space<vmem>>)
    %barrier3A = arith.constant 0 : index
    tpu.barrier barrier_id(%barrier3A)
    %dma_start3A_48 = arith.constant 0 : i32
    %dma_start3A_49 = arith.constant 0 : i32
    %dma_start3A_50 = arith.constant 0 : i32
    %dma_start3A_51 = tpu.memref_slice %arg10[%dma_start3A_48, %dma_start3A_49, %dma_start3A_50] : memref<3x80x128xf32, #tpu.memory_space<vmem>> -> memref<1x80x128xf32, #tpu.memory_space<vmem>>
    %dma_start3A_52 = tpu.memref_squeeze %dma_start3A_51 : memref<1x80x128xf32, #tpu.memory_space<vmem>> -> memref<80x128xf32, #tpu.memory_space<vmem>>
    %dma_start3A_53 = arith.constant 0 : i32
    %dma_start3A_54 = tpu.memref_slice %arg8[%dma_start3A_53] : memref<10000xi32, #tpu.memory_space<vmem>> -> memref<80xi32, #tpu.memory_space<vmem>>
    %dma_start3A_55 = arith.constant 0 : i32
    %dma_start3A_56 = arith.constant 0 : i32
    %dma_start3A_57 = tpu.memref_slice %arg2[%dma_start3A_55, %dma_start3A_56] : memref<10000x128xf32, #tpu.memory_space<hbm>> -> memref<10000x128xf32, #tpu.memory_space<hbm>>
    tpu.enqueue_indirect_dma source(%dma_start3A_57 : memref<10000x128xf32, #tpu.memory_space<hbm>>) target(%dma_start3A_52 : memref<80x128xf32, #tpu.memory_space<vmem>>) offsets(%dma_start3A_54 : memref<80xi32, #tpu.memory_space<vmem>>) semaphore(%arg11 : memref<!tpu.dma_semaphore, #tpu.memory_space<semaphore_mem>>)
    %dma_start3A_58 = arith.constant 1 : i32
    %dma_start3A_59 = arith.constant 0 : i32
    %dma_start3A_60 = arith.constant 0 : i32
    %dma_start3A_61 = tpu.memref_slice %arg10[%dma_start3A_58, %dma_start3A_59, %dma_start3A_60] : memref<3x80x128xf32, #tpu.memory_space<vmem>> -> memref<1x80x128xf32, #tpu.memory_space<vmem>>
    %dma_start3A_62 = tpu.memref_squeeze %dma_start3A_61 : memref<1x80x128xf32, #tpu.memory_space<vmem>> -> memref<80x128xf32, #tpu.memory_space<vmem>>
    %dma_start3A_63 = arith.constant 80 : i32
    %dma_start3A_64 = tpu.memref_slice %arg8[%dma_start3A_63] : memref<10000xi32, #tpu.memory_space<vmem>> -> memref<80xi32, #tpu.memory_space<vmem>>
    %dma_start3A_65 = arith.constant 0 : i32
    %dma_start3A_66 = arith.constant 0 : i32
    %dma_start3A_67 = tpu.memref_slice %arg2[%dma_start3A_65, %dma_start3A_66] : memref<10000x128xf32, #tpu.memory_space<hbm>> -> memref<10000x128xf32, #tpu.memory_space<hbm>>
    tpu.enqueue_indirect_dma source(%dma_start3A_67 : memref<10000x128xf32, #tpu.memory_space<hbm>>) target(%dma_start3A_62 : memref<80x128xf32, #tpu.memory_space<vmem>>) offsets(%dma_start3A_64 : memref<80xi32, #tpu.memory_space<vmem>>) semaphore(%arg11 : memref<!tpu.dma_semaphore, #tpu.memory_space<semaphore_mem>>)
    %scan3A = arith.constant 0 : i32
    %scan3A_68 = arith.constant 0 : i32
    %scan3A_69 = arith.constant 125 : i32
    %scan3A_70 = arith.addi %scan3A_68, %scan3A_69 : i32
    %scan3A_71 = arith.constant 1 : i32
    %scan3A_72 = scf.for %scan3A_109 = %scan3A_68 to %scan3A_70 step %scan3A_71 iter_args(%scan3A_110 = %scan3A) -> (i32)  : i32 {
      %rem3A = arith.constant 3 : i32
      %rem3A_111 = arith.remsi %scan3A_109, %rem3A : i32
      %mul3A_112 = arith.constant 80 : i32
      %mul3A_113 = arith.muli %scan3A_109, %mul3A_112 : i32
      %dma_wait3A_114 = arith.constant 0 : i32
      %dma_wait3A_115 = arith.constant 0 : i32
      %dma_wait3A_116 = tpu.memref_slice %arg10[%rem3A_111, %dma_wait3A_114, %dma_wait3A_115] : memref<3x80x128xf32, #tpu.memory_space<vmem>> -> memref<1x80x128xf32, #tpu.memory_space<vmem>>
      %dma_wait3A_117 = tpu.memref_squeeze %dma_wait3A_116 : memref<1x80x128xf32, #tpu.memory_space<vmem>> -> memref<80x128xf32, #tpu.memory_space<vmem>>
      %dma_wait3A_118 = tpu.memref_slice %arg8[%mul3A_113] : memref<10000xi32, #tpu.memory_space<vmem>> -> memref<80xi32, #tpu.memory_space<vmem>>
      %dma_wait3A_119 = arith.constant 0 : i32
      %dma_wait3A_120 = arith.constant 0 : i32
      %dma_wait3A_121 = tpu.memref_slice %arg2[%dma_wait3A_119, %dma_wait3A_120] : memref<10000x128xf32, #tpu.memory_space<hbm>> -> memref<10000x128xf32, #tpu.memory_space<hbm>>
      tpu.wait_indirect_dma semaphore(%arg11 : memref<!tpu.dma_semaphore, #tpu.memory_space<semaphore_mem>>) src(%dma_wait3A_121 : memref<10000x128xf32, #tpu.memory_space<hbm>>) dst(%dma_wait3A_117 : memref<80x128xf32, #tpu.memory_space<vmem>>)
      %ge3A = arith.constant 2 : i32
      %ge3A_122 = arith.cmpi sge, %scan3A_109, %ge3A : i32
      %convert_element_type3A_123 = arith.extui %ge3A_122 : i1 to i32
      %cond3A_124 = arith.constant 0 : i32
      %cond3A_125 = arith.cmpi ne, %convert_element_type3A_123, %cond3A_124 : i32
      scf.if %cond3A_125 {
        %add3A_145 = arith.constant 1 : i32
        %add3A_146 = arith.addi %scan3A_109, %add3A_145 : i32
        %rem3A_147 = arith.constant 3 : i32
        %rem3A_148 = arith.remsi %add3A_146, %rem3A_147 : i32
        %sub3A_149 = arith.constant 2 : i32
        %sub3A_150 = arith.subi %scan3A_109, %sub3A_149 : i32
        %dma_wait3A_151 = arith.constant 0 : i32
        %dma_wait3A_152 = arith.constant 0 : i32
        %dma_wait3A_153 = tpu.memref_slice %arg10[%rem3A_148, %dma_wait3A_151, %dma_wait3A_152] : memref<3x80x128xf32, #tpu.memory_space<vmem>> -> memref<1x80x128xf32, #tpu.memory_space<vmem>>
        %dma_wait3A_154 = tpu.memref_squeeze %dma_wait3A_153 : memref<1x80x128xf32, #tpu.memory_space<vmem>> -> memref<80x128xf32, #tpu.memory_space<vmem>>
        %dma_wait3A_155 = arith.constant 0 : i32
        %dma_wait3A_156 = tpu.memref_slice %arg9[%sub3A_150, %dma_wait3A_155] : memref<125x80xi32, #tpu.memory_space<vmem>> -> memref<1x80xi32, #tpu.memory_space<vmem>>
        %dma_wait3A_157 = tpu.memref_squeeze %dma_wait3A_156 : memref<1x80xi32, #tpu.memory_space<vmem>> -> memref<80xi32, #tpu.memory_space<vmem>>
        %dma_wait3A_158 = arith.constant 0 : i32
        %dma_wait3A_159 = arith.constant 0 : i32
        %dma_wait3A_160 = tpu.memref_slice %arg7[%dma_wait3A_158, %dma_wait3A_159] : memref<10000x128xf32, #tpu.memory_space<vmem_shared>> -> memref<10000x128xf32, #tpu.memory_space<vmem_shared>>
        tpu.wait_indirect_dma semaphore(%arg12 : memref<!tpu.dma_semaphore, #tpu.memory_space<semaphore_mem>>) src(%dma_wait3A_154 : memref<80x128xf32, #tpu.memory_space<vmem>>) dst(%dma_wait3A_160 : memref<10000x128xf32, #tpu.memory_space<vmem_shared>>)
      } else {
      }
      %add3A_126 = arith.constant 3 : i32
      %add3A_127 = arith.addi %scan3A_109, %add3A_126 : i32
      %sub3A = arith.constant 1 : i32
      %sub3A_128 = arith.subi %add3A_127, %sub3A : i32
      %lt3A_129 = arith.constant 125 : i32
      %lt3A_130 = arith.cmpi slt, %sub3A_128, %lt3A_129 : i32
      %convert_element_type3A_131 = arith.extui %lt3A_130 : i1 to i32
      %cond3A_132 = arith.constant 0 : i32
      %cond3A_133 = arith.cmpi ne, %convert_element_type3A_131, %cond3A_132 : i32
      scf.if %cond3A_133 {
        %add3A_145 = arith.constant 3 : i32
        %add3A_146 = arith.addi %scan3A_109, %add3A_145 : i32
        %sub3A_147 = arith.constant 1 : i32
        %sub3A_148 = arith.subi %add3A_146, %sub3A_147 : i32
        %mul3A_149 = arith.constant 80 : i32
        %mul3A_150 = arith.muli %sub3A_148, %mul3A_149 : i32
        %add3A_151 = arith.constant 3 : i32
        %add3A_152 = arith.addi %scan3A_109, %add3A_151 : i32
        %sub3A_153 = arith.constant 1 : i32
        %sub3A_154 = arith.subi %add3A_152, %sub3A_153 : i32
        %rem3A_155 = arith.constant 3 : i32
        %rem3A_156 = arith.remsi %sub3A_154, %rem3A_155 : i32
        %dma_start3A_157 = arith.constant 0 : i32
        %dma_start3A_158 = arith.constant 0 : i32
        %dma_start3A_159 = tpu.memref_slice %arg10[%rem3A_156, %dma_start3A_157, %dma_start3A_158] : memref<3x80x128xf32, #tpu.memory_space<vmem>> -> memref<1x80x128xf32, #tpu.memory_space<vmem>>
        %dma_start3A_160 = tpu.memref_squeeze %dma_start3A_159 : memref<1x80x128xf32, #tpu.memory_space<vmem>> -> memref<80x128xf32, #tpu.memory_space<vmem>>
        %dma_start3A_161 = tpu.memref_slice %arg8[%mul3A_150] : memref<10000xi32, #tpu.memory_space<vmem>> -> memref<80xi32, #tpu.memory_space<vmem>>
        %dma_start3A_162 = arith.constant 0 : i32
        %dma_start3A_163 = arith.constant 0 : i32
        %dma_start3A_164 = tpu.memref_slice %arg2[%dma_start3A_162, %dma_start3A_163] : memref<10000x128xf32, #tpu.memory_space<hbm>> -> memref<10000x128xf32, #tpu.memory_space<hbm>>
        tpu.enqueue_indirect_dma source(%dma_start3A_164 : memref<10000x128xf32, #tpu.memory_space<hbm>>) target(%dma_start3A_160 : memref<80x128xf32, #tpu.memory_space<vmem>>) offsets(%dma_start3A_161 : memref<80xi32, #tpu.memory_space<vmem>>) semaphore(%arg11 : memref<!tpu.dma_semaphore, #tpu.memory_space<semaphore_mem>>)
      } else {
      }
      %dma_start3A_134 = arith.constant 0 : i32
      %dma_start3A_135 = arith.constant 0 : i32
      %dma_start3A_136 = tpu.memref_slice %arg10[%rem3A_111, %dma_start3A_134, %dma_start3A_135] : memref<3x80x128xf32, #tpu.memory_space<vmem>> -> memref<1x80x128xf32, #tpu.memory_space<vmem>>
      %dma_start3A_137 = tpu.memref_squeeze %dma_start3A_136 : memref<1x80x128xf32, #tpu.memory_space<vmem>> -> memref<80x128xf32, #tpu.memory_space<vmem>>
      %dma_start3A_138 = arith.constant 0 : i32
      %dma_start3A_139 = tpu.memref_slice %arg9[%scan3A_109, %dma_start3A_138] : memref<125x80xi32, #tpu.memory_space<vmem>> -> memref<1x80xi32, #tpu.memory_space<vmem>>
      %dma_start3A_140 = tpu.memref_squeeze %dma_start3A_139 : memref<1x80xi32, #tpu.memory_space<vmem>> -> memref<80xi32, #tpu.memory_space<vmem>>
      %dma_start3A_141 = arith.constant 0 : i32
      %dma_start3A_142 = arith.constant 0 : i32
      %dma_start3A_143 = tpu.memref_slice %arg7[%dma_start3A_141, %dma_start3A_142] : memref<10000x128xf32, #tpu.memory_space<vmem_shared>> -> memref<10000x128xf32, #tpu.memory_space<vmem_shared>>
      tpu.enqueue_indirect_dma source(%dma_start3A_137 : memref<80x128xf32, #tpu.memory_space<vmem>>) target(%dma_start3A_143 : memref<10000x128xf32, #tpu.memory_space<vmem_shared>>) offsets(%dma_start3A_140 : memref<80xi32, #tpu.memory_space<vmem>>) semaphore(%arg12 : memref<!tpu.dma_semaphore, #tpu.memory_space<semaphore_mem>>) {add = true}
      %scan3A_144 = arith.constant 0 : i32
      scf.yield %scan3A_144 : i32
    }
    %scan3A_73 = arith.constant 125 : i32
    %dma_wait3A_74 = arith.constant 0 : i32
    %dma_wait3A_75 = arith.constant 123 : i32
    %dma_wait3A_76 = arith.constant 0 : i32
    %dma_wait3A_77 = arith.constant 0 : i32
    %dma_wait3A_78 = tpu.memref_slice %arg10[%dma_wait3A_74, %dma_wait3A_76, %dma_wait3A_77] : memref<3x80x128xf32, #tpu.memory_space<vmem>> -> memref<1x80x128xf32, #tpu.memory_space<vmem>>
    %dma_wait3A_79 = tpu.memref_squeeze %dma_wait3A_78 : memref<1x80x128xf32, #tpu.memory_space<vmem>> -> memref<80x128xf32, #tpu.memory_space<vmem>>
    %dma_wait3A_80 = arith.constant 0 : i32
    %dma_wait3A_81 = tpu.memref_slice %arg9[%dma_wait3A_75, %dma_wait3A_80] : memref<125x80xi32, #tpu.memory_space<vmem>> -> memref<1x80xi32, #tpu.memory_space<vmem>>
    %dma_wait3A_82 = tpu.memref_squeeze %dma_wait3A_81 : memref<1x80xi32, #tpu.memory_space<vmem>> -> memref<80xi32, #tpu.memory_space<vmem>>
    %dma_wait3A_83 = arith.constant 0 : i32
    %dma_wait3A_84 = arith.constant 0 : i32
    %dma_wait3A_85 = tpu.memref_slice %arg7[%dma_wait3A_83, %dma_wait3A_84] : memref<10000x128xf32, #tpu.memory_space<vmem_shared>> -> memref<10000x128xf32, #tpu.memory_space<vmem_shared>>
    tpu.wait_indirect_dma semaphore(%arg12 : memref<!tpu.dma_semaphore, #tpu.memory_space<semaphore_mem>>) src(%dma_wait3A_79 : memref<80x128xf32, #tpu.memory_space<vmem>>) dst(%dma_wait3A_85 : memref<10000x128xf32, #tpu.memory_space<vmem_shared>>)
    %dma_wait3A_86 = arith.constant 1 : i32
    %dma_wait3A_87 = arith.constant 124 : i32
    %dma_wait3A_88 = arith.constant 0 : i32
    %dma_wait3A_89 = arith.constant 0 : i32
    %dma_wait3A_90 = tpu.memref_slice %arg10[%dma_wait3A_86, %dma_wait3A_88, %dma_wait3A_89] : memref<3x80x128xf32, #tpu.memory_space<vmem>> -> memref<1x80x128xf32, #tpu.memory_space<vmem>>
    %dma_wait3A_91 = tpu.memref_squeeze %dma_wait3A_90 : memref<1x80x128xf32, #tpu.memory_space<vmem>> -> memref<80x128xf32, #tpu.memory_space<vmem>>
    %dma_wait3A_92 = arith.constant 0 : i32
    %dma_wait3A_93 = tpu.memref_slice %arg9[%dma_wait3A_87, %dma_wait3A_92] : memref<125x80xi32, #tpu.memory_space<vmem>> -> memref<1x80xi32, #tpu.memory_space<vmem>>
    %dma_wait3A_94 = tpu.memref_squeeze %dma_wait3A_93 : memref<1x80xi32, #tpu.memory_space<vmem>> -> memref<80xi32, #tpu.memory_space<vmem>>
    %dma_wait3A_95 = arith.constant 0 : i32
    %dma_wait3A_96 = arith.constant 0 : i32
    %dma_wait3A_97 = tpu.memref_slice %arg7[%dma_wait3A_95, %dma_wait3A_96] : memref<10000x128xf32, #tpu.memory_space<vmem_shared>> -> memref<10000x128xf32, #tpu.memory_space<vmem_shared>>
    tpu.wait_indirect_dma semaphore(%arg12 : memref<!tpu.dma_semaphore, #tpu.memory_space<semaphore_mem>>) src(%dma_wait3A_91 : memref<80x128xf32, #tpu.memory_space<vmem>>) dst(%dma_wait3A_97 : memref<10000x128xf32, #tpu.memory_space<vmem_shared>>)
    %barrier3A_98 = arith.constant 0 : index
    tpu.barrier barrier_id(%barrier3A_98)
    %lt3A_99 = arith.constant 15 : i32
    %lt3A_100 = arith.cmpi slt, %arg1, %lt3A_99 : i32
    %convert_element_type3A_101 = arith.extui %lt3A_100 : i1 to i32
    %cond3A_102 = arith.constant 0 : i32
    %cond3A_103 = arith.cmpi ne, %convert_element_type3A_101, %cond3A_102 : i32
    scf.if %cond3A_103 {
      %mul3A_109 = arith.constant 632 : i32
      %mul3A_110 = arith.muli %arg1, %mul3A_109 : i32
      %mul3A_111 = arith.constant 10000 : i32
      %mul3A_112 = arith.muli %arg0, %mul3A_111 : i32
      %mul3A_113 = arith.constant 632 : i32
      %mul3A_114 = arith.muli %arg1, %mul3A_113 : i32
      %add3A_115 = arith.addi %mul3A_112, %mul3A_114 : i32
      "tpu.region"() ({
        %run_scoped3A = tpu.sem_alloc : memref<!tpu.dma_semaphore, #tpu.memory_space<semaphore_mem>>
        %dma_start3A_116 = arith.constant 0 : i32
        %dma_start3A_117 = tpu.memref_slice %arg6[%add3A_115, %dma_start3A_116] : memref<20000x128xf32, #tpu.memory_space<hbm>> -> memref<632x128xf32, #tpu.memory_space<hbm>>
        %dma_start3A_118 = arith.constant 0 : i32
        %dma_start3A_119 = tpu.memref_slice %arg7[%mul3A_110, %dma_start3A_118] : memref<10000x128xf32, #tpu.memory_space<vmem_shared>> -> memref<632x128xf32, #tpu.memory_space<vmem_shared>>
        tpu.enqueue_dma source(%dma_start3A_119 : memref<632x128xf32, #tpu.memory_space<vmem_shared>>) target(%dma_start3A_117 : memref<632x128xf32, #tpu.memory_space<hbm>>) target_semaphore(%run_scoped3A : memref<!tpu.dma_semaphore, #tpu.memory_space<semaphore_mem>>)
        %dma_wait3A_120 = arith.constant 0 : i32
        %dma_wait3A_121 = tpu.memref_slice %arg6[%add3A_115, %dma_wait3A_120] : memref<20000x128xf32, #tpu.memory_space<hbm>> -> memref<632x128xf32, #tpu.memory_space<hbm>>
        %dma_wait3A_122 = arith.constant 0 : i32
        %dma_wait3A_123 = tpu.memref_slice %arg7[%mul3A_110, %dma_wait3A_122] : memref<10000x128xf32, #tpu.memory_space<vmem_shared>> -> memref<632x128xf32, #tpu.memory_space<vmem_shared>>
        tpu.wait_dma2 semaphore(%run_scoped3A : memref<!tpu.dma_semaphore, #tpu.memory_space<semaphore_mem>>) src(%dma_wait3A_123 : memref<632x128xf32, #tpu.memory_space<vmem_shared>>) dst(%dma_wait3A_121 : memref<632x128xf32, #tpu.memory_space<hbm>>)
        tpu.yield
      }) : () -> ()
    } else {
    }
    %eq3A_104 = arith.constant 15 : i32
    %eq3A_105 = arith.cmpi eq, %arg1, %eq3A_104 : i32
    %convert_element_type3A_106 = arith.extui %eq3A_105 : i1 to i32
    %cond3A_107 = arith.constant 0 : i32
    %cond3A_108 = arith.cmpi ne, %convert_element_type3A_106, %cond3A_107 : i32
    scf.if %cond3A_108 {
      %mul3A_109 = arith.constant 10000 : i32
      %mul3A_110 = arith.muli %arg0, %mul3A_109 : i32
      %add3A_111 = arith.constant 9480 : i32
      %add3A_112 = arith.addi %mul3A_110, %add3A_111 : i32
      "tpu.region"() ({
        %run_scoped3A = tpu.sem_alloc : memref<!tpu.dma_semaphore, #tpu.memory_space<semaphore_mem>>
        %dma_start3A_113 = arith.constant 0 : i32
        %dma_start3A_114 = tpu.memref_slice %arg6[%add3A_112, %dma_start3A_113] : memref<20000x128xf32, #tpu.memory_space<hbm>> -> memref<520x128xf32, #tpu.memory_space<hbm>>
        %dma_start3A_115 = arith.constant 9480 : i32
        %dma_start3A_116 = arith.constant 0 : i32
        %dma_start3A_117 = tpu.memref_slice %arg7[%dma_start3A_115, %dma_start3A_116] : memref<10000x128xf32, #tpu.memory_space<vmem_shared>> -> memref<520x128xf32, #tpu.memory_space<vmem_shared>>
        tpu.enqueue_dma source(%dma_start3A_117 : memref<520x128xf32, #tpu.memory_space<vmem_shared>>) target(%dma_start3A_114 : memref<520x128xf32, #tpu.memory_space<hbm>>) target_semaphore(%run_scoped3A : memref<!tpu.dma_semaphore, #tpu.memory_space<semaphore_mem>>)
        %dma_wait3A_118 = arith.constant 0 : i32
        %dma_wait3A_119 = tpu.memref_slice %arg6[%add3A_112, %dma_wait3A_118] : memref<20000x128xf32, #tpu.memory_space<hbm>> -> memref<520x128xf32, #tpu.memory_space<hbm>>
        %dma_wait3A_120 = arith.constant 9480 : i32
        %dma_wait3A_121 = arith.constant 0 : i32
        %dma_wait3A_122 = tpu.memref_slice %arg7[%dma_wait3A_120, %dma_wait3A_121] : memref<10000x128xf32, #tpu.memory_space<vmem_shared>> -> memref<520x128xf32, #tpu.memory_space<vmem_shared>>
        tpu.wait_dma2 semaphore(%run_scoped3A : memref<!tpu.dma_semaphore, #tpu.memory_space<semaphore_mem>>) src(%dma_wait3A_122 : memref<520x128xf32, #tpu.memory_space<vmem_shared>>) dst(%dma_wait3A_119 : memref<520x128xf32, #tpu.memory_space<hbm>>)
        tpu.yield
      }) : () -> ()
    } else {
    }
    return
  }
}

#map = affine_map<(d0, d1) -> (0, 0, 0)>
#map1 = affine_map<(d0, d1) -> (0)>
module attributes {stable_mosaic.version = 14 : i64} {
  func.func @_deg_body(%arg0: i32, %arg1: i32, %arg2: memref<32x125x80xi32, #tpu.memory_space<hbm>>, %arg3: memref<20480xf32, #tpu.memory_space<hbm>>, %arg4: memref<10240xf32, #tpu.memory_space<vmem_shared>>, %arg5: memref<125x80xi32, #tpu.memory_space<vmem>>, %arg6: memref<80xf32, #tpu.memory_space<vmem>>, %arg7: memref<640xf32, #tpu.memory_space<vmem>>) attributes {dimension_semantics = [#tpu.dimension_semantics<core_parallel>, #tpu.dimension_semantics<subcore_parallel>], iteration_bounds = array<i64: 2, 16>, scalar_prefetch = 0 : i64, scratch_operands = 4 : i64, tpu.core_type = #tpu.core_type<sc_vector_subcore>, window_params = [{transform_indices = #map}, {transform_indices = #map1}]} {
    %mul3A = arith.constant 16 : i32
    %mul3A_0 = arith.muli %arg0, %mul3A : i32
    %add3A = arith.addi %mul3A_0, %arg1 : i32
    %scan3A = arith.constant 0 : i32
    %scan3A_1 = arith.constant 0 : i32
    %scan3A_2 = arith.constant 40 : i32
    %scan3A_3 = arith.addi %scan3A_1, %scan3A_2 : i32
    %scan3A_4 = arith.constant 1 : i32
    %scan3A_5 = scf.for %scan3A_31 = %scan3A_1 to %scan3A_3 step %scan3A_4 iter_args(%scan3A_32 = %scan3A) -> (i32)  : i32 {
      %broadcast_in_dim3A = arith.constant 0.000000e+00 : f32
      %broadcast_in_dim3A_33 = vector.broadcast %broadcast_in_dim3A : f32 to vector<16xf32>
      %mul3A_34 = arith.constant 16 : i32
      %mul3A_35 = arith.muli %scan3A_31, %mul3A_34 : i32
      %swap3A = arith.index_cast %mul3A_35 : i32 to index
      %swap3A_36 = tpu.vector_load %arg7[%swap3A] {strides = array<i32>} : memref<640xf32, #tpu.memory_space<vmem>>, vector<16xf32>,
      %swap3A_37 = vector.shape_cast %swap3A_36 : vector<16xf32> to vector<16xf32>
      %swap3A_38 = vector.shape_cast %broadcast_in_dim3A_33 : vector<16xf32> to vector<16xf32>
      tpu.vector_store %arg7[%swap3A], %swap3A_38 {strides = array<i32>} : memref<640xf32, #tpu.memory_space<vmem>>, vector<16xf32>,
      %scan3A_39 = arith.constant 0 : i32
      scf.yield %scan3A_39 : i32
    }
    %scan3A_6 = arith.constant 40 : i32
    %scan3A_7 = arith.constant 0 : i32
    %scan3A_8 = arith.constant 0 : i32
    %scan3A_9 = arith.constant 5 : i32
    %scan3A_10 = arith.addi %scan3A_8, %scan3A_9 : i32
    %scan3A_11 = arith.constant 1 : i32
    %scan3A_12 = scf.for %scan3A_31 = %scan3A_8 to %scan3A_10 step %scan3A_11 iter_args(%scan3A_32 = %scan3A_7) -> (i32)  : i32 {
      %broadcast_in_dim3A = arith.constant 1.000000e+00 : f32
      %broadcast_in_dim3A_33 = vector.broadcast %broadcast_in_dim3A : f32 to vector<16xf32>
      %mul3A_34 = arith.constant 16 : i32
      %mul3A_35 = arith.muli %scan3A_31, %mul3A_34 : i32
      %swap3A = arith.index_cast %mul3A_35 : i32 to index
      %swap3A_36 = tpu.vector_load %arg6[%swap3A] {strides = array<i32>} : memref<80xf32, #tpu.memory_space<vmem>>, vector<16xf32>,
      %swap3A_37 = vector.shape_cast %swap3A_36 : vector<16xf32> to vector<16xf32>
      %swap3A_38 = vector.shape_cast %broadcast_in_dim3A_33 : vector<16xf32> to vector<16xf32>
      tpu.vector_store %arg6[%swap3A], %swap3A_38 {strides = array<i32>} : memref<80xf32, #tpu.memory_space<vmem>>, vector<16xf32>,
      %scan3A_39 = arith.constant 0 : i32
      scf.yield %scan3A_39 : i32
    }
    %scan3A_13 = arith.constant 5 : i32
    %mul3A_14 = arith.constant 640 : i32
    %mul3A_15 = arith.muli %arg1, %mul3A_14 : i32
    "tpu.region"() ({
      %run_scoped3A = tpu.sem_alloc : memref<!tpu.dma_semaphore, #tpu.memory_space<semaphore_mem>>
      %dma_start3A = tpu.memref_slice %arg4[%mul3A_15] : memref<10240xf32, #tpu.memory_space<vmem_shared>> -> memref<640xf32, #tpu.memory_space<vmem_shared>>
      %dma_start3A_31 = tpu.memref_slice %arg4[%mul3A_15] : memref<10240xf32, #tpu.memory_space<vmem_shared>> -> memref<640xf32, #tpu.memory_space<vmem_shared>>
      tpu.enqueue_dma source(%arg7 : memref<640xf32, #tpu.memory_space<vmem>>) target(%dma_start3A_31 : memref<640xf32, #tpu.memory_space<vmem_shared>>) target_semaphore(%run_scoped3A : memref<!tpu.dma_semaphore, #tpu.memory_space<semaphore_mem>>)
      %dma_wait3A = tpu.memref_slice %arg4[%mul3A_15] : memref<10240xf32, #tpu.memory_space<vmem_shared>> -> memref<640xf32, #tpu.memory_space<vmem_shared>>
      %dma_wait3A_32 = tpu.memref_slice %arg4[%mul3A_15] : memref<10240xf32, #tpu.memory_space<vmem_shared>> -> memref<640xf32, #tpu.memory_space<vmem_shared>>
      tpu.wait_dma2 semaphore(%run_scoped3A : memref<!tpu.dma_semaphore, #tpu.memory_space<semaphore_mem>>) src(%arg7 : memref<640xf32, #tpu.memory_space<vmem>>) dst(%dma_wait3A_32 : memref<640xf32, #tpu.memory_space<vmem_shared>>)
      tpu.yield
    }) : () -> ()
    "tpu.region"() ({
      %run_scoped3A = tpu.sem_alloc : memref<!tpu.dma_semaphore, #tpu.memory_space<semaphore_mem>>
      %dma_start3A = arith.constant 0 : i32
      %dma_start3A_31 = arith.constant 0 : i32
      %dma_start3A_32 = tpu.memref_slice %arg2[%add3A, %dma_start3A, %dma_start3A_31] : memref<32x125x80xi32, #tpu.memory_space<hbm>> -> memref<1x125x80xi32, #tpu.memory_space<hbm>>
      %dma_start3A_33 = tpu.memref_squeeze %dma_start3A_32 : memref<1x125x80xi32, #tpu.memory_space<hbm>> -> memref<125x80xi32, #tpu.memory_space<hbm>>
      %dma_start3A_34 = arith.constant 0 : i32
      %dma_start3A_35 = arith.constant 0 : i32
      %dma_start3A_36 = tpu.memref_slice %arg2[%add3A, %dma_start3A_34, %dma_start3A_35] : memref<32x125x80xi32, #tpu.memory_space<hbm>> -> memref<1x125x80xi32, #tpu.memory_space<hbm>>
      %dma_start3A_37 = tpu.memref_squeeze %dma_start3A_36 : memref<1x125x80xi32, #tpu.memory_space<hbm>> -> memref<125x80xi32, #tpu.memory_space<hbm>>
      tpu.enqueue_dma source(%dma_start3A_37 : memref<125x80xi32, #tpu.memory_space<hbm>>) target(%arg5 : memref<125x80xi32, #tpu.memory_space<vmem>>) target_semaphore(%run_scoped3A : memref<!tpu.dma_semaphore, #tpu.memory_space<semaphore_mem>>)
      %dma_wait3A = arith.constant 0 : i32
      %dma_wait3A_38 = arith.constant 0 : i32
      %dma_wait3A_39 = tpu.memref_slice %arg2[%add3A, %dma_wait3A, %dma_wait3A_38] : memref<32x125x80xi32, #tpu.memory_space<hbm>> -> memref<1x125x80xi32, #tpu.memory_space<hbm>>
      %dma_wait3A_40 = tpu.memref_squeeze %dma_wait3A_39 : memref<1x125x80xi32, #tpu.memory_space<hbm>> -> memref<125x80xi32, #tpu.memory_space<hbm>>
      %dma_wait3A_41 = arith.constant 0 : i32
      %dma_wait3A_42 = arith.constant 0 : i32
      %dma_wait3A_43 = tpu.memref_slice %arg2[%add3A, %dma_wait3A_41, %dma_wait3A_42] : memref<32x125x80xi32, #tpu.memory_space<hbm>> -> memref<1x125x80xi32, #tpu.memory_space<hbm>>
      %dma_wait3A_44 = tpu.memref_squeeze %dma_wait3A_43 : memref<1x125x80xi32, #tpu.memory_space<hbm>> -> memref<125x80xi32, #tpu.memory_space<hbm>>
      tpu.wait_dma2 semaphore(%run_scoped3A : memref<!tpu.dma_semaphore, #tpu.memory_space<semaphore_mem>>) src(%dma_wait3A_44 : memref<125x80xi32, #tpu.memory_space<hbm>>) dst(%arg5 : memref<125x80xi32, #tpu.memory_space<vmem>>)
      tpu.yield
    }) : () -> ()
    %barrier3A = arith.constant 0 : index
    tpu.barrier barrier_id(%barrier3A)
    %scan3A_16 = arith.constant 0 : i32
    %scan3A_17 = arith.constant 0 : i32
    %scan3A_18 = arith.constant 125 : i32
    %scan3A_19 = arith.addi %scan3A_17, %scan3A_18 : i32
    %scan3A_20 = arith.constant 1 : i32
    %scan3A_21 = scf.for %scan3A_31 = %scan3A_17 to %scan3A_19 step %scan3A_20 iter_args(%scan3A_32 = %scan3A_16) -> (i32)  : i32 {
      "tpu.region"() ({
        %run_scoped3A = tpu.sem_alloc : memref<!tpu.dma_semaphore, #tpu.memory_space<semaphore_mem>>
        %dma_start3A = arith.constant 0 : i32
        %dma_start3A_34 = tpu.memref_slice %arg5[%scan3A_31, %dma_start3A] : memref<125x80xi32, #tpu.memory_space<vmem>> -> memref<1x80xi32, #tpu.memory_space<vmem>>
        %dma_start3A_35 = tpu.memref_squeeze %dma_start3A_34 : memref<1x80xi32, #tpu.memory_space<vmem>> -> memref<80xi32, #tpu.memory_space<vmem>>
        %dma_start3A_36 = arith.constant 0 : i32
        %dma_start3A_37 = tpu.memref_slice %arg4[%dma_start3A_36] : memref<10240xf32, #tpu.memory_space<vmem_shared>> -> memref<10240xf32, #tpu.memory_space<vmem_shared>>
        tpu.enqueue_indirect_dma source(%arg6 : memref<80xf32, #tpu.memory_space<vmem>>) target(%dma_start3A_37 : memref<10240xf32, #tpu.memory_space<vmem_shared>>) offsets(%dma_start3A_35 : memref<80xi32, #tpu.memory_space<vmem>>) semaphore(%run_scoped3A : memref<!tpu.dma_semaphore, #tpu.memory_space<semaphore_mem>>) {add = true}
        %dma_wait3A = arith.constant 0 : i32
        %dma_wait3A_38 = tpu.memref_slice %arg5[%scan3A_31, %dma_wait3A] : memref<125x80xi32, #tpu.memory_space<vmem>> -> memref<1x80xi32, #tpu.memory_space<vmem>>
        %dma_wait3A_39 = tpu.memref_squeeze %dma_wait3A_38 : memref<1x80xi32, #tpu.memory_space<vmem>> -> memref<80xi32, #tpu.memory_space<vmem>>
        %dma_wait3A_40 = arith.constant 0 : i32
        %dma_wait3A_41 = tpu.memref_slice %arg4[%dma_wait3A_40] : memref<10240xf32, #tpu.memory_space<vmem_shared>> -> memref<10240xf32, #tpu.memory_space<vmem_shared>>
        tpu.wait_indirect_dma semaphore(%run_scoped3A : memref<!tpu.dma_semaphore, #tpu.memory_space<semaphore_mem>>) src(%arg6 : memref<80xf32, #tpu.memory_space<vmem>>) dst(%dma_wait3A_41 : memref<10240xf32, #tpu.memory_space<vmem_shared>>)
        tpu.yield
      }) : () -> ()
      %scan3A_33 = arith.constant 0 : i32
      scf.yield %scan3A_33 : i32
    }
    %scan3A_22 = arith.constant 125 : i32
    %barrier3A_23 = arith.constant 0 : index
    tpu.barrier barrier_id(%barrier3A_23)
    %mul3A_24 = arith.constant 640 : i32
    %mul3A_25 = arith.muli %arg1, %mul3A_24 : i32
    %mul3A_26 = arith.constant 10240 : i32
    %mul3A_27 = arith.muli %arg0, %mul3A_26 : i32
    %mul3A_28 = arith.constant 640 : i32
    %mul3A_29 = arith.muli %arg1, %mul3A_28 : i32
    %add3A_30 = arith.addi %mul3A_27, %mul3A_29 : i32
    "tpu.region"() ({
      %run_scoped3A = tpu.sem_alloc : memref<!tpu.dma_semaphore, #tpu.memory_space<semaphore_mem>>
      %dma_start3A = tpu.memref_slice %arg3[%add3A_30] : memref<20480xf32, #tpu.memory_space<hbm>> -> memref<640xf32, #tpu.memory_space<hbm>>
      %dma_start3A_31 = tpu.memref_slice %arg4[%mul3A_25] : memref<10240xf32, #tpu.memory_space<vmem_shared>> -> memref<640xf32, #tpu.memory_space<vmem_shared>>
      tpu.enqueue_dma source(%dma_start3A_31 : memref<640xf32, #tpu.memory_space<vmem_shared>>) target(%dma_start3A : memref<640xf32, #tpu.memory_space<hbm>>) target_semaphore(%run_scoped3A : memref<!tpu.dma_semaphore, #tpu.memory_space<semaphore_mem>>)
      %dma_wait3A = tpu.memref_slice %arg3[%add3A_30] : memref<20480xf32, #tpu.memory_space<hbm>> -> memref<640xf32, #tpu.memory_space<hbm>>
      %dma_wait3A_32 = tpu.memref_slice %arg4[%mul3A_25] : memref<10240xf32, #tpu.memory_space<vmem_shared>> -> memref<640xf32, #tpu.memory_space<vmem_shared>>
      tpu.wait_dma2 semaphore(%run_scoped3A : memref<!tpu.dma_semaphore, #tpu.memory_space<semaphore_mem>>) src(%dma_wait3A_32 : memref<640xf32, #tpu.memory_space<vmem_shared>>) dst(%dma_wait3A : memref<640xf32, #tpu.memory_space<hbm>>)
      tpu.yield
    }) : () -> ()
    return
  }
}

#map = affine_map<(d0, d1) -> (0, 0)>
#map1 = affine_map<(d0, d1) -> (0)>
#map2 = affine_map<(d0, d1) -> (0, 0, 0)>
module attributes {stable_mosaic.version = 14 : i64} {
  func.func @_edge_body(%arg0: i32, %arg1: i32, %arg2: memref<10000x128xf32, #tpu.memory_space<hbm>>, %arg3: memref<632x128xf32, #tpu.memory_space<hbm>>, %arg4: memref<320000xi32, #tpu.memory_space<hbm>>, %arg5: memref<32x125x80xi32, #tpu.memory_space<hbm>>, %arg6: memref<20000x128xf32, #tpu.memory_space<hbm>>, %arg7: memref<10000x128xf32, #tpu.memory_space<vmem_shared>>, %arg8: memref<10000xi32, #tpu.memory_space<vmem>>, %arg9: memref<125x80xi32, #tpu.memory_space<vmem>>, %arg10: memref<3x80x128xf32, #tpu.memory_space<vmem>>, %arg11: memref<!tpu.dma_semaphore, #tpu.memory_space<semaphore_mem>>, %arg12: memref<!tpu.dma_semaphore, #tpu.memory_space<semaphore_mem>>) attributes {dimension_semantics = [#tpu.dimension_semantics<core_parallel>, #tpu.dimension_semantics<subcore_parallel>], iteration_bounds = array<i64: 2, 16>, scalar_prefetch = 0 : i64, scratch_operands = 6 : i64, tpu.core_type = #tpu.core_type<sc_vector_subcore>, window_params = [{transform_indices = #map}, {transform_indices = #map}, {transform_indices = #map1}, {transform_indices = #map2}, {transform_indices = #map}]} {
    %mul3A = arith.constant 16 : i32
    %mul3A_0 = arith.muli %arg0, %mul3A : i32
    %add3A = arith.addi %mul3A_0, %arg1 : i32
    %mul3A_1 = arith.constant 10000 : i32
    %mul3A_2 = arith.muli %add3A, %mul3A_1 : i32
    %dma_start3A = tpu.memref_slice %arg4[%mul3A_2] : memref<320000xi32, #tpu.memory_space<hbm>> -> memref<10000xi32, #tpu.memory_space<hbm>>
    %dma_start3A_3 = tpu.memref_slice %arg4[%mul3A_2] : memref<320000xi32, #tpu.memory_space<hbm>> -> memref<10000xi32, #tpu.memory_space<hbm>>
    tpu.enqueue_dma source(%dma_start3A_3 : memref<10000xi32, #tpu.memory_space<hbm>>) target(%arg8 : memref<10000xi32, #tpu.memory_space<vmem>>) target_semaphore(%arg11 : memref<!tpu.dma_semaphore, #tpu.memory_space<semaphore_mem>>)
    %dma_start3A_4 = arith.constant 0 : i32
    %dma_start3A_5 = arith.constant 0 : i32
    %dma_start3A_6 = tpu.memref_slice %arg5[%add3A, %dma_start3A_4, %dma_start3A_5] : memref<32x125x80xi32, #tpu.memory_space<hbm>> -> memref<1x125x80xi32, #tpu.memory_space<hbm>>
    %dma_start3A_7 = tpu.memref_squeeze %dma_start3A_6 : memref<1x125x80xi32, #tpu.memory_space<hbm>> -> memref<125x80xi32, #tpu.memory_space<hbm>>
    %dma_start3A_8 = arith.constant 0 : i32
    %dma_start3A_9 = arith.constant 0 : i32
    %dma_start3A_10 = tpu.memref_slice %arg5[%add3A, %dma_start3A_8, %dma_start3A_9] : memref<32x125x80xi32, #tpu.memory_space<hbm>> -> memref<1x125x80xi32, #tpu.memory_space<hbm>>
    %dma_start3A_11 = tpu.memref_squeeze %dma_start3A_10 : memref<1x125x80xi32, #tpu.memory_space<hbm>> -> memref<125x80xi32, #tpu.memory_space<hbm>>
    tpu.enqueue_dma source(%dma_start3A_11 : memref<125x80xi32, #tpu.memory_space<hbm>>) target(%arg9 : memref<125x80xi32, #tpu.memory_space<vmem>>) target_semaphore(%arg12 : memref<!tpu.dma_semaphore, #tpu.memory_space<semaphore_mem>>)
    %eq3A = arith.constant 0 : i32
    %eq3A_12 = arith.cmpi eq, %arg0, %eq3A : i32
    %lt3A = arith.constant 15 : i32
    %lt3A_13 = arith.cmpi slt, %arg1, %lt3A : i32
    %and3A = arith.andi %eq3A_12, %lt3A_13 : i1
    %convert_element_type3A = arith.extui %and3A : i1 to i32
    %cond3A = arith.constant 0 : i32
    %cond3A_14 = arith.cmpi ne, %convert_element_type3A, %cond3A : i32
    scf.if %cond3A_14 {
      %mul3A_109 = arith.constant 632 : i32
      %mul3A_110 = arith.muli %arg1, %mul3A_109 : i32
      %mul3A_111 = arith.constant 632 : i32
      %mul3A_112 = arith.muli %arg1, %mul3A_111 : i32
      "tpu.region"() ({
        %run_scoped3A = tpu.sem_alloc : memref<!tpu.dma_semaphore, #tpu.memory_space<semaphore_mem>>
        %dma_start3A_113 = arith.constant 0 : i32
        %dma_start3A_114 = tpu.memref_slice %arg7[%mul3A_112, %dma_start3A_113] : memref<10000x128xf32, #tpu.memory_space<vmem_shared>> -> memref<632x128xf32, #tpu.memory_space<vmem_shared>>
        %dma_start3A_115 = arith.constant 0 : i32
        %dma_start3A_116 = tpu.memref_slice %arg2[%mul3A_110, %dma_start3A_115] : memref<10000x128xf32, #tpu.memory_space<hbm>> -> memref<632x128xf32, #tpu.memory_space<hbm>>
        tpu.enqueue_dma source(%dma_start3A_116 : memref<632x128xf32, #tpu.memory_space<hbm>>) target(%dma_start3A_114 : memref<632x128xf32, #tpu.memory_space<vmem_shared>>) target_semaphore(%run_scoped3A : memref<!tpu.dma_semaphore, #tpu.memory_space<semaphore_mem>>)
        %dma_wait3A_117 = arith.constant 0 : i32
        %dma_wait3A_118 = tpu.memref_slice %arg7[%mul3A_112, %dma_wait3A_117] : memref<10000x128xf32, #tpu.memory_space<vmem_shared>> -> memref<632x128xf32, #tpu.memory_space<vmem_shared>>
        %dma_wait3A_119 = arith.constant 0 : i32
        %dma_wait3A_120 = tpu.memref_slice %arg2[%mul3A_110, %dma_wait3A_119] : memref<10000x128xf32, #tpu.memory_space<hbm>> -> memref<632x128xf32, #tpu.memory_space<hbm>>
        tpu.wait_dma2 semaphore(%run_scoped3A : memref<!tpu.dma_semaphore, #tpu.memory_space<semaphore_mem>>) src(%dma_wait3A_120 : memref<632x128xf32, #tpu.memory_space<hbm>>) dst(%dma_wait3A_118 : memref<632x128xf32, #tpu.memory_space<vmem_shared>>)
        tpu.yield
      }) : () -> ()
    } else {
    }
    %eq3A_15 = arith.constant 0 : i32
    %eq3A_16 = arith.cmpi eq, %arg0, %eq3A_15 : i32
    %eq3A_17 = arith.constant 15 : i32
    %eq3A_18 = arith.cmpi eq, %arg1, %eq3A_17 : i32
    %and3A_19 = arith.andi %eq3A_16, %eq3A_18 : i1
    %convert_element_type3A_20 = arith.extui %and3A_19 : i1 to i32
    %cond3A_21 = arith.constant 0 : i32
    %cond3A_22 = arith.cmpi ne, %convert_element_type3A_20, %cond3A_21 : i32
    scf.if %cond3A_22 {
      "tpu.region"() ({
        %run_scoped3A = tpu.sem_alloc : memref<!tpu.dma_semaphore, #tpu.memory_space<semaphore_mem>>
        %dma_start3A_109 = arith.constant 9480 : i32
        %dma_start3A_110 = arith.constant 0 : i32
        %dma_start3A_111 = tpu.memref_slice %arg7[%dma_start3A_109, %dma_start3A_110] : memref<10000x128xf32, #tpu.memory_space<vmem_shared>> -> memref<520x128xf32, #tpu.memory_space<vmem_shared>>
        %dma_start3A_112 = arith.constant 9480 : i32
        %dma_start3A_113 = arith.constant 0 : i32
        %dma_start3A_114 = tpu.memref_slice %arg2[%dma_start3A_112, %dma_start3A_113] : memref<10000x128xf32, #tpu.memory_space<hbm>> -> memref<520x128xf32, #tpu.memory_space<hbm>>
        tpu.enqueue_dma source(%dma_start3A_114 : memref<520x128xf32, #tpu.memory_space<hbm>>) target(%dma_start3A_111 : memref<520x128xf32, #tpu.memory_space<vmem_shared>>) target_semaphore(%run_scoped3A : memref<!tpu.dma_semaphore, #tpu.memory_space<semaphore_mem>>)
        %dma_wait3A_115 = arith.constant 9480 : i32
        %dma_wait3A_116 = arith.constant 0 : i32
        %dma_wait3A_117 = tpu.memref_slice %arg7[%dma_wait3A_115, %dma_wait3A_116] : memref<10000x128xf32, #tpu.memory_space<vmem_shared>> -> memref<520x128xf32, #tpu.memory_space<vmem_shared>>
        %dma_wait3A_118 = arith.constant 9480 : i32
        %dma_wait3A_119 = arith.constant 0 : i32
        %dma_wait3A_120 = tpu.memref_slice %arg2[%dma_wait3A_118, %dma_wait3A_119] : memref<10000x128xf32, #tpu.memory_space<hbm>> -> memref<520x128xf32, #tpu.memory_space<hbm>>
        tpu.wait_dma2 semaphore(%run_scoped3A : memref<!tpu.dma_semaphore, #tpu.memory_space<semaphore_mem>>) src(%dma_wait3A_120 : memref<520x128xf32, #tpu.memory_space<hbm>>) dst(%dma_wait3A_117 : memref<520x128xf32, #tpu.memory_space<vmem_shared>>)
        tpu.yield
      }) : () -> ()
    } else {
    }
    %eq3A_23 = arith.constant 1 : i32
    %eq3A_24 = arith.cmpi eq, %arg0, %eq3A_23 : i32
    %lt3A_25 = arith.constant 15 : i32
    %lt3A_26 = arith.cmpi slt, %arg1, %lt3A_25 : i32
    %and3A_27 = arith.andi %eq3A_24, %lt3A_26 : i1
    %convert_element_type3A_28 = arith.extui %and3A_27 : i1 to i32
    %cond3A_29 = arith.constant 0 : i32
    %cond3A_30 = arith.cmpi ne, %convert_element_type3A_28, %cond3A_29 : i32
    scf.if %cond3A_30 {
      %mul3A_109 = arith.constant 632 : i32
      %mul3A_110 = arith.muli %arg1, %mul3A_109 : i32
      "tpu.region"() ({
        %run_scoped3A = tpu.sem_alloc : memref<!tpu.dma_semaphore, #tpu.memory_space<semaphore_mem>>
        %dma_start3A_111 = arith.constant 0 : i32
        %dma_start3A_112 = tpu.memref_slice %arg7[%mul3A_110, %dma_start3A_111] : memref<10000x128xf32, #tpu.memory_space<vmem_shared>> -> memref<632x128xf32, #tpu.memory_space<vmem_shared>>
        tpu.enqueue_dma source(%arg3 : memref<632x128xf32, #tpu.memory_space<hbm>>) target(%dma_start3A_112 : memref<632x128xf32, #tpu.memory_space<vmem_shared>>) target_semaphore(%run_scoped3A : memref<!tpu.dma_semaphore, #tpu.memory_space<semaphore_mem>>)
        %dma_wait3A_113 = arith.constant 0 : i32
        %dma_wait3A_114 = tpu.memref_slice %arg7[%mul3A_110, %dma_wait3A_113] : memref<10000x128xf32, #tpu.memory_space<vmem_shared>> -> memref<632x128xf32, #tpu.memory_space<vmem_shared>>
        tpu.wait_dma2 semaphore(%run_scoped3A : memref<!tpu.dma_semaphore, #tpu.memory_space<semaphore_mem>>) src(%arg3 : memref<632x128xf32, #tpu.memory_space<hbm>>) dst(%dma_wait3A_114 : memref<632x128xf32, #tpu.memory_space<vmem_shared>>)
        tpu.yield
      }) : () -> ()
    } else {
    }
    %eq3A_31 = arith.constant 1 : i32
    %eq3A_32 = arith.cmpi eq, %arg0, %eq3A_31 : i32
    %eq3A_33 = arith.constant 15 : i32
    %eq3A_34 = arith.cmpi eq, %arg1, %eq3A_33 : i32
    %and3A_35 = arith.andi %eq3A_32, %eq3A_34 : i1
    %convert_element_type3A_36 = arith.extui %and3A_35 : i1 to i32
    %cond3A_37 = arith.constant 0 : i32
    %cond3A_38 = arith.cmpi ne, %convert_element_type3A_36, %cond3A_37 : i32
    scf.if %cond3A_38 {
      "tpu.region"() ({
        %run_scoped3A = tpu.sem_alloc : memref<!tpu.dma_semaphore, #tpu.memory_space<semaphore_mem>>
        %dma_start3A_109 = arith.constant 9480 : i32
        %dma_start3A_110 = arith.constant 0 : i32
        %dma_start3A_111 = tpu.memref_slice %arg7[%dma_start3A_109, %dma_start3A_110] : memref<10000x128xf32, #tpu.memory_space<vmem_shared>> -> memref<520x128xf32, #tpu.memory_space<vmem_shared>>
        %dma_start3A_112 = arith.constant 0 : i32
        %dma_start3A_113 = arith.constant 0 : i32
        %dma_start3A_114 = tpu.memref_slice %arg3[%dma_start3A_112, %dma_start3A_113] : memref<632x128xf32, #tpu.memory_space<hbm>> -> memref<520x128xf32, #tpu.memory_space<hbm>>
        tpu.enqueue_dma source(%dma_start3A_114 : memref<520x128xf32, #tpu.memory_space<hbm>>) target(%dma_start3A_111 : memref<520x128xf32, #tpu.memory_space<vmem_shared>>) target_semaphore(%run_scoped3A : memref<!tpu.dma_semaphore, #tpu.memory_space<semaphore_mem>>)
        %dma_wait3A_115 = arith.constant 9480 : i32
        %dma_wait3A_116 = arith.constant 0 : i32
        %dma_wait3A_117 = tpu.memref_slice %arg7[%dma_wait3A_115, %dma_wait3A_116] : memref<10000x128xf32, #tpu.memory_space<vmem_shared>> -> memref<520x128xf32, #tpu.memory_space<vmem_shared>>
        %dma_wait3A_118 = arith.constant 0 : i32
        %dma_wait3A_119 = arith.constant 0 : i32
        %dma_wait3A_120 = tpu.memref_slice %arg3[%dma_wait3A_118, %dma_wait3A_119] : memref<632x128xf32, #tpu.memory_space<hbm>> -> memref<520x128xf32, #tpu.memory_space<hbm>>
        tpu.wait_dma2 semaphore(%run_scoped3A : memref<!tpu.dma_semaphore, #tpu.memory_space<semaphore_mem>>) src(%dma_wait3A_120 : memref<520x128xf32, #tpu.memory_space<hbm>>) dst(%dma_wait3A_117 : memref<520x128xf32, #tpu.memory_space<vmem_shared>>)
        tpu.yield
      }) : () -> ()
    } else {
    }
    %dma_wait3A = tpu.memref_slice %arg4[%mul3A_2] : memref<320000xi32, #tpu.memory_space<hbm>> -> memref<10000xi32, #tpu.memory_space<hbm>>
    %dma_wait3A_39 = tpu.memref_slice %arg4[%mul3A_2] : memref<320000xi32, #tpu.memory_space<hbm>> -> memref<10000xi32, #tpu.memory_space<hbm>>
    tpu.wait_dma2 semaphore(%arg11 : memref<!tpu.dma_semaphore, #tpu.memory_space<semaphore_mem>>) src(%dma_wait3A_39 : memref<10000xi32, #tpu.memory_space<hbm>>) dst(%arg8 : memref<10000xi32, #tpu.memory_space<vmem>>)
    %dma_wait3A_40 = arith.constant 0 : i32
    %dma_wait3A_41 = arith.constant 0 : i32
    %dma_wait3A_42 = tpu.memref_slice %arg5[%add3A, %dma_wait3A_40, %dma_wait3A_41] : memref<32x125x80xi32, #tpu.memory_space<hbm>> -> memref<1x125x80xi32, #tpu.memory_space<hbm>>
    %dma_wait3A_43 = tpu.memref_squeeze %dma_wait3A_42 : memref<1x125x80xi32, #tpu.memory_space<hbm>> -> memref<125x80xi32, #tpu.memory_space<hbm>>
    %dma_wait3A_44 = arith.constant 0 : i32
    %dma_wait3A_45 = arith.constant 0 : i32
    %dma_wait3A_46 = tpu.memref_slice %arg5[%add3A, %dma_wait3A_44, %dma_wait3A_45] : memref<32x125x80xi32, #tpu.memory_space<hbm>> -> memref<1x125x80xi32, #tpu.memory_space<hbm>>
    %dma_wait3A_47 = tpu.memref_squeeze %dma_wait3A_46 : memref<1x125x80xi32, #tpu.memory_space<hbm>> -> memref<125x80xi32, #tpu.memory_space<hbm>>
    tpu.wait_dma2 semaphore(%arg12 : memref<!tpu.dma_semaphore, #tpu.memory_space<semaphore_mem>>) src(%dma_wait3A_47 : memref<125x80xi32, #tpu.memory_space<hbm>>) dst(%arg9 : memref<125x80xi32, #tpu.memory_space<vmem>>)
    %barrier3A = arith.constant 0 : index
    tpu.barrier barrier_id(%barrier3A)
    %dma_start3A_48 = arith.constant 0 : i32
    %dma_start3A_49 = arith.constant 0 : i32
    %dma_start3A_50 = arith.constant 0 : i32
    %dma_start3A_51 = tpu.memref_slice %arg10[%dma_start3A_48, %dma_start3A_49, %dma_start3A_50] : memref<3x80x128xf32, #tpu.memory_space<vmem>> -> memref<1x80x128xf32, #tpu.memory_space<vmem>>
    %dma_start3A_52 = tpu.memref_squeeze %dma_start3A_51 : memref<1x80x128xf32, #tpu.memory_space<vmem>> -> memref<80x128xf32, #tpu.memory_space<vmem>>
    %dma_start3A_53 = arith.constant 0 : i32
    %dma_start3A_54 = tpu.memref_slice %arg8[%dma_start3A_53] : memref<10000xi32, #tpu.memory_space<vmem>> -> memref<80xi32, #tpu.memory_space<vmem>>
    %dma_start3A_55 = arith.constant 0 : i32
    %dma_start3A_56 = arith.constant 0 : i32
    %dma_start3A_57 = tpu.memref_slice %arg2[%dma_start3A_55, %dma_start3A_56] : memref<10000x128xf32, #tpu.memory_space<hbm>> -> memref<10000x128xf32, #tpu.memory_space<hbm>>
    tpu.enqueue_indirect_dma source(%dma_start3A_57 : memref<10000x128xf32, #tpu.memory_space<hbm>>) target(%dma_start3A_52 : memref<80x128xf32, #tpu.memory_space<vmem>>) offsets(%dma_start3A_54 : memref<80xi32, #tpu.memory_space<vmem>>) semaphore(%arg11 : memref<!tpu.dma_semaphore, #tpu.memory_space<semaphore_mem>>)
    %dma_start3A_58 = arith.constant 1 : i32
    %dma_start3A_59 = arith.constant 0 : i32
    %dma_start3A_60 = arith.constant 0 : i32
    %dma_start3A_61 = tpu.memref_slice %arg10[%dma_start3A_58, %dma_start3A_59, %dma_start3A_60] : memref<3x80x128xf32, #tpu.memory_space<vmem>> -> memref<1x80x128xf32, #tpu.memory_space<vmem>>
    %dma_start3A_62 = tpu.memref_squeeze %dma_start3A_61 : memref<1x80x128xf32, #tpu.memory_space<vmem>> -> memref<80x128xf32, #tpu.memory_space<vmem>>
    %dma_start3A_63 = arith.constant 80 : i32
    %dma_start3A_64 = tpu.memref_slice %arg8[%dma_start3A_63] : memref<10000xi32, #tpu.memory_space<vmem>> -> memref<80xi32, #tpu.memory_space<vmem>>
    %dma_start3A_65 = arith.constant 0 : i32
    %dma_start3A_66 = arith.constant 0 : i32
    %dma_start3A_67 = tpu.memref_slice %arg2[%dma_start3A_65, %dma_start3A_66] : memref<10000x128xf32, #tpu.memory_space<hbm>> -> memref<10000x128xf32, #tpu.memory_space<hbm>>
    tpu.enqueue_indirect_dma source(%dma_start3A_67 : memref<10000x128xf32, #tpu.memory_space<hbm>>) target(%dma_start3A_62 : memref<80x128xf32, #tpu.memory_space<vmem>>) offsets(%dma_start3A_64 : memref<80xi32, #tpu.memory_space<vmem>>) semaphore(%arg11 : memref<!tpu.dma_semaphore, #tpu.memory_space<semaphore_mem>>)
    %scan3A = arith.constant 0 : i32
    %scan3A_68 = arith.constant 0 : i32
    %scan3A_69 = arith.constant 125 : i32
    %scan3A_70 = arith.addi %scan3A_68, %scan3A_69 : i32
    %scan3A_71 = arith.constant 1 : i32
    %scan3A_72 = scf.for %scan3A_109 = %scan3A_68 to %scan3A_70 step %scan3A_71 iter_args(%scan3A_110 = %scan3A) -> (i32)  : i32 {
      %rem3A = arith.constant 3 : i32
      %rem3A_111 = arith.remsi %scan3A_109, %rem3A : i32
      %mul3A_112 = arith.constant 80 : i32
      %mul3A_113 = arith.muli %scan3A_109, %mul3A_112 : i32
      %dma_wait3A_114 = arith.constant 0 : i32
      %dma_wait3A_115 = arith.constant 0 : i32
      %dma_wait3A_116 = tpu.memref_slice %arg10[%rem3A_111, %dma_wait3A_114, %dma_wait3A_115] : memref<3x80x128xf32, #tpu.memory_space<vmem>> -> memref<1x80x128xf32, #tpu.memory_space<vmem>>
      %dma_wait3A_117 = tpu.memref_squeeze %dma_wait3A_116 : memref<1x80x128xf32, #tpu.memory_space<vmem>> -> memref<80x128xf32, #tpu.memory_space<vmem>>
      %dma_wait3A_118 = tpu.memref_slice %arg8[%mul3A_113] : memref<10000xi32, #tpu.memory_space<vmem>> -> memref<80xi32, #tpu.memory_space<vmem>>
      %dma_wait3A_119 = arith.constant 0 : i32
      %dma_wait3A_120 = arith.constant 0 : i32
      %dma_wait3A_121 = tpu.memref_slice %arg2[%dma_wait3A_119, %dma_wait3A_120] : memref<10000x128xf32, #tpu.memory_space<hbm>> -> memref<10000x128xf32, #tpu.memory_space<hbm>>
      tpu.wait_indirect_dma semaphore(%arg11 : memref<!tpu.dma_semaphore, #tpu.memory_space<semaphore_mem>>) src(%dma_wait3A_121 : memref<10000x128xf32, #tpu.memory_space<hbm>>) dst(%dma_wait3A_117 : memref<80x128xf32, #tpu.memory_space<vmem>>)
      %ge3A = arith.constant 2 : i32
      %ge3A_122 = arith.cmpi sge, %scan3A_109, %ge3A : i32
      %convert_element_type3A_123 = arith.extui %ge3A_122 : i1 to i32
      %cond3A_124 = arith.constant 0 : i32
      %cond3A_125 = arith.cmpi ne, %convert_element_type3A_123, %cond3A_124 : i32
      scf.if %cond3A_125 {
        %add3A_145 = arith.constant 1 : i32
        %add3A_146 = arith.addi %scan3A_109, %add3A_145 : i32
        %rem3A_147 = arith.constant 3 : i32
        %rem3A_148 = arith.remsi %add3A_146, %rem3A_147 : i32
        %sub3A_149 = arith.constant 2 : i32
        %sub3A_150 = arith.subi %scan3A_109, %sub3A_149 : i32
        %dma_wait3A_151 = arith.constant 0 : i32
        %dma_wait3A_152 = arith.constant 0 : i32
        %dma_wait3A_153 = tpu.memref_slice %arg10[%rem3A_148, %dma_wait3A_151, %dma_wait3A_152] : memref<3x80x128xf32, #tpu.memory_space<vmem>> -> memref<1x80x128xf32, #tpu.memory_space<vmem>>
        %dma_wait3A_154 = tpu.memref_squeeze %dma_wait3A_153 : memref<1x80x128xf32, #tpu.memory_space<vmem>> -> memref<80x128xf32, #tpu.memory_space<vmem>>
        %dma_wait3A_155 = arith.constant 0 : i32
        %dma_wait3A_156 = tpu.memref_slice %arg9[%sub3A_150, %dma_wait3A_155] : memref<125x80xi32, #tpu.memory_space<vmem>> -> memref<1x80xi32, #tpu.memory_space<vmem>>
        %dma_wait3A_157 = tpu.memref_squeeze %dma_wait3A_156 : memref<1x80xi32, #tpu.memory_space<vmem>> -> memref<80xi32, #tpu.memory_space<vmem>>
        %dma_wait3A_158 = arith.constant 0 : i32
        %dma_wait3A_159 = arith.constant 0 : i32
        %dma_wait3A_160 = tpu.memref_slice %arg7[%dma_wait3A_158, %dma_wait3A_159] : memref<10000x128xf32, #tpu.memory_space<vmem_shared>> -> memref<10000x128xf32, #tpu.memory_space<vmem_shared>>
        tpu.wait_indirect_dma semaphore(%arg12 : memref<!tpu.dma_semaphore, #tpu.memory_space<semaphore_mem>>) src(%dma_wait3A_154 : memref<80x128xf32, #tpu.memory_space<vmem>>) dst(%dma_wait3A_160 : memref<10000x128xf32, #tpu.memory_space<vmem_shared>>)
      } else {
      }
      %add3A_126 = arith.constant 3 : i32
      %add3A_127 = arith.addi %scan3A_109, %add3A_126 : i32
      %sub3A = arith.constant 1 : i32
      %sub3A_128 = arith.subi %add3A_127, %sub3A : i32
      %lt3A_129 = arith.constant 125 : i32
      %lt3A_130 = arith.cmpi slt, %sub3A_128, %lt3A_129 : i32
      %convert_element_type3A_131 = arith.extui %lt3A_130 : i1 to i32
      %cond3A_132 = arith.constant 0 : i32
      %cond3A_133 = arith.cmpi ne, %convert_element_type3A_131, %cond3A_132 : i32
      scf.if %cond3A_133 {
        %add3A_145 = arith.constant 3 : i32
        %add3A_146 = arith.addi %scan3A_109, %add3A_145 : i32
        %sub3A_147 = arith.constant 1 : i32
        %sub3A_148 = arith.subi %add3A_146, %sub3A_147 : i32
        %mul3A_149 = arith.constant 80 : i32
        %mul3A_150 = arith.muli %sub3A_148, %mul3A_149 : i32
        %add3A_151 = arith.constant 3 : i32
        %add3A_152 = arith.addi %scan3A_109, %add3A_151 : i32
        %sub3A_153 = arith.constant 1 : i32
        %sub3A_154 = arith.subi %add3A_152, %sub3A_153 : i32
        %rem3A_155 = arith.constant 3 : i32
        %rem3A_156 = arith.remsi %sub3A_154, %rem3A_155 : i32
        %dma_start3A_157 = arith.constant 0 : i32
        %dma_start3A_158 = arith.constant 0 : i32
        %dma_start3A_159 = tpu.memref_slice %arg10[%rem3A_156, %dma_start3A_157, %dma_start3A_158] : memref<3x80x128xf32, #tpu.memory_space<vmem>> -> memref<1x80x128xf32, #tpu.memory_space<vmem>>
        %dma_start3A_160 = tpu.memref_squeeze %dma_start3A_159 : memref<1x80x128xf32, #tpu.memory_space<vmem>> -> memref<80x128xf32, #tpu.memory_space<vmem>>
        %dma_start3A_161 = tpu.memref_slice %arg8[%mul3A_150] : memref<10000xi32, #tpu.memory_space<vmem>> -> memref<80xi32, #tpu.memory_space<vmem>>
        %dma_start3A_162 = arith.constant 0 : i32
        %dma_start3A_163 = arith.constant 0 : i32
        %dma_start3A_164 = tpu.memref_slice %arg2[%dma_start3A_162, %dma_start3A_163] : memref<10000x128xf32, #tpu.memory_space<hbm>> -> memref<10000x128xf32, #tpu.memory_space<hbm>>
        tpu.enqueue_indirect_dma source(%dma_start3A_164 : memref<10000x128xf32, #tpu.memory_space<hbm>>) target(%dma_start3A_160 : memref<80x128xf32, #tpu.memory_space<vmem>>) offsets(%dma_start3A_161 : memref<80xi32, #tpu.memory_space<vmem>>) semaphore(%arg11 : memref<!tpu.dma_semaphore, #tpu.memory_space<semaphore_mem>>)
      } else {
      }
      %dma_start3A_134 = arith.constant 0 : i32
      %dma_start3A_135 = arith.constant 0 : i32
      %dma_start3A_136 = tpu.memref_slice %arg10[%rem3A_111, %dma_start3A_134, %dma_start3A_135] : memref<3x80x128xf32, #tpu.memory_space<vmem>> -> memref<1x80x128xf32, #tpu.memory_space<vmem>>
      %dma_start3A_137 = tpu.memref_squeeze %dma_start3A_136 : memref<1x80x128xf32, #tpu.memory_space<vmem>> -> memref<80x128xf32, #tpu.memory_space<vmem>>
      %dma_start3A_138 = arith.constant 0 : i32
      %dma_start3A_139 = tpu.memref_slice %arg9[%scan3A_109, %dma_start3A_138] : memref<125x80xi32, #tpu.memory_space<vmem>> -> memref<1x80xi32, #tpu.memory_space<vmem>>
      %dma_start3A_140 = tpu.memref_squeeze %dma_start3A_139 : memref<1x80xi32, #tpu.memory_space<vmem>> -> memref<80xi32, #tpu.memory_space<vmem>>
      %dma_start3A_141 = arith.constant 0 : i32
      %dma_start3A_142 = arith.constant 0 : i32
      %dma_start3A_143 = tpu.memref_slice %arg7[%dma_start3A_141, %dma_start3A_142] : memref<10000x128xf32, #tpu.memory_space<vmem_shared>> -> memref<10000x128xf32, #tpu.memory_space<vmem_shared>>
      tpu.enqueue_indirect_dma source(%dma_start3A_137 : memref<80x128xf32, #tpu.memory_space<vmem>>) target(%dma_start3A_143 : memref<10000x128xf32, #tpu.memory_space<vmem_shared>>) offsets(%dma_start3A_140 : memref<80xi32, #tpu.memory_space<vmem>>) semaphore(%arg12 : memref<!tpu.dma_semaphore, #tpu.memory_space<semaphore_mem>>) {add = true}
      %scan3A_144 = arith.constant 0 : i32
      scf.yield %scan3A_144 : i32
    }
    %scan3A_73 = arith.constant 125 : i32
    %dma_wait3A_74 = arith.constant 0 : i32
    %dma_wait3A_75 = arith.constant 123 : i32
    %dma_wait3A_76 = arith.constant 0 : i32
    %dma_wait3A_77 = arith.constant 0 : i32
    %dma_wait3A_78 = tpu.memref_slice %arg10[%dma_wait3A_74, %dma_wait3A_76, %dma_wait3A_77] : memref<3x80x128xf32, #tpu.memory_space<vmem>> -> memref<1x80x128xf32, #tpu.memory_space<vmem>>
    %dma_wait3A_79 = tpu.memref_squeeze %dma_wait3A_78 : memref<1x80x128xf32, #tpu.memory_space<vmem>> -> memref<80x128xf32, #tpu.memory_space<vmem>>
    %dma_wait3A_80 = arith.constant 0 : i32
    %dma_wait3A_81 = tpu.memref_slice %arg9[%dma_wait3A_75, %dma_wait3A_80] : memref<125x80xi32, #tpu.memory_space<vmem>> -> memref<1x80xi32, #tpu.memory_space<vmem>>
    %dma_wait3A_82 = tpu.memref_squeeze %dma_wait3A_81 : memref<1x80xi32, #tpu.memory_space<vmem>> -> memref<80xi32, #tpu.memory_space<vmem>>
    %dma_wait3A_83 = arith.constant 0 : i32
    %dma_wait3A_84 = arith.constant 0 : i32
    %dma_wait3A_85 = tpu.memref_slice %arg7[%dma_wait3A_83, %dma_wait3A_84] : memref<10000x128xf32, #tpu.memory_space<vmem_shared>> -> memref<10000x128xf32, #tpu.memory_space<vmem_shared>>
    tpu.wait_indirect_dma semaphore(%arg12 : memref<!tpu.dma_semaphore, #tpu.memory_space<semaphore_mem>>) src(%dma_wait3A_79 : memref<80x128xf32, #tpu.memory_space<vmem>>) dst(%dma_wait3A_85 : memref<10000x128xf32, #tpu.memory_space<vmem_shared>>)
    %dma_wait3A_86 = arith.constant 1 : i32
    %dma_wait3A_87 = arith.constant 124 : i32
    %dma_wait3A_88 = arith.constant 0 : i32
    %dma_wait3A_89 = arith.constant 0 : i32
    %dma_wait3A_90 = tpu.memref_slice %arg10[%dma_wait3A_86, %dma_wait3A_88, %dma_wait3A_89] : memref<3x80x128xf32, #tpu.memory_space<vmem>> -> memref<1x80x128xf32, #tpu.memory_space<vmem>>
    %dma_wait3A_91 = tpu.memref_squeeze %dma_wait3A_90 : memref<1x80x128xf32, #tpu.memory_space<vmem>> -> memref<80x128xf32, #tpu.memory_space<vmem>>
    %dma_wait3A_92 = arith.constant 0 : i32
    %dma_wait3A_93 = tpu.memref_slice %arg9[%dma_wait3A_87, %dma_wait3A_92] : memref<125x80xi32, #tpu.memory_space<vmem>> -> memref<1x80xi32, #tpu.memory_space<vmem>>
    %dma_wait3A_94 = tpu.memref_squeeze %dma_wait3A_93 : memref<1x80xi32, #tpu.memory_space<vmem>> -> memref<80xi32, #tpu.memory_space<vmem>>
    %dma_wait3A_95 = arith.constant 0 : i32
    %dma_wait3A_96 = arith.constant 0 : i32
    %dma_wait3A_97 = tpu.memref_slice %arg7[%dma_wait3A_95, %dma_wait3A_96] : memref<10000x128xf32, #tpu.memory_space<vmem_shared>> -> memref<10000x128xf32, #tpu.memory_space<vmem_shared>>
    tpu.wait_indirect_dma semaphore(%arg12 : memref<!tpu.dma_semaphore, #tpu.memory_space<semaphore_mem>>) src(%dma_wait3A_91 : memref<80x128xf32, #tpu.memory_space<vmem>>) dst(%dma_wait3A_97 : memref<10000x128xf32, #tpu.memory_space<vmem_shared>>)
    %barrier3A_98 = arith.constant 0 : index
    tpu.barrier barrier_id(%barrier3A_98)
    %lt3A_99 = arith.constant 15 : i32
    %lt3A_100 = arith.cmpi slt, %arg1, %lt3A_99 : i32
    %convert_element_type3A_101 = arith.extui %lt3A_100 : i1 to i32
    %cond3A_102 = arith.constant 0 : i32
    %cond3A_103 = arith.cmpi ne, %convert_element_type3A_101, %cond3A_102 : i32
    scf.if %cond3A_103 {
      %mul3A_109 = arith.constant 632 : i32
      %mul3A_110 = arith.muli %arg1, %mul3A_109 : i32
      %mul3A_111 = arith.constant 10000 : i32
      %mul3A_112 = arith.muli %arg0, %mul3A_111 : i32
      %mul3A_113 = arith.constant 632 : i32
      %mul3A_114 = arith.muli %arg1, %mul3A_113 : i32
      %add3A_115 = arith.addi %mul3A_112, %mul3A_114 : i32
      "tpu.region"() ({
        %run_scoped3A = tpu.sem_alloc : memref<!tpu.dma_semaphore, #tpu.memory_space<semaphore_mem>>
        %dma_start3A_116 = arith.constant 0 : i32
        %dma_start3A_117 = tpu.memref_slice %arg6[%add3A_115, %dma_start3A_116] : memref<20000x128xf32, #tpu.memory_space<hbm>> -> memref<632x128xf32, #tpu.memory_space<hbm>>
        %dma_start3A_118 = arith.constant 0 : i32
        %dma_start3A_119 = tpu.memref_slice %arg7[%mul3A_110, %dma_start3A_118] : memref<10000x128xf32, #tpu.memory_space<vmem_shared>> -> memref<632x128xf32, #tpu.memory_space<vmem_shared>>
        tpu.enqueue_dma source(%dma_start3A_119 : memref<632x128xf32, #tpu.memory_space<vmem_shared>>) target(%dma_start3A_117 : memref<632x128xf32, #tpu.memory_space<hbm>>) target_semaphore(%run_scoped3A : memref<!tpu.dma_semaphore, #tpu.memory_space<semaphore_mem>>)
        %dma_wait3A_120 = arith.constant 0 : i32
        %dma_wait3A_121 = tpu.memref_slice %arg6[%add3A_115, %dma_wait3A_120] : memref<20000x128xf32, #tpu.memory_space<hbm>> -> memref<632x128xf32, #tpu.memory_space<hbm>>
        %dma_wait3A_122 = arith.constant 0 : i32
        %dma_wait3A_123 = tpu.memref_slice %arg7[%mul3A_110, %dma_wait3A_122] : memref<10000x128xf32, #tpu.memory_space<vmem_shared>> -> memref<632x128xf32, #tpu.memory_space<vmem_shared>>
        tpu.wait_dma2 semaphore(%run_scoped3A : memref<!tpu.dma_semaphore, #tpu.memory_space<semaphore_mem>>) src(%dma_wait3A_123 : memref<632x128xf32, #tpu.memory_space<vmem_shared>>) dst(%dma_wait3A_121 : memref<632x128xf32, #tpu.memory_space<hbm>>)
        tpu.yield
      }) : () -> ()
    } else {
    }
    %eq3A_104 = arith.constant 15 : i32
    %eq3A_105 = arith.cmpi eq, %arg1, %eq3A_104 : i32
    %convert_element_type3A_106 = arith.extui %eq3A_105 : i1 to i32
    %cond3A_107 = arith.constant 0 : i32
    %cond3A_108 = arith.cmpi ne, %convert_element_type3A_106, %cond3A_107 : i32
    scf.if %cond3A_108 {
      %mul3A_109 = arith.constant 10000 : i32
      %mul3A_110 = arith.muli %arg0, %mul3A_109 : i32
      %add3A_111 = arith.constant 9480 : i32
      %add3A_112 = arith.addi %mul3A_110, %add3A_111 : i32
      "tpu.region"() ({
        %run_scoped3A = tpu.sem_alloc : memref<!tpu.dma_semaphore, #tpu.memory_space<semaphore_mem>>
        %dma_start3A_113 = arith.constant 0 : i32
        %dma_start3A_114 = tpu.memref_slice %arg6[%add3A_112, %dma_start3A_113] : memref<20000x128xf32, #tpu.memory_space<hbm>> -> memref<520x128xf32, #tpu.memory_space<hbm>>
        %dma_start3A_115 = arith.constant 9480 : i32
        %dma_start3A_116 = arith.constant 0 : i32
        %dma_start3A_117 = tpu.memref_slice %arg7[%dma_start3A_115, %dma_start3A_116] : memref<10000x128xf32, #tpu.memory_space<vmem_shared>> -> memref<520x128xf32, #tpu.memory_space<vmem_shared>>
        tpu.enqueue_dma source(%dma_start3A_117 : memref<520x128xf32, #tpu.memory_space<vmem_shared>>) target(%dma_start3A_114 : memref<520x128xf32, #tpu.memory_space<hbm>>) target_semaphore(%run_scoped3A : memref<!tpu.dma_semaphore, #tpu.memory_space<semaphore_mem>>)
        %dma_wait3A_118 = arith.constant 0 : i32
        %dma_wait3A_119 = tpu.memref_slice %arg6[%add3A_112, %dma_wait3A_118] : memref<20000x128xf32, #tpu.memory_space<hbm>> -> memref<520x128xf32, #tpu.memory_space<hbm>>
        %dma_wait3A_120 = arith.constant 9480 : i32
        %dma_wait3A_121 = arith.constant 0 : i32
        %dma_wait3A_122 = tpu.memref_slice %arg7[%dma_wait3A_120, %dma_wait3A_121] : memref<10000x128xf32, #tpu.memory_space<vmem_shared>> -> memref<520x128xf32, #tpu.memory_space<vmem_shared>>
        tpu.wait_dma2 semaphore(%run_scoped3A : memref<!tpu.dma_semaphore, #tpu.memory_space<semaphore_mem>>) src(%dma_wait3A_122 : memref<520x128xf32, #tpu.memory_space<vmem_shared>>) dst(%dma_wait3A_119 : memref<520x128xf32, #tpu.memory_space<hbm>>)
        tpu.yield
      }) : () -> ()
    } else {
    }
    return
  }
}

module attributes {stable_mosaic.version = 14 : i64} {
  func.func @_mm_tc(%arg0: i32, %arg1: memref<2000x128xf32, #tpu.memory_space<vmem>>, %arg2: memref<128x128xf32, #tpu.memory_space<vmem>>, %arg3: memref<2000x128xf32, #tpu.memory_space<vmem>>) attributes {dimension_semantics = [#tpu.dimension_semantics<arbitrary>], iteration_bounds = array<i64: 5>, scalar_prefetch = 0 : i64, scratch_operands = 0 : i64, tpu.core_type = #tpu.core_type<tc>, window_params = [{transform_indices = @transform_0, window_bounds = array<i64: 2000, 128>}, {pipeline_mode = #tpu.pipeline_mode<synchronous>, transform_indices = @transform_1, window_bounds = array<i64: 128, 128>}, {transform_indices = @transform_2, window_bounds = array<i64: 2000, 128>}]} {
    %get3A = arith.constant 0 : index
    %get3A_0 = arith.constant 0 : index
    %get3A_1 = vector.load %arg1[%get3A, %get3A_0] : memref<2000x128xf32, #tpu.memory_space<vmem>>, vector<2000x128xf32>
    %get3A_2 = arith.constant 0 : index
    %get3A_3 = arith.constant 0 : index
    %get3A_4 = vector.load %arg2[%get3A_2, %get3A_3] : memref<128x128xf32, #tpu.memory_space<vmem>>, vector<128x128xf32>
    %dot_general3A = arith.constant dense<0.000000e+00> : vector<2000x128xf32>
    %dot_general3A_5 = tpu.matmul %get3A_1, %get3A_4, %dot_general3A {dimension_numbers = #tpu.dot_dimension_numbers<[1], [0], [0], [1], [0, 0, 1, 1], [], []>, transpose_lhs_hint = false} : vector<2000x128xf32>, vector<128x128xf32>, vector<2000x128xf32> -> vector<2000x128xf32>
    %swap3A = arith.constant 0 : index
    %swap3A_6 = arith.constant 0 : index
    %swap3A_7 = vector.load %arg3[%swap3A, %swap3A_6] : memref<2000x128xf32, #tpu.memory_space<vmem>>, vector<2000x128xf32>
    tpu.vector_store %arg3[%swap3A, %swap3A_6], %dot_general3A_5 {strides = array<i32>} : memref<2000x128xf32, #tpu.memory_space<vmem>>, vector<2000x128xf32>,
    return
  }
  func.func @transform_0(%arg0: i32) -> (i32, i32) {
    %c0_i32 = arith.constant 0 : i32
    %c0_i32_0 = arith.constant 0 : i32
    return %arg0, %c0_i32 : i32, i32
  }
  func.func @transform_1(%arg0: i32) -> (i32, i32) {
    %c0_i32 = arith.constant 0 : i32
    %c0_i32_0 = arith.constant 0 : i32
    %c0_i32_1 = arith.constant 0 : i32
    return %c0_i32, %c0_i32_0 : i32, i32
  }
  func.func @transform_2(%arg0: i32) -> (i32, i32) {
    %c0_i32 = arith.constant 0 : i32
    %c0_i32_0 = arith.constant 0 : i32
    return %arg0, %c0_i32 : i32, i32
  }
}

module attributes {stable_mosaic.version = 14 : i64} {
  func.func @_scale_tc(%arg0: i32, %arg1: memref<2000x128xf32, #tpu.memory_space<vmem>>, %arg2: memref<2000x2xf32, #tpu.memory_space<vmem>>, %arg3: memref<2000x128xf32, #tpu.memory_space<vmem>>, %arg4: memref<2000x1xf32, #tpu.memory_space<vmem>>) attributes {dimension_semantics = [#tpu.dimension_semantics<arbitrary>], iteration_bounds = array<i64: 5>, scalar_prefetch = 0 : i64, scratch_operands = 0 : i64, tpu.core_type = #tpu.core_type<tc>, window_params = [{transform_indices = @transform_0, window_bounds = array<i64: 2000, 128>}, {transform_indices = @transform_1, window_bounds = array<i64: 2000, 2>}, {transform_indices = @transform_2, window_bounds = array<i64: 2000, 128>}, {transform_indices = @transform_3, window_bounds = array<i64: 2000, 1>}]} {
    %get3A = arith.constant 0 : index
    %get3A_0 = arith.constant 0 : index
    %get3A_1 = vector.load %arg2[%get3A, %get3A_0] : memref<2000x2xf32, #tpu.memory_space<vmem>>, vector<2000x2xf32>
    %reduce_sum3A = arith.constant dense<0.000000e+00> : vector<2000xf32>
    %reduce_sum3A_2 = vector.multi_reduction <add>, %get3A_1, %reduce_sum3A [1] : vector<2000x2xf32> to vector<2000xf32>
    %broadcast_in_dim3A = vector.shape_cast %reduce_sum3A_2 : vector<2000xf32> to vector<2000x1xf32>
    %add3A = arith.constant 1.000000e+00 : f32
    %add3A_3 = vector.broadcast %add3A : f32 to vector<2000x1xf32>
    %add3A_4 = arith.addf %broadcast_in_dim3A, %add3A_3 : vector<2000x1xf32>
    %rsqrt3A = math.rsqrt %add3A_4 : vector<2000x1xf32>
    %get3A_5 = arith.constant 0 : index
    %get3A_6 = arith.constant 0 : index
    %get3A_7 = vector.load %arg1[%get3A_5, %get3A_6] : memref<2000x128xf32, #tpu.memory_space<vmem>>, vector<2000x128xf32>
    %mul3A = vector.broadcast %rsqrt3A : vector<2000x1xf32> to vector<2000x128xf32>
    %mul3A_8 = arith.mulf %get3A_7, %mul3A : vector<2000x128xf32>
    %swap3A = arith.constant 0 : index
    %swap3A_9 = arith.constant 0 : index
    %swap3A_10 = vector.load %arg3[%swap3A, %swap3A_9] : memref<2000x128xf32, #tpu.memory_space<vmem>>, vector<2000x128xf32>
    tpu.vector_store %arg3[%swap3A, %swap3A_9], %mul3A_8 {strides = array<i32>} : memref<2000x128xf32, #tpu.memory_space<vmem>>, vector<2000x128xf32>,
    %swap3A_11 = arith.constant 0 : index
    %swap3A_12 = arith.constant 0 : index
    %swap3A_13 = vector.load %arg4[%swap3A_11, %swap3A_12] : memref<2000x1xf32, #tpu.memory_space<vmem>>, vector<2000x1xf32>
    tpu.vector_store %arg4[%swap3A_11, %swap3A_12], %rsqrt3A {strides = array<i32>} : memref<2000x1xf32, #tpu.memory_space<vmem>>, vector<2000x1xf32>,
    return
  }
  func.func @transform_0(%arg0: i32) -> (i32, i32) {
    %c0_i32 = arith.constant 0 : i32
    %c0_i32_0 = arith.constant 0 : i32
    return %arg0, %c0_i32 : i32, i32
  }
  func.func @transform_1(%arg0: i32) -> (i32, i32) {
    %c0_i32 = arith.constant 0 : i32
    %c0_i32_0 = arith.constant 0 : i32
    return %arg0, %c0_i32 : i32, i32
  }
  func.func @transform_2(%arg0: i32) -> (i32, i32) {
    %c0_i32 = arith.constant 0 : i32
    %c0_i32_0 = arith.constant 0 : i32
    return %arg0, %c0_i32 : i32, i32
  }
  func.func @transform_3(%arg0: i32) -> (i32, i32) {
    %c0_i32 = arith.constant 0 : i32
    %c0_i32_0 = arith.constant 0 : i32
    return %arg0, %c0_i32 : i32, i32
  }
}

module attributes {stable_mosaic.version = 14 : i64} {
  func.func @_mid_tc(%arg0: i32, %arg1: memref<2000x128xf32, #tpu.memory_space<vmem>>, %arg2: memref<2000x128xf32, #tpu.memory_space<vmem>>, %arg3: memref<2000x1xf32, #tpu.memory_space<vmem>>, %arg4: memref<1x128xf32, #tpu.memory_space<vmem>>, %arg5: memref<128x128xf32, #tpu.memory_space<vmem>>, %arg6: memref<2000x128xf32, #tpu.memory_space<vmem>>) attributes {dimension_semantics = [#tpu.dimension_semantics<arbitrary>], iteration_bounds = array<i64: 5>, scalar_prefetch = 0 : i64, scratch_operands = 0 : i64, tpu.core_type = #tpu.core_type<tc>, window_params = [{transform_indices = @transform_0, window_bounds = array<i64: 2000, 128>}, {transform_indices = @transform_1, window_bounds = array<i64: 2000, 128>}, {transform_indices = @transform_2, window_bounds = array<i64: 2000, 1>}, {pipeline_mode = #tpu.pipeline_mode<synchronous>, transform_indices = @transform_3, window_bounds = array<i64: 1, 128>}, {pipeline_mode = #tpu.pipeline_mode<synchronous>, transform_indices = @transform_4, window_bounds = array<i64: 128, 128>}, {transform_indices = @transform_5, window_bounds = array<i64: 2000, 128>}]} {
    %get3A = arith.constant 0 : index
    %get3A_0 = arith.constant 0 : index
    %get3A_1 = vector.load %arg3[%get3A, %get3A_0] : memref<2000x1xf32, #tpu.memory_space<vmem>>, vector<2000x1xf32>
    %get3A_2 = arith.constant 0 : index
    %get3A_3 = arith.constant 0 : index
    %get3A_4 = vector.load %arg1[%get3A_2, %get3A_3] : memref<2000x128xf32, #tpu.memory_space<vmem>>, vector<2000x128xf32>
    %get3A_5 = arith.constant 0 : index
    %get3A_6 = arith.constant 0 : index
    %get3A_7 = vector.load %arg2[%get3A_5, %get3A_6] : memref<2000x128xf32, #tpu.memory_space<vmem>>, vector<2000x128xf32>
    %add3A = arith.addf %get3A_4, %get3A_7 : vector<2000x128xf32>
    %mul3A = vector.broadcast %get3A_1 : vector<2000x1xf32> to vector<2000x128xf32>
    %mul3A_8 = arith.mulf %add3A, %mul3A : vector<2000x128xf32>
    %get3A_9 = arith.constant 0 : index
    %get3A_10 = arith.constant 0 : index
    %get3A_11 = vector.load %arg4[%get3A_9, %get3A_10] : memref<1x128xf32, #tpu.memory_space<vmem>>, vector<1x128xf32>
    %add3A_12 = vector.broadcast %get3A_11 : vector<1x128xf32> to vector<2000x128xf32>
    %add3A_13 = arith.addf %mul3A_8, %add3A_12 : vector<2000x128xf32>
    %max3A = arith.constant 0.000000e+00 : f32
    %max3A_14 = vector.broadcast %max3A : f32 to vector<2000x128xf32>
    %max3A_15 = arith.maximumf %add3A_13, %max3A_14 : vector<2000x128xf32>
    %get3A_16 = arith.constant 0 : index
    %get3A_17 = arith.constant 0 : index
    %get3A_18 = vector.load %arg5[%get3A_16, %get3A_17] : memref<128x128xf32, #tpu.memory_space<vmem>>, vector<128x128xf32>
    %dot_general3A = arith.constant dense<0.000000e+00> : vector<2000x128xf32>
    %dot_general3A_19 = tpu.matmul %max3A_15, %get3A_18, %dot_general3A {dimension_numbers = #tpu.dot_dimension_numbers<[1], [0], [0], [1], [0, 0, 1, 1], [], []>, transpose_lhs_hint = false} : vector<2000x128xf32>, vector<128x128xf32>, vector<2000x128xf32> -> vector<2000x128xf32>
    %mul3A_20 = vector.broadcast %get3A_1 : vector<2000x1xf32> to vector<2000x128xf32>
    %mul3A_21 = arith.mulf %dot_general3A_19, %mul3A_20 : vector<2000x128xf32>
    %swap3A = arith.constant 0 : index
    %swap3A_22 = arith.constant 0 : index
    %swap3A_23 = vector.load %arg6[%swap3A, %swap3A_22] : memref<2000x128xf32, #tpu.memory_space<vmem>>, vector<2000x128xf32>
    tpu.vector_store %arg6[%swap3A, %swap3A_22], %mul3A_21 {strides = array<i32>} : memref<2000x128xf32, #tpu.memory_space<vmem>>, vector<2000x128xf32>,
    return
  }
  func.func @transform_0(%arg0: i32) -> (i32, i32) {
    %c0_i32 = arith.constant 0 : i32
    %c0_i32_0 = arith.constant 0 : i32
    return %arg0, %c0_i32 : i32, i32
  }
  func.func @transform_1(%arg0: i32) -> (i32, i32) {
    %add3A = arith.constant 5 : i32
    %add3A_0 = arith.addi %arg0, %add3A : i32
    %c0_i32 = arith.constant 0 : i32
    %c0_i32_1 = arith.constant 0 : i32
    return %add3A_0, %c0_i32 : i32, i32
  }
  func.func @transform_2(%arg0: i32) -> (i32, i32) {
    %c0_i32 = arith.constant 0 : i32
    %c0_i32_0 = arith.constant 0 : i32
    return %arg0, %c0_i32 : i32, i32
  }
  func.func @transform_3(%arg0: i32) -> (i32, i32) {
    %c0_i32 = arith.constant 0 : i32
    %c0_i32_0 = arith.constant 0 : i32
    %c0_i32_1 = arith.constant 0 : i32
    return %c0_i32, %c0_i32_0 : i32, i32
  }
  func.func @transform_4(%arg0: i32) -> (i32, i32) {
    %c0_i32 = arith.constant 0 : i32
    %c0_i32_0 = arith.constant 0 : i32
    %c0_i32_1 = arith.constant 0 : i32
    return %c0_i32, %c0_i32_0 : i32, i32
  }
  func.func @transform_5(%arg0: i32) -> (i32, i32) {
    %c0_i32 = arith.constant 0 : i32
    %c0_i32_0 = arith.constant 0 : i32
    return %arg0, %c0_i32 : i32, i32
  }
}

module attributes {stable_mosaic.version = 14 : i64} {
  func.func @_head_tc(%arg0: i32, %arg1: memref<2000x128xf32, #tpu.memory_space<vmem>>, %arg2: memref<2000x128xf32, #tpu.memory_space<vmem>>, %arg3: memref<2000x1xf32, #tpu.memory_space<vmem>>, %arg4: memref<1x128xf32, #tpu.memory_space<vmem>>, %arg5: memref<128x128xf32, #tpu.memory_space<vmem>>, %arg6: memref<1x128xf32, #tpu.memory_space<vmem>>, %arg7: memref<1x128xf32, #tpu.memory_space<vmem>>, %arg8: memref<1x128xf32, #tpu.memory_space<vmem>>) attributes {dimension_semantics = [#tpu.dimension_semantics<arbitrary>], iteration_bounds = array<i64: 5>, scalar_prefetch = 0 : i64, scratch_operands = 1 : i64, tpu.core_type = #tpu.core_type<tc>, window_params = [{transform_indices = @transform_0, window_bounds = array<i64: 2000, 128>}, {transform_indices = @transform_1, window_bounds = array<i64: 2000, 128>}, {transform_indices = @transform_2, window_bounds = array<i64: 2000, 1>}, {pipeline_mode = #tpu.pipeline_mode<synchronous>, transform_indices = @transform_3, window_bounds = array<i64: 1, 128>}, {pipeline_mode = #tpu.pipeline_mode<synchronous>, transform_indices = @transform_4, window_bounds = array<i64: 128, 128>}, {pipeline_mode = #tpu.pipeline_mode<synchronous>, transform_indices = @transform_5, window_bounds = array<i64: 1, 128>}, {pipeline_mode = #tpu.pipeline_mode<synchronous>, transform_indices = @transform_6, window_bounds = array<i64: 1, 128>}]} {
    %get3A = arith.constant 0 : index
    %get3A_0 = arith.constant 0 : index
    %get3A_1 = vector.load %arg3[%get3A, %get3A_0] : memref<2000x1xf32, #tpu.memory_space<vmem>>, vector<2000x1xf32>
    %get3A_2 = arith.constant 0 : index
    %get3A_3 = arith.constant 0 : index
    %get3A_4 = vector.load %arg1[%get3A_2, %get3A_3] : memref<2000x128xf32, #tpu.memory_space<vmem>>, vector<2000x128xf32>
    %get3A_5 = arith.constant 0 : index
    %get3A_6 = arith.constant 0 : index
    %get3A_7 = vector.load %arg2[%get3A_5, %get3A_6] : memref<2000x128xf32, #tpu.memory_space<vmem>>, vector<2000x128xf32>
    %add3A = arith.addf %get3A_4, %get3A_7 : vector<2000x128xf32>
    %mul3A = vector.broadcast %get3A_1 : vector<2000x1xf32> to vector<2000x128xf32>
    %mul3A_8 = arith.mulf %add3A, %mul3A : vector<2000x128xf32>
    %get3A_9 = arith.constant 0 : index
    %get3A_10 = arith.constant 0 : index
    %get3A_11 = vector.load %arg4[%get3A_9, %get3A_10] : memref<1x128xf32, #tpu.memory_space<vmem>>, vector<1x128xf32>
    %add3A_12 = vector.broadcast %get3A_11 : vector<1x128xf32> to vector<2000x128xf32>
    %add3A_13 = arith.addf %mul3A_8, %add3A_12 : vector<2000x128xf32>
    %max3A = arith.constant 0.000000e+00 : f32
    %max3A_14 = vector.broadcast %max3A : f32 to vector<2000x128xf32>
    %max3A_15 = arith.maximumf %add3A_13, %max3A_14 : vector<2000x128xf32>
    %eq3A = arith.constant 0 : i32
    %eq3A_16 = arith.cmpi eq, %arg0, %eq3A : i32
    %convert_element_type3A = arith.extui %eq3A_16 : i1 to i32
    %cond3A = arith.constant 0 : i32
    %cond3A_17 = arith.cmpi ne, %convert_element_type3A, %cond3A : i32
    scf.if %cond3A_17 {
      %broadcast_in_dim3A_30 = arith.constant 0.000000e+00 : f32
      %broadcast_in_dim3A_31 = vector.broadcast %broadcast_in_dim3A_30 : f32 to vector<1x128xf32>
      %swap3A_32 = arith.constant 0 : index
      %swap3A_33 = arith.constant 0 : index
      %swap3A_34 = vector.load %arg8[%swap3A_32, %swap3A_33] : memref<1x128xf32, #tpu.memory_space<vmem>>, vector<1x128xf32>
      tpu.vector_store %arg8[%swap3A_32, %swap3A_33], %broadcast_in_dim3A_31 {strides = array<i32>} : memref<1x128xf32, #tpu.memory_space<vmem>>, vector<1x128xf32>,
    } else {
    }
    %get3A_18 = arith.constant 0 : index
    %get3A_19 = arith.constant 0 : index
    %get3A_20 = vector.load %arg8[%get3A_18, %get3A_19] : memref<1x128xf32, #tpu.memory_space<vmem>>, vector<1x128xf32>
    %reduce_sum3A = arith.constant dense<0.000000e+00> : vector<128xf32>
    %reduce_sum3A_21 = vector.multi_reduction <add>, %max3A_15, %reduce_sum3A [0] : vector<2000x128xf32> to vector<128xf32>
    %broadcast_in_dim3A = vector.shape_cast %reduce_sum3A_21 : vector<128xf32> to vector<1x128xf32>
    %add3A_22 = arith.addf %get3A_20, %broadcast_in_dim3A : vector<1x128xf32>
    %swap3A = arith.constant 0 : index
    %swap3A_23 = arith.constant 0 : index
    %swap3A_24 = vector.load %arg8[%swap3A, %swap3A_23] : memref<1x128xf32, #tpu.memory_space<vmem>>, vector<1x128xf32>
    tpu.vector_store %arg8[%swap3A, %swap3A_23], %add3A_22 {strides = array<i32>} : memref<1x128xf32, #tpu.memory_space<vmem>>, vector<1x128xf32>,
    %eq3A_25 = arith.constant 4 : i32
    %eq3A_26 = arith.cmpi eq, %arg0, %eq3A_25 : i32
    %convert_element_type3A_27 = arith.extui %eq3A_26 : i1 to i32
    %cond3A_28 = arith.constant 0 : i32
    %cond3A_29 = arith.cmpi ne, %convert_element_type3A_27, %cond3A_28 : i32
    scf.if %cond3A_29 {
      %get3A_30 = arith.constant 0 : index
      %get3A_31 = arith.constant 0 : index
      %get3A_32 = vector.load %arg8[%get3A_30, %get3A_31] : memref<1x128xf32, #tpu.memory_space<vmem>>, vector<1x128xf32>
      %div3A = arith.constant 1.000000e+04 : f32
      %div3A_33 = vector.broadcast %div3A : f32 to vector<1x128xf32>
      %div3A_34 = arith.divf %get3A_32, %div3A_33 : vector<1x128xf32>
      %get3A_35 = arith.constant 0 : index
      %get3A_36 = arith.constant 0 : index
      %get3A_37 = vector.load %arg5[%get3A_35, %get3A_36] : memref<128x128xf32, #tpu.memory_space<vmem>>, vector<128x128xf32>
      %dot_general3A = arith.constant dense<0.000000e+00> : vector<1x128xf32>
      %dot_general3A_38 = tpu.matmul %div3A_34, %get3A_37, %dot_general3A {dimension_numbers = #tpu.dot_dimension_numbers<[1], [0], [0], [1], [0, 0, 1, 1], [], []>, transpose_lhs_hint = false} : vector<1x128xf32>, vector<128x128xf32>, vector<1x128xf32> -> vector<1x128xf32>
      %get3A_39 = arith.constant 0 : index
      %get3A_40 = arith.constant 0 : index
      %get3A_41 = vector.load %arg6[%get3A_39, %get3A_40] : memref<1x128xf32, #tpu.memory_space<vmem>>, vector<1x128xf32>
      %add3A_42 = arith.addf %dot_general3A_38, %get3A_41 : vector<1x128xf32>
      %swap3A_43 = arith.constant 0 : index
      %swap3A_44 = arith.constant 0 : index
      %swap3A_45 = vector.load %arg7[%swap3A_43, %swap3A_44] : memref<1x128xf32, #tpu.memory_space<vmem>>, vector<1x128xf32>
      tpu.vector_store %arg7[%swap3A_43, %swap3A_44], %add3A_42 {strides = array<i32>} : memref<1x128xf32, #tpu.memory_space<vmem>>, vector<1x128xf32>,
    } else {
    }
    return
  }
  func.func @transform_0(%arg0: i32) -> (i32, i32) {
    %c0_i32 = arith.constant 0 : i32
    %c0_i32_0 = arith.constant 0 : i32
    return %arg0, %c0_i32 : i32, i32
  }
  func.func @transform_1(%arg0: i32) -> (i32, i32) {
    %add3A = arith.constant 5 : i32
    %add3A_0 = arith.addi %arg0, %add3A : i32
    %c0_i32 = arith.constant 0 : i32
    %c0_i32_1 = arith.constant 0 : i32
    return %add3A_0, %c0_i32 : i32, i32
  }
  func.func @transform_2(%arg0: i32) -> (i32, i32) {
    %c0_i32 = arith.constant 0 : i32
    %c0_i32_0 = arith.constant 0 : i32
    return %arg0, %c0_i32 : i32, i32
  }
  func.func @transform_3(%arg0: i32) -> (i32, i32) {
    %c0_i32 = arith.constant 0 : i32
    %c0_i32_0 = arith.constant 0 : i32
    %c0_i32_1 = arith.constant 0 : i32
    return %c0_i32, %c0_i32_0 : i32, i32
  }
  func.func @transform_4(%arg0: i32) -> (i32, i32) {
    %c0_i32 = arith.constant 0 : i32
    %c0_i32_0 = arith.constant 0 : i32
    %c0_i32_1 = arith.constant 0 : i32
    return %c0_i32, %c0_i32_0 : i32, i32
  }
  func.func @transform_5(%arg0: i32) -> (i32, i32) {
    %c0_i32 = arith.constant 0 : i32
    %c0_i32_0 = arith.constant 0 : i32
    %c0_i32_1 = arith.constant 0 : i32
    return %c0_i32, %c0_i32_0 : i32, i32
  }
  func.func @transform_6(%arg0: i32) -> (i32, i32) {
    %c0_i32 = arith.constant 0 : i32
    %c0_i32_0 = arith.constant 0 : i32
    %c0_i32_1 = arith.constant 0 : i32
    return %c0_i32, %c0_i32_0 : i32, i32
  }
}

</mosaic_0001>

<sc_bundles>
// kernel: kernel.11.cloned.1.call-start
scs
__scs_entry_jumppad:
0x0: {  	(pc) =	sbr.rel $0x88, $3  }
0x1: {  	(tag) =	ssettag $0x0;
	lr =	simm.s32 $0x1  }
0x2: {  	[smem:$0x3F97] =	sst lr;
	_ =	strace $0xD0000000  }
0x3: {  	_ = 	snop  }
0x4: {  	_ = 	snop  }
0x5: {  	_ = 	snop  }
0x6: {  	_ = 	snop  }
0x7: {  	_ = 	snop  }
__scs_overlays_trampoline_lowered:
0x8: {  	[smem:$0x3FA6] =	sst s0  }
0x9: {  	[smem:$0x3FA7] =	sst s1  }
0xa: {  	[smem:$0x3FA8] =	sst s2  }
0xb: {  	[smem:$0x3FA9] =	sst s3  }
0xc: {  	[smem:$0x3FAA] =	sst s4  }
0xd: {  	[smem:$0x3FAB] =	sst s5  }
0xe: {  	[smem:$0x3FAC] =	sst s6  }
0xf: {  	[smem:$0x3FAD] =	sst s7  }
0x10: {  	[smem:$0x3FAE] =	sst s8  }
0x11: {  	[smem:$0x3FAF] =	sst s9;
	s0 =	simm.s32 @!p0 $0x0  }
0x12: {  	s1 =	sld [smem:$0x3F95];
	s0 =	simm.s32 @p0 $0x1  }
0x13: {  	[smem:$0x3FB0] =	sst s0;
	s0 =	simm.s32 @!p1 $0x0  }
0x14: {  	s2 =	sld [smem:$0x3F94];
	s0 =	simm.s32 @p1 $0x1  }
0x15: {  	[smem:$0x3FB1] =	sst s0;
	s0 =	simm.s32 @!p2 $0x0  }
0x16: {  	s3 =	sld [smem:$0x3FDB];
	s0 =	simm.s32 @p2 $0x1  }
0x17: {  	s4 =	simm.s32 $0x1BF5;
	[smem:$0x3FB3] =	sst s0  }
0x18: {  	s0 =	sld [smem:$0x3F96];
	_ =	swait.ge [sflag:s4], $0x0  }
0x19: {  	s7 =	sld [smem:$0x3F97]  }
0x1a: {  	s8 =	sadd.s32 $0xFFFFE003, lr  }
0x1b: {  	s9 =	sadd.s32 $0xFFFFFEF7, lr;
	s5 =	simm.s32 $0xFFFFFFFF;
	p2 =	slt.u32 s8, $0xFFFFF086  }
0x1c: {  	p1 =	slt.u32 s9, $0xF7A;
	s5 =	simm.s32 @!p2 $0x0  }
0x1d: {  	s5 =	simm.s32 @p1 $0x1;
	p0 =	seq.s32 s7, s2  }
0x1e: {  	s7 =	smul.u32 @!p0 $0xF7A, s2;
	p2 =	seq.s32 @!p0 s5, $0x0  }
0x1f: {  	s9 =	smul.u32 $0xF7A, s1;
	s8 =	simm.s32 @!p0 $0x1BF5;
	p2 =	por !p2, p0  }
0x20: {  	[sflag:s8] =	ssyncset.s32 @!p0 $0xFFFFF086;
	s6 =	sadd.s32 @!p0 s3, s7;
	s7 =	simm.s32 @!p0 $0x108  }
0x21: {  	s3 =	sadd.s32 s3, s9;
	s6 =	sadd.s32 @!p0 $0x88, s6;
	s7 =	simm.s32 @p2 $0x1082  }
0x22: {  	[simem:s7], [sflag:s8] =	dma.local @!p0 [hbm:s6], $0xF7A  }
0x23: {  	s9 =	sor.u32 $0xD0000000, s2;
	s6 =	simm.s32 $0x108;
	_ =	swait.ge @!p0 [sflag:s8], $0x0  }
0x24: {  	s3 =	sadd.s32 $0x88, s3;
	s6 =	simm.s32 @!p1 $0x1082;
	[sflag:s4] =	ssyncset.s32 $0xFFFFF086  }
0x25: {  	[simem:s6], [sflag:s4] =	dma.local [hbm:s3], $0xF7A  }
0x26: {  	[smem:$0x3F97] =	sst s1;
	(tag) =	ssettag s2;
	_ =	strace s9  }
0x27: {  	s1 =	sld [smem:$0x3FA7]  }
0x28: {  	s2 =	sld [smem:$0x3FA8]  }
0x29: {  	s4 =	sld [smem:$0x3FAA]  }
0x2a: {  	p0 =	seq.s32 s5, $0x0;
	s5 =	sld [smem:$0x3FAB]  }
0x2b: {  	s6 =	sld [smem:$0x3FAC]  }
0x2c: {  	s7 =	sld [smem:$0x3FAD]  }
0x2d: {  	s3 =	simm.s32 $0x108;
	s8 =	sld [smem:$0x3FAE]  }
0x2e: {  	s3 =	simm.s32 @!p0 $0x1082;
	s9 =	sld [smem:$0x3FAF]  }
0x2f: {  	lr =	sadd.s32 s0, s3;
	s0 =	sld [smem:$0x3FA6]  }
0x30: {  	s3 =	sld [smem:$0x3FA9]  }
0x31: {  	[smem:$0x3FB2] =	sst s10  }
0x32: {  	s10 =	sld [smem:$0x3FB0];
	_ =	sdelay $0x3  }
0x33: {  	p0 =	seq.s32 s10, $0x1;
	s10 =	sld [smem:$0x3FB2];
	_ =	sdelay $0x3  }
0x34: {  	[smem:$0x3FB2] =	sst s10  }
0x35: {  	s10 =	sld [smem:$0x3FB1];
	_ =	sdelay $0x3  }
0x36: {  	p1 =	seq.s32 s10, $0x1;
	s10 =	sld [smem:$0x3FB2];
	_ =	sdelay $0x3  }
0x37: {  	[smem:$0x3FB2] =	sst s10  }
0x38: {  	s10 =	sld [smem:$0x3FB3]  }
0x39: {  	_ = 	snop;
	(pc) =	sbr.ind lr, $3  }
0x3a: {  	_ = 	snop  }
0x3b: {  	_ = 	snop  }
0x3c: {  	p2 =	seq.s32 s10, $0x1;
	s10 =	sld [smem:$0x3FB2]  }
0x3d: {  	_ =	shalt  }
0x3e: {  	_ =	shalt  }
0x3f: {  	_ =	shalt  }
0x40: {  	_ =	shalt  }
0x41: {  	_ =	shalt  }
0x42: {  	_ =	shalt  }
0x43: {  	_ =	shalt  }
0x44: {  	_ =	shalt  }
0x45: {  	_ =	shalt  }
0x46: {  	_ =	shalt  }
0x47: {  	_ =	shalt  }
0x48: {  	_ =	shalt  }
0x49: {  	_ =	shalt  }
0x4a: {  	_ =	shalt  }
0x4b: {  	_ =	shalt  }
0x4c: {  	_ =	shalt  }
0x4d: {  	_ =	shalt  }
0x4e: {  	_ =	shalt  }
0x4f: {  	_ =	shalt  }
0x50: {  	_ =	shalt  }
0x51: {  	_ =	shalt  }
0x52: {  	_ =	shalt  }
0x53: {  	_ =	shalt  }
0x54: {  	_ =	shalt  }
0x55: {  	_ =	shalt  }
0x56: {  	_ =	shalt  }
0x57: {  	_ =	shalt  }
0x58: {  	_ =	shalt  }
0x59: {  	_ =	shalt  }
0x5a: {  	_ =	shalt  }
0x5b: {  	_ =	shalt  }
0x5c: {  	_ =	shalt  }
0x5d: {  	_ =	shalt  }
0x5e: {  	_ =	shalt  }
0x5f: {  	_ =	shalt  }
0x60: {  	_ =	shalt  }
0x61: {  	_ =	shalt  }
0x62: {  	_ =	shalt  }
0x63: {  	_ =	shalt  }
0x64: {  	_ =	shalt  }
0x65: {  	_ =	shalt  }
0x66: {  	_ =	shalt  }
0x67: {  	_ =	shalt  }
0x68: {  	_ =	shalt  }
0x69: {  	_ =	shalt  }
0x6a: {  	_ =	shalt  }
0x6b: {  	_ =	shalt  }
0x6c: {  	_ =	shalt  }
0x6d: {  	_ =	shalt  }
0x6e: {  	_ =	shalt  }
0x6f: {  	_ =	shalt  }
0x70: {  	_ =	shalt  }
0x71: {  	_ =	shalt  }
0x72: {  	_ =	shalt  }
0x73: {  	_ =	shalt  }
0x74: {  	_ =	shalt  }
0x75: {  	_ =	shalt  }
0x76: {  	_ =	shalt  }
0x77: {  	_ =	shalt  }
0x78: {  	_ =	shalt  }
0x79: {  	_ =	shalt  }
0x7a: {  	_ =	shalt  }
0x7b: {  	_ =	shalt  }
0x7c: {  	_ =	shalt  }
0x7d: {  	_ =	shalt  }
0x7e: {  	_ =	shalt  }
0x7f: {  	_ =	shalt  }
0x80: {  	_ =	shalt  }
0x81: {  	_ =	shalt  }
0x82: {  	_ =	shalt  }
0x83: {  	_ =	shalt  }
0x84: {  	_ =	shalt  }
0x85: {  	_ =	shalt  }
0x86: {  	_ =	shalt  }
0x87: {  	_ =	shalt  }
.Lfunc_end0:
.L_simem_size_0:
called_computation_lowered:
.L_overlay_start_0:
0x88: {  	s2 =	sld [smem:$0x3FD9]  }
0x89: {  	s3 =	sld [smem:$0x3FFE];
	_ =	sdelay $0x1  }
0x8a: {  	s1 =	srdreg.scid  }
0x8b: {  	s0 =	sand.u32 $0x1, s1  }
0x8c: {  	s16 =	sshll.u32 s0, $0xA;
	s2 =	sadd.s32 s3, s2  }
0x8d: {  	s2 =	sadd.s32 s2, s16  }
0x8e: {  	[smem:$0x3FBE] =	sst s2  }
0x8f: {  	_ = 	snop  }
0x90: {  	(tm) =	ssettm $0x1  }
0x91: {  	s17 =	sld [smem:$0x3FFB];
	_ =	sdelay $0x3  }
0x92: {  	_ =	strace s17  }
0x93: {  	s2 =	sld [smem:$0x3FFC];
	_ =	sdelay $0x3  }
0x94: {  	_ =	strace s2  }
0x95: {  	s2 =	sld [smem:$0x3FFD];
	_ =	sdelay $0x3  }
0x96: {  	_ =	strace s2  }
0x97: {  	_ =	strace $0x8FFFFFFF  }
0x98: {  	s18 =	sld [smem:$0x3FDB];
	_ =	sdelay $0x1  }
0x99: {  	s19 =	simm.s32 $_scs_section_size  }
0x9a: {  	s4 =	simm.s32 $_size__tile_overlayer_lowered;
	s5 =	simm.s32 $_tile_overlayer_lowered  }
0x9b: {  	s22 =	simm.s32 $0x1BFF;
	s21 =	sshll.u32 s5, $0x1;
	s2 =	sadd.s32 s19, s18  }
0x9c: {  	s6 =	simm.s32 $0x0;
	s20 =	sshll.u32 s4, $0x1;
	s4 =	sadd.s32 s21, s2  }
0x9d: {  	[timem:s6], [sflag:s22] =	dma.local [hbm:s4], s20  }
0x9e: {  	_ =	swait.ge [sflag:s22], s20  }
0x9f: {  	s3 =	ssub.s32 $0x0, s20;
	[sflag:s22] =	ssyncset.done $0x0  }
0xa0: {  	[sflag:s22] =	ssyncadd.s32 s3;
	_ =	sdelay $0x1  }
0xa1: {  	s23 =	simm.s32 $0x1B8B  }
0xa2: {  	_ =	swait.ge [sflag:s23], $0x1  }
0xa3: {  	[sflag:s23] =	ssyncset.done $0x0  }
0xa4: {  	s25 =	simm.s32 $0x1B8E;
	s24 =	sld [smem:$0x3FFE];
	[sflag:s23] =	ssyncadd.s32 $0xFFFFFFFF  }
0xa5: {  	s26 =	simm.s32 $execute0_lowered;
	[smem:$0x3FD2] =	sst s25  }
0xa6: {  	s4 =	sshll.u32 s26, $0x1;
	_ =	strace $0x80000046;
	[dreg:$0x1] =	wrdreg $0xFFFFFFFF  }
0xa7: {  	s28 =	simm.s32 $_size_execute0_lowered;
	s2 =	sadd.s32 s2, s4;
	[dreg:$0x0] =	wrdreg $0x0  }
0xa8: {  	s4 =	sshll.u32 s28, $0x1;
	[dreg:$0x2] =	wrdreg s2  }
0xa9: {  	[dreg:$0x3] =	wrdreg s4  }
0xaa: {  	[dreg:$0x4] =	wrdreg $0xC0  }
0xab: {  	_ =	task [dreg:s6], $0x5FFFF  }
0xac: {  	[dreg:$0x1] =	wrdreg $0xFFFFFFFF  }
0xad: {  	[dreg:$0x0] =	wrdreg $0x60  }
0xae: {  	[dreg:$0x2] =	wrdreg s24  }
0xaf: {  	[dreg:$0x3] =	wrdreg $0x0  }
0xb0: {  	[dreg:$0x4] =	wrdreg $0x9  }
0xb1: {  	_ =	task.clear_ibuf [dreg:s6], $0x5FFFF;
	_ =	strace $0x90000046  }
0xb2: {  	s29 =	simm.s32 $0x9;
	_ =	strace $0x80000048  }
0xb3: {  	_ =	swait.ge [sflag:s29], $0x1  }
0xb4: {  	[sflag:s29] =	ssyncadd.s32 $0xFFFFFFFF  }
0xb5: {  	_ =	strace $0x90000048  }
0xb6: {  	_ =	sfence  }
0xb7: {  	s30 =	sld [smem:$0x0];
	_ =	sdelay $0x2  }
0xb8: {  	s31 =	sshll.u32 s1, $0xD;
	s1 =	sshrl.u32 s1, $0x2  }
0xb9: {  	s3 =	sand.u32 $0x4000, s31;
	s1 =	sadd.s32 s1, s30  }
0xba: {  	s0 =	sor.u32 s3, s0;
	s1 =	sshll.u32 s1, $0x11  }
0xbb: {  	s0 =	sor.u32 s1, s0  }
0xbc: {  	s0 =	sadd.s32 $0x8F2B, s0  }
0xbd: {  	[sflag:s0] =	ssyncadd.remote.s32 $0x1  }
0xbe: {  	_ =	sfence.sel $0xFFFF  }
0xbf: {  	[dreg:$0x0] =	wrdreg $0xFFFFFFFF;
	(pc) =	sbr.abs _section_cstart, $3  }
0xc0: {  	[dreg:$0x1] =	wrdreg $0xFFFFFFFF  }
0xc1: {  	_ =	task.clear_ibuf [dreg:s6], $0x2FFFF;
	_ =	strace $0x9FFFFFFF  }
0xc2: {  	(tm) =	ssettm $0x7FFFFFFF  }
0xc3: {  	_ =	shalt  }
tec
execute0_lowered:
.L_overlay_start_1:
0x0: {  	(tag) =	ssettag $0x1  }
0x1: {  	s4 =	rddreg [dreg:$0x0];
	s0 =	stileid.u32  }
0x2: {  	s1 =	srdreg.scid;
	s2 =	rddreg [dreg:$0x1]  }
0x3: {  	s3 =	simm.s32 $0x0;
	s10 =	simm.s32 $0x280;
	s11 =	simm.s32 $0x50  }
0x4: {  	s12 =	simm.s32 $0x4280;
	s5 =	sand.u32 $0x1, s1;
	s1 =	rddreg [dreg:$0x2]  }
0x5: {  	s15 =	simm.s32 $0x0;
	s6 =	smul.u32 $0x280, s0;
	[smem:$0x7FF] =	sst s3  }
0x6: {  	s8 =	sshll.u32 s0, $0xB;
	s13 =	sshll.u32 s0, $0x6;
	s7 =	smul.u32 $0x2800, s5  }
0x7: {  	_ =	strace $0x80000047;
	s8 =	sadd.s32 s8, s4;
	s9 =	ssub.s32 $0x2, s5  }
0x8: {  	s5 =	sshll.u32 s5, $0xF;
	s13 =	sor.u32 $0x1C01, s13;
	s7 =	sadd.s32 s6, s7  }
0x9: {  	s31 =	sshrl.u32 s9, $0x1;
	s5 =	sadd.s32 s5, s8;
	s7 =	sshrl.u32 s7, $0x3  }
0xa: {  	s8 =	simm.s32 $0x4300;
	s9 =	ssub.s32 s9, s31;
	s7 =	sadd.s32 s7, s4  }
0xb: {  	s5 =	sadd.s32 $0x16600, s5;
	s4 =	sadd.s32 s6, s2;
	s6 =	sadd.s32 $0x26600, s7  }
0xc: {  	v0 =	vimm.f32 $0.0e+00;
	v1 =	vimm.f32 $1.000000000e+00;
	s7 =	smax.u32 s9, $0x1;
	s9 =	simm.s32 $0x1;
	s14 =	sshrl.u32 s4, $0x3  }
.LBB2_1:
0xd: {  	[tilespmem:$0x4300] =	vst v0  }
0xe: {  	[tilespmem:$0x4310] =	vst v0  }
0xf: {  	[tilespmem:$0x4320] =	vst v0  }
0x10: {  	[tilespmem:$0x4330] =	vst v0  }
0x11: {  	[tilespmem:$0x4340] =	vst v0  }
0x12: {  	[tilespmem:$0x4350] =	vst v0  }
0x13: {  	[tilespmem:$0x4360] =	vst v0  }
0x14: {  	[tilespmem:$0x4370] =	vst v0  }
0x15: {  	[tilespmem:$0x4380] =	vst v0  }
0x16: {  	[tilespmem:$0x4390] =	vst v0  }
0x17: {  	[tilespmem:$0x43A0] =	vst v0  }
0x18: {  	[tilespmem:$0x43B0] =	vst v0  }
0x19: {  	[tilespmem:$0x43C0] =	vst v0  }
0x1a: {  	[tilespmem:$0x43D0] =	vst v0  }
0x1b: {  	[tilespmem:$0x43E0] =	vst v0  }
0x1c: {  	[tilespmem:$0x43F0] =	vst v0  }
0x1d: {  	[tilespmem:$0x4400] =	vst v0  }
0x1e: {  	[tilespmem:$0x4410] =	vst v0  }
0x1f: {  	[tilespmem:$0x4420] =	vst v0  }
0x20: {  	[tilespmem:$0x4430] =	vst v0  }
0x21: {  	[tilespmem:$0x4440] =	vst v0  }
0x22: {  	[tilespmem:$0x4450] =	vst v0  }
0x23: {  	[tilespmem:$0x4460] =	vst v0  }
0x24: {  	[tilespmem:$0x4470] =	vst v0  }
0x25: {  	[tilespmem:$0x4480] =	vst v0  }
0x26: {  	[tilespmem:$0x4490] =	vst v0  }
0x27: {  	[tilespmem:$0x44A0] =	vst v0  }
0x28: {  	[tilespmem:$0x44B0] =	vst v0  }
0x29: {  	[tilespmem:$0x44C0] =	vst v0  }
0x2a: {  	[tilespmem:$0x44D0] =	vst v0  }
0x2b: {  	[tilespmem:$0x44E0] =	vst v0  }
0x2c: {  	[tilespmem:$0x44F0] =	vst v0  }
0x2d: {  	[tilespmem:$0x4500] =	vst v0  }
0x2e: {  	[tilespmem:$0x4510] =	vst v0  }
0x2f: {  	[tilespmem:$0x4520] =	vst v0  }
0x30: {  	[tilespmem:$0x4530] =	vst v0  }
0x31: {  	[tilespmem:$0x4540] =	vst v0  }
0x32: {  	[tilespmem:$0x4550] =	vst v0  }
0x33: {  	[tilespmem:$0x4560] =	vst v0  }
0x34: {  	[tilespmem:$0x4570] =	vst v0  }
0x35: {  	[tilespmem:$0x4280] =	vst v1  }
0x36: {  	[tilespmem:$0x4290] =	vst v1  }
0x37: {  	[tilespmem:$0x42A0] =	vst v1  }
0x38: {  	[tilespmem:$0x42B0] =	vst v1  }
0x39: {  	[tilespmem:$0x42C0] =	vst v1  }
0x3a: {  	[spmem:s4] =	stream.linear.scatter [tilespmem:s8], [sflag:$0x1], $0x280, $0x38;
	[tilespmem:$0x4580] =	vst v63  }
0x3b: {  	_ =	swait.ge [sflag:s9], $0x280  }
0x3c: {  	[sflag:s9] =	ssyncset.done $0x0  }
0x3d: {  	[sflag:s9] =	ssyncadd.s32 $0xFFFFFD80  }
0x3e: {  	[tilespmem:s10], [sflag:$0x1] =	stream.linear.gather [hbm4b:s5+s3], $0x3E80, $0x38;
	[tilespmem:$0x4580] =	vst v63  }
0x3f: {  	_ =	swait.ge [sflag:s9], $0x3E80  }
0x40: {  	[sflag:s9] =	ssyncset.done $0x0  }
0x41: {  	[sflag:s9] =	ssyncadd.s32 $0xFFFFC180  }
0x42: {  	s16 =	simm.s32 $0x280;
	[bflag:$0x0] =	sbarrier.arrive $0xFFFF  }
0x43: {  	[spmem:s2] =	stream.indirect.scatter.add.f32 [tilespmem:s12], [sflag:$0x1], $0x1, s16, s11, $0xb8;
	[tilespmem:$0x4580] =	vst v63  }
0x44: {  	s16 =	simm.s32 $0x200;
	_ =	swait.ge [sflag:s9], $0x50  }
.LBB2_2:
0x45: {  	s17 =	sshra.s32 s16, $0x2;
	[sflag:s9] =	ssyncset.done $0x0;
	p0 =	sne.s32 s16, $0xF800  }
.Ltmp0:
0x46: {  	s17 =	sadd.s32 $0x280, s17;
	[sflag:s9] =	ssyncadd.s32 $0xFFFFFFB0;
	(pc) =	sbr.rel @p0 .LBB2_2-.Ltmp0, $3  }
0x47: {  	[spmem:s2] =	stream.indirect.scatter.add.f32 [tilespmem:s12], [sflag:$0x1], $0x1, s17, s11, $0xb8;
	[tilespmem:$0x4580] =	vst v63  }
0x48: {  	s16 =	sadd.s32 $0x200, s16;
	_ =	sdelay $0x1  }
0x49: {  	_ =	swait.ge [sflag:s9], $0x50  }
0x4a: {  	[sflag:s9] =	ssyncset.done $0x0;
	s15 =	sadd.s32 $0x1, s15  }
0x4b: {  	[sflag:s9] =	ssyncadd.s32 $0xFFFFFFB0;
	p0 =	sne.s32 s15, s7  }
.Ltmp1:
0x4c: {  	[bflag:$0x0] =	sbarrier.arrive $0xFFFF;
	(pc) =	sbr.rel @p0 .LBB2_1-.Ltmp1, $4  }
0x4d: {  	[hbm:s6], [sflag:s13] =	dma.local [spmem:s14], $0x50  }
0x4e: {  	_ =	swait.ge [sflag:s9], $0x50  }
0x4f: {  	[sflag:s9] =	ssyncset.done $0x0  }
0x50: {  	[sflag:s9] =	ssyncadd.s32 $0xFFFFFFB0  }
0x51: {  	_ =	sfence.sel $0x180000  }
0x52: {  	[bflag:$0x0] =	sbarrier.arrive $0xFFFF  }
0x53: {  	p0 =	sne.s32 s0, $0x0;
	_ =	strace $0x90000047  }
0x54: {  	s0 =	sadd.s32 @!p0 $0x100000, s1;
	[bflag:$0x2] =	sbarrier.arrive $0xFFFF  }
0x55: {  	[sflag:s0] =	ssyncadd.tile.s32 @!p0 $0x1;
	_ =	shalt  }
.Lfunc_end2:
_tile_overlayer_lowered:
.L_overlay_start_2:
0x56: {  	(tag) =	ssettag $0x2  }
0x57: {  	s0 =	rddreg [dreg:$0x0];
	s2 =	stileid.u32  }
0x58: {  	s1 =	rddreg [dreg:$0x1];
	p0 =	sne.s32 s2, $0x0  }
0x59: {  	s3 =	rddreg [dreg:$0x2];
	[bflag:$0x3] =	sbarrier.arrive $0xFFFF;
	s2 =	simm.s32 @!p0 $0x1C01  }
0x5a: {  	[timem:s3], [sflag:s2] =	dma.local @!p0 [hbm:s0], s1  }
0x5b: {  	s0 =	simm.s32 @!p0 $0x1  }
0x5c: {  	_ =	swait.ge @!p0 [sflag:s0], s1  }
0x5d: {  	s1 =	ssub.s32 @!p0 $0x0, s1;
	[sflag:s0] =	ssyncset.done @!p0 $0x0  }
0x5e: {  	[sflag:s0] =	ssyncadd.s32 @!p0 s1  }
0x5f: {  	[bflag:$0x3] =	sbarrier.arrive $0xFFFF  }
0x60: {  	_ =	shalt  }

// kernel: kernel.14.cloned.1.call-start
scs
__scs_entry_jumppad:
0x0: {  	(pc) =	sbr.rel $0x88, $3  }
0x1: {  	(tag) =	ssettag $0x0;
	lr =	simm.s32 $0x1  }
0x2: {  	[smem:$0x3F97] =	sst lr;
	_ =	strace $0xD0000000  }
0x3: {  	_ = 	snop  }
0x4: {  	_ = 	snop  }
0x5: {  	_ = 	snop  }
0x6: {  	_ = 	snop  }
0x7: {  	_ = 	snop  }
__scs_overlays_trampoline_lowered:
0x8: {  	[smem:$0x3FA6] =	sst s0  }
0x9: {  	[smem:$0x3FA7] =	sst s1  }
0xa: {  	[smem:$0x3FA8] =	sst s2  }
0xb: {  	[smem:$0x3FA9] =	sst s3  }
0xc: {  	[smem:$0x3FAA] =	sst s4  }
0xd: {  	[smem:$0x3FAB] =	sst s5  }
0xe: {  	[smem:$0x3FAC] =	sst s6  }
0xf: {  	[smem:$0x3FAD] =	sst s7  }
0x10: {  	[smem:$0x3FAE] =	sst s8  }
0x11: {  	[smem:$0x3FAF] =	sst s9;
	s0 =	simm.s32 @!p0 $0x0  }
0x12: {  	s1 =	sld [smem:$0x3F95];
	s0 =	simm.s32 @p0 $0x1  }
0x13: {  	[smem:$0x3FB0] =	sst s0;
	s0 =	simm.s32 @!p1 $0x0  }
0x14: {  	s2 =	sld [smem:$0x3F94];
	s0 =	simm.s32 @p1 $0x1  }
0x15: {  	[smem:$0x3FB1] =	sst s0;
	s0 =	simm.s32 @!p2 $0x0  }
0x16: {  	s3 =	sld [smem:$0x3FDB];
	s0 =	simm.s32 @p2 $0x1  }
0x17: {  	s4 =	simm.s32 $0x1BF5;
	[smem:$0x3FB3] =	sst s0  }
0x18: {  	s0 =	sld [smem:$0x3F96];
	_ =	swait.ge [sflag:s4], $0x0  }
0x19: {  	s7 =	sld [smem:$0x3F97]  }
0x1a: {  	s8 =	sadd.s32 $0xFFFFE003, lr  }
0x1b: {  	s9 =	sadd.s32 $0xFFFFFEF7, lr;
	s5 =	simm.s32 $0xFFFFFFFF;
	p2 =	slt.u32 s8, $0xFFFFF086  }
0x1c: {  	p1 =	slt.u32 s9, $0xF7A;
	s5 =	simm.s32 @!p2 $0x0  }
0x1d: {  	s5 =	simm.s32 @p1 $0x1;
	p0 =	seq.s32 s7, s2  }
0x1e: {  	s7 =	smul.u32 @!p0 $0xF7A, s2;
	p2 =	seq.s32 @!p0 s5, $0x0  }
0x1f: {  	s9 =	smul.u32 $0xF7A, s1;
	s8 =	simm.s32 @!p0 $0x1BF5;
	p2 =	por !p2, p0  }
0x20: {  	[sflag:s8] =	ssyncset.s32 @!p0 $0xFFFFF086;
	s6 =	sadd.s32 @!p0 s3, s7;
	s7 =	simm.s32 @!p0 $0x108  }
0x21: {  	s3 =	sadd.s32 s3, s9;
	s6 =	sadd.s32 @!p0 $0x88, s6;
	s7 =	simm.s32 @p2 $0x1082  }
0x22: {  	[simem:s7], [sflag:s8] =	dma.local @!p0 [hbm:s6], $0xF7A  }
0x23: {  	s9 =	sor.u32 $0xD0000000, s2;
	s6 =	simm.s32 $0x108;
	_ =	swait.ge @!p0 [sflag:s8], $0x0  }
0x24: {  	s3 =	sadd.s32 $0x88, s3;
	s6 =	simm.s32 @!p1 $0x1082;
	[sflag:s4] =	ssyncset.s32 $0xFFFFF086  }
0x25: {  	[simem:s6], [sflag:s4] =	dma.local [hbm:s3], $0xF7A  }
0x26: {  	[smem:$0x3F97] =	sst s1;
	(tag) =	ssettag s2;
	_ =	strace s9  }
0x27: {  	s1 =	sld [smem:$0x3FA7]  }
0x28: {  	s2 =	sld [smem:$0x3FA8]  }
0x29: {  	s4 =	sld [smem:$0x3FAA]  }
0x2a: {  	p0 =	seq.s32 s5, $0x0;
	s5 =	sld [smem:$0x3FAB]  }
0x2b: {  	s6 =	sld [smem:$0x3FAC]  }
0x2c: {  	s7 =	sld [smem:$0x3FAD]  }
0x2d: {  	s3 =	simm.s32 $0x108;
	s8 =	sld [smem:$0x3FAE]  }
0x2e: {  	s3 =	simm.s32 @!p0 $0x1082;
	s9 =	sld [smem:$0x3FAF]  }
0x2f: {  	lr =	sadd.s32 s0, s3;
	s0 =	sld [smem:$0x3FA6]  }
0x30: {  	s3 =	sld [smem:$0x3FA9]  }
0x31: {  	[smem:$0x3FB2] =	sst s10  }
0x32: {  	s10 =	sld [smem:$0x3FB0];
	_ =	sdelay $0x3  }
0x33: {  	p0 =	seq.s32 s10, $0x1;
	s10 =	sld [smem:$0x3FB2];
	_ =	sdelay $0x3  }
0x34: {  	[smem:$0x3FB2] =	sst s10  }
0x35: {  	s10 =	sld [smem:$0x3FB1];
	_ =	sdelay $0x3  }
0x36: {  	p1 =	seq.s32 s10, $0x1;
	s10 =	sld [smem:$0x3FB2];
	_ =	sdelay $0x3  }
0x37: {  	[smem:$0x3FB2] =	sst s10  }
0x38: {  	s10 =	sld [smem:$0x3FB3]  }
0x39: {  	_ = 	snop;
	(pc) =	sbr.ind lr, $3  }
0x3a: {  	_ = 	snop  }
0x3b: {  	_ = 	snop  }
0x3c: {  	p2 =	seq.s32 s10, $0x1;
	s10 =	sld [smem:$0x3FB2]  }
0x3d: {  	_ =	shalt  }
0x3e: {  	_ =	shalt  }
0x3f: {  	_ =	shalt  }
0x40: {  	_ =	shalt  }
0x41: {  	_ =	shalt  }
0x42: {  	_ =	shalt  }
0x43: {  	_ =	shalt  }
0x44: {  	_ =	shalt  }
0x45: {  	_ =	shalt  }
0x46: {  	_ =	shalt  }
0x47: {  	_ =	shalt  }
0x48: {  	_ =	shalt  }
0x49: {  	_ =	shalt  }
0x4a: {  	_ =	shalt  }
0x4b: {  	_ =	shalt  }
0x4c: {  	_ =	shalt  }
0x4d: {  	_ =	shalt  }
0x4e: {  	_ =	shalt  }
0x4f: {  	_ =	shalt  }
0x50: {  	_ =	shalt  }
0x51: {  	_ =	shalt  }
0x52: {  	_ =	shalt  }
0x53: {  	_ =	shalt  }
0x54: {  	_ =	shalt  }
0x55: {  	_ =	shalt  }
0x56: {  	_ =	shalt  }
0x57: {  	_ =	shalt  }
0x58: {  	_ =	shalt  }
0x59: {  	_ =	shalt  }
0x5a: {  	_ =	shalt  }
0x5b: {  	_ =	shalt  }
0x5c: {  	_ =	shalt  }
0x5d: {  	_ =	shalt  }
0x5e: {  	_ =	shalt  }
0x5f: {  	_ =	shalt  }
0x60: {  	_ =	shalt  }
0x61: {  	_ =	shalt  }
0x62: {  	_ =	shalt  }
0x63: {  	_ =	shalt  }
0x64: {  	_ =	shalt  }
0x65: {  	_ =	shalt  }
0x66: {  	_ =	shalt  }
0x67: {  	_ =	shalt  }
0x68: {  	_ =	shalt  }
0x69: {  	_ =	shalt  }
0x6a: {  	_ =	shalt  }
0x6b: {  	_ =	shalt  }
0x6c: {  	_ =	shalt  }
0x6d: {  	_ =	shalt  }
0x6e: {  	_ =	shalt  }
0x6f: {  	_ =	shalt  }
0x70: {  	_ =	shalt  }
0x71: {  	_ =	shalt  }
0x72: {  	_ =	shalt  }
0x73: {  	_ =	shalt  }
0x74: {  	_ =	shalt  }
0x75: {  	_ =	shalt  }
0x76: {  	_ =	shalt  }
0x77: {  	_ =	shalt  }
0x78: {  	_ =	shalt  }
0x79: {  	_ =	shalt  }
0x7a: {  	_ =	shalt  }
0x7b: {  	_ =	shalt  }
0x7c: {  	_ =	shalt  }
0x7d: {  	_ =	shalt  }
0x7e: {  	_ =	shalt  }
0x7f: {  	_ =	shalt  }
0x80: {  	_ =	shalt  }
0x81: {  	_ =	shalt  }
0x82: {  	_ =	shalt  }
0x83: {  	_ =	shalt  }
0x84: {  	_ =	shalt  }
0x85: {  	_ =	shalt  }
0x86: {  	_ =	shalt  }
0x87: {  	_ =	shalt  }
.Lfunc_end0:
.L_simem_size_0:
called_computation.1_lowered:
.L_overlay_start_0:
0x88: {  	s2 =	sld [smem:$0x3FD9]  }
0x89: {  	s3 =	sld [smem:$0x3FFE];
	_ =	sdelay $0x1  }
0x8a: {  	s1 =	srdreg.scid  }
0x8b: {  	s0 =	sand.u32 $0x1, s1  }
0x8c: {  	s16 =	sshll.u32 s0, $0xA;
	s2 =	sadd.s32 s3, s2  }
0x8d: {  	s2 =	sadd.s32 s2, s16  }
0x8e: {  	[smem:$0x3FBE] =	sst s2  }
0x8f: {  	_ = 	snop  }
0x90: {  	(tm) =	ssettm $0x1  }
0x91: {  	s17 =	sld [smem:$0x3FFB];
	_ =	sdelay $0x3  }
0x92: {  	_ =	strace s17  }
0x93: {  	s2 =	sld [smem:$0x3FFC];
	_ =	sdelay $0x3  }
0x94: {  	_ =	strace s2  }
0x95: {  	s2 =	sld [smem:$0x3FFD];
	_ =	sdelay $0x3  }
0x96: {  	_ =	strace s2  }
0x97: {  	_ =	strace $0x8FFFFFFF  }
0x98: {  	s18 =	sld [smem:$0x3FDB];
	_ =	sdelay $0x1  }
0x99: {  	s19 =	simm.s32 $_scs_section_size  }
0x9a: {  	s4 =	simm.s32 $_size__tile_overlayer_lowered;
	s5 =	simm.s32 $_tile_overlayer_lowered  }
0x9b: {  	s22 =	simm.s32 $0x1BFF;
	s21 =	sshll.u32 s5, $0x1;
	s2 =	sadd.s32 s19, s18  }
0x9c: {  	s6 =	simm.s32 $0x0;
	s20 =	sshll.u32 s4, $0x1;
	s4 =	sadd.s32 s21, s2  }
0x9d: {  	[timem:s6], [sflag:s22] =	dma.local [hbm:s4], s20  }
0x9e: {  	_ =	swait.ge [sflag:s22], s20  }
0x9f: {  	s3 =	ssub.s32 $0x0, s20;
	[sflag:s22] =	ssyncset.done $0x0  }
0xa0: {  	[sflag:s22] =	ssyncadd.s32 s3;
	_ =	sdelay $0x1  }
0xa1: {  	s23 =	simm.s32 $0x1B8B  }
0xa2: {  	_ =	swait.ge [sflag:s23], $0x1  }
0xa3: {  	[sflag:s23] =	ssyncset.done $0x0  }
0xa4: {  	s25 =	simm.s32 $0x1B8E;
	s24 =	sld [smem:$0x3FFE];
	[sflag:s23] =	ssyncadd.s32 $0xFFFFFFFF  }
0xa5: {  	s26 =	simm.s32 $execute0_lowered;
	[smem:$0x3FD2] =	sst s25  }
0xa6: {  	s4 =	sshll.u32 s26, $0x1;
	_ =	strace $0x80000049;
	[dreg:$0x1] =	wrdreg $0xFFFFFFFF  }
0xa7: {  	s28 =	simm.s32 $_size_execute0_lowered;
	s2 =	sadd.s32 s2, s4;
	[dreg:$0x0] =	wrdreg $0x0  }
0xa8: {  	s4 =	sshll.u32 s28, $0x1;
	[dreg:$0x2] =	wrdreg s2  }
0xa9: {  	[dreg:$0x3] =	wrdreg s4  }
0xaa: {  	[dreg:$0x4] =	wrdreg $0xC0  }
0xab: {  	_ =	task [dreg:s6], $0x5FFFF  }
0xac: {  	[dreg:$0x1] =	wrdreg $0xFFFFFFFF  }
0xad: {  	[dreg:$0x0] =	wrdreg $0x60  }
0xae: {  	[dreg:$0x2] =	wrdreg s24  }
0xaf: {  	[dreg:$0x3] =	wrdreg $0x0  }
0xb0: {  	[dreg:$0x4] =	wrdreg $0x9  }
0xb1: {  	_ =	task.clear_ibuf [dreg:s6], $0x5FFFF;
	_ =	strace $0x90000049  }
0xb2: {  	s29 =	simm.s32 $0x9;
	_ =	strace $0x8000004B  }
0xb3: {  	_ =	swait.ge [sflag:s29], $0x1  }
0xb4: {  	[sflag:s29] =	ssyncadd.s32 $0xFFFFFFFF  }
0xb5: {  	_ =	strace $0x9000004B  }
0xb6: {  	_ =	sfence  }
0xb7: {  	s30 =	sld [smem:$0x0];
	_ =	sdelay $0x2  }
0xb8: {  	s31 =	sshll.u32 s1, $0xD;
	s1 =	sshrl.u32 s1, $0x2  }
0xb9: {  	s3 =	sand.u32 $0x4000, s31;
	s1 =	sadd.s32 s1, s30  }
0xba: {  	s0 =	sor.u32 s3, s0;
	s1 =	sshll.u32 s1, $0x11  }
0xbb: {  	s0 =	sor.u32 s1, s0  }
0xbc: {  	s0 =	sadd.s32 $0x8F2B, s0  }
0xbd: {  	[sflag:s0] =	ssyncadd.remote.s32 $0x1  }
0xbe: {  	_ =	sfence.sel $0xFFFF  }
0xbf: {  	[dreg:$0x0] =	wrdreg $0xFFFFFFFF;
	(pc) =	sbr.abs _section_cstart, $3  }
0xc0: {  	[dreg:$0x1] =	wrdreg $0xFFFFFFFF  }
0xc1: {  	_ =	task.clear_ibuf [dreg:s6], $0x2FFFF;
	_ =	strace $0x9FFFFFFF  }
0xc2: {  	(tm) =	ssettm $0x7FFFFFFF  }
0xc3: {  	_ =	shalt  }
tec
execute0_lowered:
.L_overlay_start_1:
0x0: {  	(tag) =	ssettag $0x1  }
0x1: {  	s0 =	rddreg [dreg:$0x0]  }
0x2: {  	s1 =	rddreg [dreg:$0x1];
	s2 =	srdreg.scid  }
0x3: {  	s3 =	simm.s32 $0x0;
	s19 =	simm.s32 $0x3;
	s23 =	simm.s32 $0x1  }
0x4: {  	s24 =	simm.s32 $0x2;
	s28 =	simm.s32 $0x138D0;
	s29 =	simm.s32 $0x1AEA0  }
0x5: {  	s31 =	simm.s32 $0x0;
	s9 =	sand.u32 $0x1, s2;
	s2 =	stileid.u32  }
0x6: {  	[smem:$0x7FF] =	sst s3;
	s5 =	sadd.s32 $0x3D800, s0;
	s25 =	smul.u32 $0x13C00, s2  }
0x7: {  	s12 =	sadd.s32 $0x40000, s0;
	s4 =	sshll.u32 s9, $0x4;
	s11 =	smul.u32 $0x4F000, s2  }
0x8: {  	_ =	strace $0x8000004A;
	s7 =	ssub.s32 $0x2, s9;
	s13 =	smul.u32 $0x27100, s9  }
0x9: {  	p2 =	seq.s32 s9, $0x0;
	p3 =	seq.s32 s9, $0x1;
	s9 =	smul.u32 $0x138800, s9  }
0xa: {  	p4 =	sne.s32 s2, $0xF;
	p0 =	seq.s32 s2, $0xF;
	s15 =	smul.u32 $0x2780, s2  }
0xb: {  	s30 =	sshll.u32 s2, $0x6;
	s4 =	sor.u32 s2, s4;
	s8 =	sshrl.u32 s7, $0x1  }
0xc: {  	p1 =	por !p2, !p4;
	p2 =	por !p2, !p0;
	p4 =	por !p4, !p3  }
0xd: {  	s17 =	sor.u32 $0x1C03, s30;
	s6 =	smul.u32 $0x4E2, s4;
	s4 =	sadd.s32 $0x16600, s0  }
0xe: {  	s14 =	ssub.s32 s7, s8;
	p1 =	por !p1, !p1;
	p2 =	por !p2, !p2  }
0xf: {  	s26 =	sadd.s32 s25, s1;
	p4 =	por !p4, !p4;
	s11 =	sshrl.u32 s11, $0x2  }
0x10: {  	s9 =	sshrl.u32 s9, $0x3;
	s13 =	sadd.s32 s15, s13;
	s15 =	simm.s32 $0x13880  }
0x11: {  	s8 =	simm.s32 @!p2 $0x0;
	s11 =	sadd.s32 s11, s1;
	s9 =	sadd.s32 s12, s9  }
0x12: {  	s12 =	sadd.s32 s12, s13;
	s14 =	smax.u32 s14, $0x1;
	s18 =	sshrl.u32 s26, $0x3  }
0x13: {  	s26 =	simm.s32 $0x186A0;
	s10 =	sadd.s32 s6, s0;
	s8 =	simm.s32 @p2 $0x1  }
0x14: {  	s0 =	sadd.s32 $0x3B680, s0;
	s13 =	sadd.s32 $0x25080, s9;
	s21 =	sshrl.u32 @p4 s11, $0x3  }
0x15: {  	s6 =	sadd.s32 $0x2A00, s10;
	s7 =	sadd.s32 $0xC800, s10;
	[smem:$0x7FD] =	sst s8  }
0x16: {  	s8 =	sadd.s32 $0x128400, s1;
	[dreg:$0x3] =	wrdreg s0;
	s10 =	sshrl.u32 s25, $0x3  }
0x17: {  	s0 =	sshll.u32 @p4 s2, $0x6;
	s25 =	simm.s32 $0x50;
	s10 =	sadd.s32 s4, s10  }
0x18: {  	s20 =	sor.u32 @p4 $0x1C03, s0;
	s22 =	sshrl.u32 s8, $0x3;
	[dreg:$0x4] =	wrdreg s10  }
.LBB2_1:
.Ltmp0:
0x19: {  	(pc) =	sbr.rel @!p1 .LBB2_5-.Ltmp0, $4  }
0x1a: {  	_ = 	snop  }
0x1b: {  	[tilespmem:s15], [sflag:$0x1] =	stream.linear.gather [hbm4b:s6+s3], $0x2710, $0x38;
	[tilespmem:$0x1FEA0] =	vst v63  }
0x1c: {  	s0 =	simm.s32 $0x15F90  }
0x1d: {  	[tilespmem:s0], [sflag:$0x2] =	stream.linear.gather [hbm4b:s7+s3], $0x2710, $0x38;
	[tilespmem:$0x1FEA0] =	vst v63  }
.Ltmp1:
0x1e: {  	s0 =	rddreg [dreg:$0x4];
	(pc) =	sbr.rel .LBB2_3-.Ltmp1, $4  }
0x1f: {  	[spmem:s18], [sflag:s17] =	dma.local [hbm:s0], $0x2780  }
0x20: {  	_ =	swait.ge [sflag:s19], $0x2780  }
0x21: {  	[sflag:s19] =	ssyncset.done $0x0  }
0x22: {  	p5 =	por $0x0, $0x0;
	[sflag:s19] =	ssyncadd.s32 $0xFFFFD880  }
.LBB2_5:
0x23: {  	s0 =	sld [smem:$0x7FD];
	_ =	sdelay $0x2  }
0x24: {  	p2 =	seq.s32 s0, $0x1  }
.Ltmp2:
0x25: {  	_ = 	snop;
	(pc) =	sbr.rel @!p2 .LBB2_3-.Ltmp2, $2  }
0x26: {  	_ =	sdelay $0x2  }
0x27: {  	p5 =	por p0, p0  }
.Ltmp3:
0x28: {  	(pc) =	sbr.rel .LBB2_7-.Ltmp3, $3  }
0x29: {  	_ =	sdelay $0x1  }
0x2a: {  	s0 =	rddreg [dreg:$0x3];
	s9 =	simm.s32 $0x1FC3;
	p5 =	por $0x1, $0x1  }
0x2b: {  	[spmem:s22], [sflag:s9] =	dma.local [hbm:s0], $0x2080  }
.LBB2_3:
0x2c: {  	[spmem:s21], [sflag:s20] =	dma.local @p4 [hbm:s5], $0x2780  }
0x2d: {  	p6 =	por @p4 $0x1, $0x1  }
0x2e: {  	p6 =	por @!p4 p3, p3  }
0x2f: {  	p6 =	por !p6, !p5  }
0x30: {  	p6 =	por !p6, !p6  }
.Ltmp4:
0x31: {  	_ = 	snop;
	(pc) =	sbr.rel @!p6 .LBB2_8-.Ltmp4, $4  }
0x32: {  	s0 =	simm.s32 @p4 $0x3  }
0x33: {  	_ =	swait.ge @p4 [sflag:s0], $0x2780  }
0x34: {  	[sflag:s0] =	ssyncset.done @p4 $0x0  }
0x35: {  	[sflag:s0] =	ssyncadd.s32 @p4 $0xFFFFD880  }
0x36: {  	[spmem:s22], [sflag:s17] =	dma.local [hbm:s5], $0x2080  }
.LBB2_7:
0x37: {  	_ =	swait.ge [sflag:s19], $0x2080  }
0x38: {  	[sflag:s19] =	ssyncset.done $0x0  }
0x39: {  	[sflag:s19] =	ssyncadd.s32 $0xFFFFDF80  }
.LBB2_8:
0x3a: {  	_ =	swait.ge [sflag:s23], $0x2710  }
0x3b: {  	[sflag:s23] =	ssyncset.done $0x0  }
0x3c: {  	[sflag:s23] =	ssyncadd.s32 $0xFFFFD8F0  }
0x3d: {  	_ =	swait.ge [sflag:s24], $0x2710  }
0x3e: {  	[sflag:s24] =	ssyncset.done $0x0  }
0x3f: {  	[sflag:s24] =	ssyncadd.s32 $0xFFFFD8F0  }
0x40: {  	[bflag:$0x0] =	sbarrier.arrive $0xFFFF  }
0x41: {  	[tilespmem:s26], [sflag:$0x1] =	stream.indirect.gather [hbm4b:s4+s25], $0x80, s15, s25, $0xb8;
	[tilespmem:$0x1FEA0] =	vst v63  }
0x42: {  	s0 =	simm.s32 $0x0;
	s30 =	simm.s32 $0x15F90;
	s9 =	simm.s32 $0x13920  }
0x43: {  	[tilespmem:s29], [sflag:$0x1] =	stream.indirect.gather [hbm4b:s4+s25], $0x80, s28, s25, $0xb8;
	[tilespmem:$0x1FEA0] =	vst v63  }
.LBB2_9:
0x44: {  	_ =	swait.ge [sflag:s23], $0x2800  }
0x45: {  	p6 =	slt.u32 s0, $0x2;
	[sflag:s23] =	ssyncset.done $0x0  }
0x46: {  	s10 =	simm.s32 @!p6 $0x2;
	[sflag:s23] =	ssyncadd.s32 $0xFFFFD800  }
0x47: {  	p2 =	sgt.u32 @!p6 s0, $0x7A;
	_ =	swait.ge @!p6 [sflag:s10], $0x2800  }
0x48: {  	p2 =	por p6, !p2;
	[sflag:s10] =	ssyncset.done @!p6 $0x0  }
0x49: {  	[sflag:s10] =	ssyncadd.s32 @!p6 $0xFFFFD800;
	s10 =	sadd.s32 @p2 $0x2, s0  }
0x4a: {  	s16 =	smul.u32 @p2 $0xAB, s10;
	_ =	sdelay $0x1  }
0x4b: {  	s16 =	sshrl.u32 @p2 s16, $0x9  }
0x4c: {  	s16 =	sand.u32 @p2 $0x7F, s16  }
0x4d: {  	s16 =	smul.u32 @p2 $0x3, s16;
	_ =	sdelay $0x1  }
0x4e: {  	s10 =	ssub.s32 @p2 s10, s16  }
0x4f: {  	s10 =	sand.u32 @p2 $0xFF, s10  }
0x50: {  	s10 =	smul.u32 @p2 $0xA000, s10;
	_ =	sdelay $0x1  }
0x51: {  	s10 =	sshrl.u32 @p2 s10, $0x2  }
0x52: {  	s16 =	smul.u32 $0xAB, s0;
	s10 =	sor.u32 @p2 $0x186A0, s10  }
0x53: {  	[tilespmem:s10], [sflag:$0x1] =	stream.indirect.gather @p2 [hbm4b:s4+s25], $0x80, s9, s25, $0xb8;
	[tilespmem:$0x1FEA0] =	vst v63  }
0x54: {  	s10 =	sshrl.u32 s16, $0x9  }
0x55: {  	s10 =	sand.u32 $0x7F, s10  }
0x56: {  	s10 =	smul.u32 $0x3, s10;
	_ =	sdelay $0x1  }
0x57: {  	s10 =	ssub.s32 s0, s10  }
0x58: {  	s0 =	sadd.s32 $0x1, s0;
	s10 =	sand.u32 $0xFF, s10  }
0x59: {  	p2 =	sne.s32 s0, $0x7D;
	s10 =	smul.u32 $0xA000, s10  }
.Ltmp5:
0x5a: {  	_ = 	snop;
	(pc) =	sbr.rel @p2 .LBB2_9-.Ltmp5, $4  }
0x5b: {  	s10 =	sshrl.u32 s10, $0x2  }
0x5c: {  	s10 =	sor.u32 $0x186A0, s10  }
0x5d: {  	[spmem:s1] =	stream.indirect.scatter.add.f32 [tilespmem:s10], [sflag:$0x2], $0x80, s30, s25, $0xb8;
	[tilespmem:$0x1FEA0] =	vst v63  }
0x5e: {  	s9 =	sadd.s32 $0x50, s9;
	s30 =	sadd.s32 $0x50, s30  }
0x5f: {  	_ =	swait.ge [sflag:s24], $0x2800  }
0x60: {  	[sflag:s24] =	ssyncset.done $0x0  }
0x61: {  	[sflag:s24] =	ssyncadd.s32 $0xFFFFD800  }
0x62: {  	_ =	swait.ge [sflag:s24], $0x2800  }
0x63: {  	[sflag:s24] =	ssyncset.done $0x0  }
0x64: {  	s0 =	sshll.u32 @!p0 s2, $0x6;
	[sflag:s24] =	ssyncadd.s32 $0xFFFFD800  }
0x65: {  	s9 =	sshrl.u32 @!p0 s11, $0x3;
	s0 =	sor.u32 @!p0 $0x1C03, s0;
	[bflag:$0x0] =	sbarrier.arrive $0xFFFF  }
0x66: {  	[hbm:s12], [sflag:s0] =	dma.local @!p0 [spmem:s9], $0x2780  }
0x67: {  	s0 =	simm.s32 @!p0 $0x3  }
0x68: {  	s31 =	sadd.s32 $0x1, s31;
	_ =	swait.ge @!p0 [sflag:s0], $0x2780  }
0x69: {  	p2 =	sne.s32 s31, s14;
	s9 =	sshll.u32 @p5 s2, $0x6;
	[sflag:s0] =	ssyncset.done @!p0 $0x0  }
0x6a: {  	[sflag:s0] =	ssyncadd.s32 @!p0 $0xFFFFD880;
	s0 =	sor.u32 @p5 $0x1C03, s9;
	s9 =	sshrl.u32 @p5 s8, $0x3  }
0x6b: {  	[hbm:s13], [sflag:s0] =	dma.local @p5 [spmem:s9], $0x2080  }
.Ltmp6:
0x6c: {  	_ = 	snop;
	(pc) =	sbr.rel @p2 .LBB2_1-.Ltmp6, $4  }
0x6d: {  	s0 =	simm.s32 @p5 $0x3  }
0x6e: {  	_ =	swait.ge @p5 [sflag:s0], $0x2080  }
0x6f: {  	[sflag:s0] =	ssyncset.done @p5 $0x0  }
0x70: {  	[sflag:s0] =	ssyncadd.s32 @p5 $0xFFFFDF80  }
0x71: {  	_ =	sfence.sel $0x180000  }
0x72: {  	[bflag:$0x0] =	sbarrier.arrive $0xFFFF  }
0x73: {  	_ =	strace $0x9000004A  }
0x74: {  	[bflag:$0x2] =	sbarrier.arrive $0xFFFF  }
0x75: {  	p0 =	sne.s32 s2, $0x0;
	s0 =	rddreg [dreg:$0x2]  }
0x76: {  	s0 =	sadd.s32 @!p0 $0x100000, s0  }
0x77: {  	[sflag:s0] =	ssyncadd.tile.s32 @!p0 $0x1;
	_ =	shalt  }
.Lfunc_end2:
_tile_overlayer_lowered:
.L_overlay_start_2:
0x78: {  	(tag) =	ssettag $0x2  }
0x79: {  	s0 =	rddreg [dreg:$0x0];
	s2 =	stileid.u32  }
0x7a: {  	s1 =	rddreg [dreg:$0x1];
	p0 =	sne.s32 s2, $0x0  }
0x7b: {  	s3 =	rddreg [dreg:$0x2];
	[bflag:$0x3] =	sbarrier.arrive $0xFFFF;
	s2 =	simm.s32 @!p0 $0x1C03  }
0x7c: {  	[timem:s3], [sflag:s2] =	dma.local @!p0 [hbm:s0], s1  }
0x7d: {  	s0 =	simm.s32 @!p0 $0x3  }
0x7e: {  	_ =	swait.ge @!p0 [sflag:s0], s1  }
0x7f: {  	s1 =	ssub.s32 @!p0 $0x0, s1;
	[sflag:s0] =	ssyncset.done @!p0 $0x0  }
0x80: {  	[sflag:s0] =	ssyncadd.s32 @!p0 s1  }
0x81: {  	[bflag:$0x3] =	sbarrier.arrive $0xFFFF  }
0x82: {  	_ =	shalt  }

// kernel: kernel.17.cloned.1.call-start
scs
__scs_entry_jumppad:
0x0: {  	(pc) =	sbr.rel $0x88, $3  }
0x1: {  	(tag) =	ssettag $0x0;
	lr =	simm.s32 $0x1  }
0x2: {  	[smem:$0x3F97] =	sst lr;
	_ =	strace $0xD0000000  }
0x3: {  	_ = 	snop  }
0x4: {  	_ = 	snop  }
0x5: {  	_ = 	snop  }
0x6: {  	_ = 	snop  }
0x7: {  	_ = 	snop  }
__scs_overlays_trampoline_lowered:
0x8: {  	[smem:$0x3FA6] =	sst s0  }
0x9: {  	[smem:$0x3FA7] =	sst s1  }
0xa: {  	[smem:$0x3FA8] =	sst s2  }
0xb: {  	[smem:$0x3FA9] =	sst s3  }
0xc: {  	[smem:$0x3FAA] =	sst s4  }
0xd: {  	[smem:$0x3FAB] =	sst s5  }
0xe: {  	[smem:$0x3FAC] =	sst s6  }
0xf: {  	[smem:$0x3FAD] =	sst s7  }
0x10: {  	[smem:$0x3FAE] =	sst s8  }
0x11: {  	[smem:$0x3FAF] =	sst s9;
	s0 =	simm.s32 @!p0 $0x0  }
0x12: {  	s1 =	sld [smem:$0x3F95];
	s0 =	simm.s32 @p0 $0x1  }
0x13: {  	[smem:$0x3FB0] =	sst s0;
	s0 =	simm.s32 @!p1 $0x0  }
0x14: {  	s2 =	sld [smem:$0x3F94];
	s0 =	simm.s32 @p1 $0x1  }
0x15: {  	[smem:$0x3FB1] =	sst s0;
	s0 =	simm.s32 @!p2 $0x0  }
0x16: {  	s3 =	sld [smem:$0x3FDB];
	s0 =	simm.s32 @p2 $0x1  }
0x17: {  	s4 =	simm.s32 $0x1BF5;
	[smem:$0x3FB3] =	sst s0  }
0x18: {  	s0 =	sld [smem:$0x3F96];
	_ =	swait.ge [sflag:s4], $0x0  }
0x19: {  	s7 =	sld [smem:$0x3F97]  }
0x1a: {  	s8 =	sadd.s32 $0xFFFFE003, lr  }
0x1b: {  	s9 =	sadd.s32 $0xFFFFFEF7, lr;
	s5 =	simm.s32 $0xFFFFFFFF;
	p2 =	slt.u32 s8, $0xFFFFF086  }
0x1c: {  	p1 =	slt.u32 s9, $0xF7A;
	s5 =	simm.s32 @!p2 $0x0  }
0x1d: {  	s5 =	simm.s32 @p1 $0x1;
	p0 =	seq.s32 s7, s2  }
0x1e: {  	s7 =	smul.u32 @!p0 $0xF7A, s2;
	p2 =	seq.s32 @!p0 s5, $0x0  }
0x1f: {  	s9 =	smul.u32 $0xF7A, s1;
	s8 =	simm.s32 @!p0 $0x1BF5;
	p2 =	por !p2, p0  }
0x20: {  	[sflag:s8] =	ssyncset.s32 @!p0 $0xFFFFF086;
	s6 =	sadd.s32 @!p0 s3, s7;
	s7 =	simm.s32 @!p0 $0x108  }
0x21: {  	s3 =	sadd.s32 s3, s9;
	s6 =	sadd.s32 @!p0 $0x88, s6;
	s7 =	simm.s32 @p2 $0x1082  }
0x22: {  	[simem:s7], [sflag:s8] =	dma.local @!p0 [hbm:s6], $0xF7A  }
0x23: {  	s9 =	sor.u32 $0xD0000000, s2;
	s6 =	simm.s32 $0x108;
	_ =	swait.ge @!p0 [sflag:s8], $0x0  }
0x24: {  	s3 =	sadd.s32 $0x88, s3;
	s6 =	simm.s32 @!p1 $0x1082;
	[sflag:s4] =	ssyncset.s32 $0xFFFFF086  }
0x25: {  	[simem:s6], [sflag:s4] =	dma.local [hbm:s3], $0xF7A  }
0x26: {  	[smem:$0x3F97] =	sst s1;
	(tag) =	ssettag s2;
	_ =	strace s9  }
0x27: {  	s1 =	sld [smem:$0x3FA7]  }
0x28: {  	s2 =	sld [smem:$0x3FA8]  }
0x29: {  	s4 =	sld [smem:$0x3FAA]  }
0x2a: {  	p0 =	seq.s32 s5, $0x0;
	s5 =	sld [smem:$0x3FAB]  }
0x2b: {  	s6 =	sld [smem:$0x3FAC]  }
0x2c: {  	s7 =	sld [smem:$0x3FAD]  }
0x2d: {  	s3 =	simm.s32 $0x108;
	s8 =	sld [smem:$0x3FAE]  }
0x2e: {  	s3 =	simm.s32 @!p0 $0x1082;
	s9 =	sld [smem:$0x3FAF]  }
0x2f: {  	lr =	sadd.s32 s0, s3;
	s0 =	sld [smem:$0x3FA6]  }
0x30: {  	s3 =	sld [smem:$0x3FA9]  }
0x31: {  	[smem:$0x3FB2] =	sst s10  }
0x32: {  	s10 =	sld [smem:$0x3FB0];
	_ =	sdelay $0x3  }
0x33: {  	p0 =	seq.s32 s10, $0x1;
	s10 =	sld [smem:$0x3FB2];
	_ =	sdelay $0x3  }
0x34: {  	[smem:$0x3FB2] =	sst s10  }
0x35: {  	s10 =	sld [smem:$0x3FB1];
	_ =	sdelay $0x3  }
0x36: {  	p1 =	seq.s32 s10, $0x1;
	s10 =	sld [smem:$0x3FB2];
	_ =	sdelay $0x3  }
0x37: {  	[smem:$0x3FB2] =	sst s10  }
0x38: {  	s10 =	sld [smem:$0x3FB3]  }
0x39: {  	_ = 	snop;
	(pc) =	sbr.ind lr, $3  }
0x3a: {  	_ = 	snop  }
0x3b: {  	_ = 	snop  }
0x3c: {  	p2 =	seq.s32 s10, $0x1;
	s10 =	sld [smem:$0x3FB2]  }
0x3d: {  	_ =	shalt  }
0x3e: {  	_ =	shalt  }
0x3f: {  	_ =	shalt  }
0x40: {  	_ =	shalt  }
0x41: {  	_ =	shalt  }
0x42: {  	_ =	shalt  }
0x43: {  	_ =	shalt  }
0x44: {  	_ =	shalt  }
0x45: {  	_ =	shalt  }
0x46: {  	_ =	shalt  }
0x47: {  	_ =	shalt  }
0x48: {  	_ =	shalt  }
0x49: {  	_ =	shalt  }
0x4a: {  	_ =	shalt  }
0x4b: {  	_ =	shalt  }
0x4c: {  	_ =	shalt  }
0x4d: {  	_ =	shalt  }
0x4e: {  	_ =	shalt  }
0x4f: {  	_ =	shalt  }
0x50: {  	_ =	shalt  }
0x51: {  	_ =	shalt  }
0x52: {  	_ =	shalt  }
0x53: {  	_ =	shalt  }
0x54: {  	_ =	shalt  }
0x55: {  	_ =	shalt  }
0x56: {  	_ =	shalt  }
0x57: {  	_ =	shalt  }
0x58: {  	_ =	shalt  }
0x59: {  	_ =	shalt  }
0x5a: {  	_ =	shalt  }
0x5b: {  	_ =	shalt  }
0x5c: {  	_ =	shalt  }
0x5d: {  	_ =	shalt  }
0x5e: {  	_ =	shalt  }
0x5f: {  	_ =	shalt  }
0x60: {  	_ =	shalt  }
0x61: {  	_ =	shalt  }
0x62: {  	_ =	shalt  }
0x63: {  	_ =	shalt  }
0x64: {  	_ =	shalt  }
0x65: {  	_ =	shalt  }
0x66: {  	_ =	shalt  }
0x67: {  	_ =	shalt  }
0x68: {  	_ =	shalt  }
0x69: {  	_ =	shalt  }
0x6a: {  	_ =	shalt  }
0x6b: {  	_ =	shalt  }
0x6c: {  	_ =	shalt  }
0x6d: {  	_ =	shalt  }
0x6e: {  	_ =	shalt  }
0x6f: {  	_ =	shalt  }
0x70: {  	_ =	shalt  }
0x71: {  	_ =	shalt  }
0x72: {  	_ =	shalt  }
0x73: {  	_ =	shalt  }
0x74: {  	_ =	shalt  }
0x75: {  	_ =	shalt  }
0x76: {  	_ =	shalt  }
0x77: {  	_ =	shalt  }
0x78: {  	_ =	shalt  }
0x79: {  	_ =	shalt  }
0x7a: {  	_ =	shalt  }
0x7b: {  	_ =	shalt  }
0x7c: {  	_ =	shalt  }
0x7d: {  	_ =	shalt  }
0x7e: {  	_ =	shalt  }
0x7f: {  	_ =	shalt  }
0x80: {  	_ =	shalt  }
0x81: {  	_ =	shalt  }
0x82: {  	_ =	shalt  }
0x83: {  	_ =	shalt  }
0x84: {  	_ =	shalt  }
0x85: {  	_ =	shalt  }
0x86: {  	_ =	shalt  }
0x87: {  	_ =	shalt  }
.Lfunc_end0:
.L_simem_size_0:
called_computation.2_lowered:
.L_overlay_start_0:
0x88: {  	s2 =	sld [smem:$0x3FD9]  }
0x89: {  	s3 =	sld [smem:$0x3FFE];
	_ =	sdelay $0x1  }
0x8a: {  	s1 =	srdreg.scid  }
0x8b: {  	s0 =	sand.u32 $0x1, s1  }
0x8c: {  	s16 =	sshll.u32 s0, $0xA;
	s2 =	sadd.s32 s3, s2  }
0x8d: {  	s2 =	sadd.s32 s2, s16  }
0x8e: {  	[smem:$0x3FBE] =	sst s2  }
0x8f: {  	_ = 	snop  }
0x90: {  	(tm) =	ssettm $0x1  }
0x91: {  	s17 =	sld [smem:$0x3FFB];
	_ =	sdelay $0x3  }
0x92: {  	_ =	strace s17  }
0x93: {  	s2 =	sld [smem:$0x3FFC];
	_ =	sdelay $0x3  }
0x94: {  	_ =	strace s2  }
0x95: {  	s2 =	sld [smem:$0x3FFD];
	_ =	sdelay $0x3  }
0x96: {  	_ =	strace s2  }
0x97: {  	_ =	strace $0x8FFFFFFF  }
0x98: {  	s18 =	sld [smem:$0x3FDB];
	_ =	sdelay $0x1  }
0x99: {  	s19 =	simm.s32 $_scs_section_size  }
0x9a: {  	s4 =	simm.s32 $_size__tile_overlayer_lowered;
	s5 =	simm.s32 $_tile_overlayer_lowered  }
0x9b: {  	s22 =	simm.s32 $0x1BFF;
	s21 =	sshll.u32 s5, $0x1;
	s2 =	sadd.s32 s19, s18  }
0x9c: {  	s6 =	simm.s32 $0x0;
	s20 =	sshll.u32 s4, $0x1;
	s4 =	sadd.s32 s21, s2  }
0x9d: {  	[timem:s6], [sflag:s22] =	dma.local [hbm:s4], s20  }
0x9e: {  	_ =	swait.ge [sflag:s22], s20  }
0x9f: {  	s3 =	ssub.s32 $0x0, s20;
	[sflag:s22] =	ssyncset.done $0x0  }
0xa0: {  	[sflag:s22] =	ssyncadd.s32 s3;
	_ =	sdelay $0x1  }
0xa1: {  	s23 =	simm.s32 $0x1B8B  }
0xa2: {  	_ =	swait.ge [sflag:s23], $0x1  }
0xa3: {  	[sflag:s23] =	ssyncset.done $0x0  }
0xa4: {  	s25 =	simm.s32 $0x1B8E;
	s24 =	sld [smem:$0x3FFE];
	[sflag:s23] =	ssyncadd.s32 $0xFFFFFFFF  }
0xa5: {  	s26 =	simm.s32 $execute0_lowered;
	[smem:$0x3FD2] =	sst s25  }
0xa6: {  	s4 =	sshll.u32 s26, $0x1;
	_ =	strace $0x8000004C;
	[dreg:$0x1] =	wrdreg $0xFFFFFFFF  }
0xa7: {  	s28 =	simm.s32 $_size_execute0_lowered;
	s2 =	sadd.s32 s2, s4;
	[dreg:$0x0] =	wrdreg $0x0  }
0xa8: {  	s4 =	sshll.u32 s28, $0x1;
	[dreg:$0x2] =	wrdreg s2  }
0xa9: {  	[dreg:$0x3] =	wrdreg s4  }
0xaa: {  	[dreg:$0x4] =	wrdreg $0xC0  }
0xab: {  	_ =	task [dreg:s6], $0x5FFFF  }
0xac: {  	[dreg:$0x1] =	wrdreg $0xFFFFFFFF  }
0xad: {  	[dreg:$0x0] =	wrdreg $0x60  }
0xae: {  	[dreg:$0x2] =	wrdreg s24  }
0xaf: {  	[dreg:$0x3] =	wrdreg $0x0  }
0xb0: {  	[dreg:$0x4] =	wrdreg $0x9  }
0xb1: {  	_ =	task.clear_ibuf [dreg:s6], $0x5FFFF;
	_ =	strace $0x9000004C  }
0xb2: {  	s29 =	simm.s32 $0x9;
	_ =	strace $0x8000004E  }
0xb3: {  	_ =	swait.ge [sflag:s29], $0x1  }
0xb4: {  	[sflag:s29] =	ssyncadd.s32 $0xFFFFFFFF  }
0xb5: {  	_ =	strace $0x9000004E  }
0xb6: {  	_ =	sfence  }
0xb7: {  	s30 =	sld [smem:$0x0];
	_ =	sdelay $0x2  }
0xb8: {  	s31 =	sshll.u32 s1, $0xD;
	s1 =	sshrl.u32 s1, $0x2  }
0xb9: {  	s3 =	sand.u32 $0x4000, s31;
	s1 =	sadd.s32 s1, s30  }
0xba: {  	s0 =	sor.u32 s3, s0;
	s1 =	sshll.u32 s1, $0x11  }
0xbb: {  	s0 =	sor.u32 s1, s0  }
0xbc: {  	s0 =	sadd.s32 $0x8F2B, s0  }
0xbd: {  	[sflag:s0] =	ssyncadd.remote.s32 $0x1  }
0xbe: {  	_ =	sfence.sel $0xFFFF  }
0xbf: {  	[dreg:$0x0] =	wrdreg $0xFFFFFFFF;
	(pc) =	sbr.abs _section_cstart, $3  }
0xc0: {  	[dreg:$0x1] =	wrdreg $0xFFFFFFFF  }
0xc1: {  	_ =	task.clear_ibuf [dreg:s6], $0x2FFFF;
	_ =	strace $0x9FFFFFFF  }
0xc2: {  	(tm) =	ssettm $0x7FFFFFFF  }
0xc3: {  	_ =	shalt  }
tec
execute0_lowered:
.L_overlay_start_1:
0x0: {  	(tag) =	ssettag $0x1  }
0x1: {  	s0 =	rddreg [dreg:$0x0]  }
0x2: {  	s1 =	rddreg [dreg:$0x1];
	s2 =	srdreg.scid  }
0x3: {  	s3 =	simm.s32 $0x0;
	s19 =	simm.s32 $0x3;
	s23 =	simm.s32 $0x1  }
0x4: {  	s24 =	simm.s32 $0x2;
	s28 =	simm.s32 $0x138D0;
	s29 =	simm.s32 $0x1AEA0  }
0x5: {  	s31 =	simm.s32 $0x0;
	s9 =	sand.u32 $0x1, s2;
	s2 =	stileid.u32  }
0x6: {  	[smem:$0x7FF] =	sst s3;
	s5 =	sadd.s32 $0x3D800, s0;
	s25 =	smul.u32 $0x13C00, s2  }
0x7: {  	s12 =	sadd.s32 $0x40000, s0;
	s4 =	sshll.u32 s9, $0x4;
	s11 =	smul.u32 $0x4F000, s2  }
0x8: {  	_ =	strace $0x8000004D;
	s7 =	ssub.s32 $0x2, s9;
	s13 =	smul.u32 $0x27100, s9  }
0x9: {  	p2 =	seq.s32 s9, $0x0;
	p3 =	seq.s32 s9, $0x1;
	s9 =	smul.u32 $0x138800, s9  }
0xa: {  	p4 =	sne.s32 s2, $0xF;
	p0 =	seq.s32 s2, $0xF;
	s15 =	smul.u32 $0x2780, s2  }
0xb: {  	s30 =	sshll.u32 s2, $0x6;
	s4 =	sor.u32 s2, s4;
	s8 =	sshrl.u32 s7, $0x1  }
0xc: {  	p1 =	por !p2, !p4;
	p2 =	por !p2, !p0;
	p4 =	por !p4, !p3  }
0xd: {  	s17 =	sor.u32 $0x1C03, s30;
	s6 =	smul.u32 $0x4E2, s4;
	s4 =	sadd.s32 $0x16600, s0  }
0xe: {  	s14 =	ssub.s32 s7, s8;
	p1 =	por !p1, !p1;
	p2 =	por !p2, !p2  }
0xf: {  	s26 =	sadd.s32 s25, s1;
	p4 =	por !p4, !p4;
	s11 =	sshrl.u32 s11, $0x2  }
0x10: {  	s9 =	sshrl.u32 s9, $0x3;
	s13 =	sadd.s32 s15, s13;
	s15 =	simm.s32 $0x13880  }
0x11: {  	s8 =	simm.s32 @!p2 $0x0;
	s11 =	sadd.s32 s11, s1;
	s9 =	sadd.s32 s12, s9  }
0x12: {  	s12 =	sadd.s32 s12, s13;
	s14 =	smax.u32 s14, $0x1;
	s18 =	sshrl.u32 s26, $0x3  }
0x13: {  	s26 =	simm.s32 $0x186A0;
	s10 =	sadd.s32 s6, s0;
	s8 =	simm.s32 @p2 $0x1  }
0x14: {  	s0 =	sadd.s32 $0x3B680, s0;
	s13 =	sadd.s32 $0x25080, s9;
	s21 =	sshrl.u32 @p4 s11, $0x3  }
0x15: {  	s6 =	sadd.s32 $0x2A00, s10;
	s7 =	sadd.s32 $0xC800, s10;
	[smem:$0x7FD] =	sst s8  }
0x16: {  	s8 =	sadd.s32 $0x128400, s1;
	[dreg:$0x3] =	wrdreg s0;
	s10 =	sshrl.u32 s25, $0x3  }
0x17: {  	s0 =	sshll.u32 @p4 s2, $0x6;
	s25 =	simm.s32 $0x50;
	s10 =	sadd.s32 s4, s10  }
0x18: {  	s20 =	sor.u32 @p4 $0x1C03, s0;
	s22 =	sshrl.u32 s8, $0x3;
	[dreg:$0x4] =	wrdreg s10  }
.LBB2_1:
.Ltmp0:
0x19: {  	(pc) =	sbr.rel @!p1 .LBB2_5-.Ltmp0, $4  }
0x1a: {  	_ = 	snop  }
0x1b: {  	[tilespmem:s15], [sflag:$0x1] =	stream.linear.gather [hbm4b:s6+s3], $0x2710, $0x38;
	[tilespmem:$0x1FEA0] =	vst v63  }
0x1c: {  	s0 =	simm.s32 $0x15F90  }
0x1d: {  	[tilespmem:s0], [sflag:$0x2] =	stream.linear.gather [hbm4b:s7+s3], $0x2710, $0x38;
	[tilespmem:$0x1FEA0] =	vst v63  }
.Ltmp1:
0x1e: {  	s0 =	rddreg [dreg:$0x4];
	(pc) =	sbr.rel .LBB2_3-.Ltmp1, $4  }
0x1f: {  	[spmem:s18], [sflag:s17] =	dma.local [hbm:s0], $0x2780  }
0x20: {  	_ =	swait.ge [sflag:s19], $0x2780  }
0x21: {  	[sflag:s19] =	ssyncset.done $0x0  }
0x22: {  	p5 =	por $0x0, $0x0;
	[sflag:s19] =	ssyncadd.s32 $0xFFFFD880  }
.LBB2_5:
0x23: {  	s0 =	sld [smem:$0x7FD];
	_ =	sdelay $0x2  }
0x24: {  	p2 =	seq.s32 s0, $0x1  }
.Ltmp2:
0x25: {  	_ = 	snop;
	(pc) =	sbr.rel @!p2 .LBB2_3-.Ltmp2, $2  }
0x26: {  	_ =	sdelay $0x2  }
0x27: {  	p5 =	por p0, p0  }
.Ltmp3:
0x28: {  	(pc) =	sbr.rel .LBB2_7-.Ltmp3, $3  }
0x29: {  	_ =	sdelay $0x1  }
0x2a: {  	s0 =	rddreg [dreg:$0x3];
	s9 =	simm.s32 $0x1FC3;
	p5 =	por $0x1, $0x1  }
0x2b: {  	[spmem:s22], [sflag:s9] =	dma.local [hbm:s0], $0x2080  }
.LBB2_3:
0x2c: {  	[spmem:s21], [sflag:s20] =	dma.local @p4 [hbm:s5], $0x2780  }
0x2d: {  	p6 =	por @p4 $0x1, $0x1  }
0x2e: {  	p6 =	por @!p4 p3, p3  }
0x2f: {  	p6 =	por !p6, !p5  }
0x30: {  	p6 =	por !p6, !p6  }
.Ltmp4:
0x31: {  	_ = 	snop;
	(pc) =	sbr.rel @!p6 .LBB2_8-.Ltmp4, $4  }
0x32: {  	s0 =	simm.s32 @p4 $0x3  }
0x33: {  	_ =	swait.ge @p4 [sflag:s0], $0x2780  }
0x34: {  	[sflag:s0] =	ssyncset.done @p4 $0x0  }
0x35: {  	[sflag:s0] =	ssyncadd.s32 @p4 $0xFFFFD880  }
0x36: {  	[spmem:s22], [sflag:s17] =	dma.local [hbm:s5], $0x2080  }
.LBB2_7:
0x37: {  	_ =	swait.ge [sflag:s19], $0x2080  }
0x38: {  	[sflag:s19] =	ssyncset.done $0x0  }
0x39: {  	[sflag:s19] =	ssyncadd.s32 $0xFFFFDF80  }
.LBB2_8:
0x3a: {  	_ =	swait.ge [sflag:s23], $0x2710  }
0x3b: {  	[sflag:s23] =	ssyncset.done $0x0  }
0x3c: {  	[sflag:s23] =	ssyncadd.s32 $0xFFFFD8F0  }
0x3d: {  	_ =	swait.ge [sflag:s24], $0x2710  }
0x3e: {  	[sflag:s24] =	ssyncset.done $0x0  }
0x3f: {  	[sflag:s24] =	ssyncadd.s32 $0xFFFFD8F0  }
0x40: {  	[bflag:$0x0] =	sbarrier.arrive $0xFFFF  }
0x41: {  	[tilespmem:s26], [sflag:$0x1] =	stream.indirect.gather [hbm4b:s4+s25], $0x80, s15, s25, $0xb8;
	[tilespmem:$0x1FEA0] =	vst v63  }
0x42: {  	s0 =	simm.s32 $0x0;
	s30 =	simm.s32 $0x15F90;
	s9 =	simm.s32 $0x13920  }
0x43: {  	[tilespmem:s29], [sflag:$0x1] =	stream.indirect.gather [hbm4b:s4+s25], $0x80, s28, s25, $0xb8;
	[tilespmem:$0x1FEA0] =	vst v63  }
.LBB2_9:
0x44: {  	_ =	swait.ge [sflag:s23], $0x2800  }
0x45: {  	p6 =	slt.u32 s0, $0x2;
	[sflag:s23] =	ssyncset.done $0x0  }
0x46: {  	s10 =	simm.s32 @!p6 $0x2;
	[sflag:s23] =	ssyncadd.s32 $0xFFFFD800  }
0x47: {  	p2 =	sgt.u32 @!p6 s0, $0x7A;
	_ =	swait.ge @!p6 [sflag:s10], $0x2800  }
0x48: {  	p2 =	por p6, !p2;
	[sflag:s10] =	ssyncset.done @!p6 $0x0  }
0x49: {  	[sflag:s10] =	ssyncadd.s32 @!p6 $0xFFFFD800;
	s10 =	sadd.s32 @p2 $0x2, s0  }
0x4a: {  	s16 =	smul.u32 @p2 $0xAB, s10;
	_ =	sdelay $0x1  }
0x4b: {  	s16 =	sshrl.u32 @p2 s16, $0x9  }
0x4c: {  	s16 =	sand.u32 @p2 $0x7F, s16  }
0x4d: {  	s16 =	smul.u32 @p2 $0x3, s16;
	_ =	sdelay $0x1  }
0x4e: {  	s10 =	ssub.s32 @p2 s10, s16  }
0x4f: {  	s10 =	sand.u32 @p2 $0xFF, s10  }
0x50: {  	s10 =	smul.u32 @p2 $0xA000, s10;
	_ =	sdelay $0x1  }
0x51: {  	s10 =	sshrl.u32 @p2 s10, $0x2  }
0x52: {  	s16 =	smul.u32 $0xAB, s0;
	s10 =	sor.u32 @p2 $0x186A0, s10  }
0x53: {  	[tilespmem:s10], [sflag:$0x1] =	stream.indirect.gather @p2 [hbm4b:s4+s25], $0x80, s9, s25, $0xb8;
	[tilespmem:$0x1FEA0] =	vst v63  }
0x54: {  	s10 =	sshrl.u32 s16, $0x9  }
0x55: {  	s10 =	sand.u32 $0x7F, s10  }
0x56: {  	s10 =	smul.u32 $0x3, s10;
	_ =	sdelay $0x1  }
0x57: {  	s10 =	ssub.s32 s0, s10  }
0x58: {  	s0 =	sadd.s32 $0x1, s0;
	s10 =	sand.u32 $0xFF, s10  }
0x59: {  	p2 =	sne.s32 s0, $0x7D;
	s10 =	smul.u32 $0xA000, s10  }
.Ltmp5:
0x5a: {  	_ = 	snop;
	(pc) =	sbr.rel @p2 .LBB2_9-.Ltmp5, $4  }
0x5b: {  	s10 =	sshrl.u32 s10, $0x2  }
0x5c: {  	s10 =	sor.u32 $0x186A0, s10  }
0x5d: {  	[spmem:s1] =	stream.indirect.scatter.add.f32 [tilespmem:s10], [sflag:$0x2], $0x80, s30, s25, $0xb8;
	[tilespmem:$0x1FEA0] =	vst v63  }
0x5e: {  	s9 =	sadd.s32 $0x50, s9;
	s30 =	sadd.s32 $0x50, s30  }
0x5f: {  	_ =	swait.ge [sflag:s24], $0x2800  }
0x60: {  	[sflag:s24] =	ssyncset.done $0x0  }
0x61: {  	[sflag:s24] =	ssyncadd.s32 $0xFFFFD800  }
0x62: {  	_ =	swait.ge [sflag:s24], $0x2800  }
0x63: {  	[sflag:s24] =	ssyncset.done $0x0  }
0x64: {  	s0 =	sshll.u32 @!p0 s2, $0x6;
	[sflag:s24] =	ssyncadd.s32 $0xFFFFD800  }
0x65: {  	s9 =	sshrl.u32 @!p0 s11, $0x3;
	s0 =	sor.u32 @!p0 $0x1C03, s0;
	[bflag:$0x0] =	sbarrier.arrive $0xFFFF  }
0x66: {  	[hbm:s12], [sflag:s0] =	dma.local @!p0 [spmem:s9], $0x2780  }
0x67: {  	s0 =	simm.s32 @!p0 $0x3  }
0x68: {  	s31 =	sadd.s32 $0x1, s31;
	_ =	swait.ge @!p0 [sflag:s0], $0x2780  }
0x69: {  	p2 =	sne.s32 s31, s14;
	s9 =	sshll.u32 @p5 s2, $0x6;
	[sflag:s0] =	ssyncset.done @!p0 $0x0  }
0x6a: {  	[sflag:s0] =	ssyncadd.s32 @!p0 $0xFFFFD880;
	s0 =	sor.u32 @p5 $0x1C03, s9;
	s9 =	sshrl.u32 @p5 s8, $0x3  }
0x6b: {  	[hbm:s13], [sflag:s0] =	dma.local @p5 [spmem:s9], $0x2080  }
.Ltmp6:
0x6c: {  	_ = 	snop;
	(pc) =	sbr.rel @p2 .LBB2_1-.Ltmp6, $4  }
0x6d: {  	s0 =	simm.s32 @p5 $0x3  }
0x6e: {  	_ =	swait.ge @p5 [sflag:s0], $0x2080  }
0x6f: {  	[sflag:s0] =	ssyncset.done @p5 $0x0  }
0x70: {  	[sflag:s0] =	ssyncadd.s32 @p5 $0xFFFFDF80  }
0x71: {  	_ =	sfence.sel $0x180000  }
0x72: {  	[bflag:$0x0] =	sbarrier.arrive $0xFFFF  }
0x73: {  	_ =	strace $0x9000004D  }
0x74: {  	[bflag:$0x2] =	sbarrier.arrive $0xFFFF  }
0x75: {  	p0 =	sne.s32 s2, $0x0;
	s0 =	rddreg [dreg:$0x2]  }
0x76: {  	s0 =	sadd.s32 @!p0 $0x100000, s0  }
0x77: {  	[sflag:s0] =	ssyncadd.tile.s32 @!p0 $0x1;
	_ =	shalt  }
.Lfunc_end2:
_tile_overlayer_lowered:
.L_overlay_start_2:
0x78: {  	(tag) =	ssettag $0x2  }
0x79: {  	s0 =	rddreg [dreg:$0x0];
	s2 =	stileid.u32  }
0x7a: {  	s1 =	rddreg [dreg:$0x1];
	p0 =	sne.s32 s2, $0x0  }
0x7b: {  	s3 =	rddreg [dreg:$0x2];
	[bflag:$0x3] =	sbarrier.arrive $0xFFFF;
	s2 =	simm.s32 @!p0 $0x1C03  }
0x7c: {  	[timem:s3], [sflag:s2] =	dma.local @!p0 [hbm:s0], s1  }
0x7d: {  	s0 =	simm.s32 @!p0 $0x3  }
0x7e: {  	_ =	swait.ge @!p0 [sflag:s0], s1  }
0x7f: {  	s1 =	ssub.s32 @!p0 $0x0, s1;
	[sflag:s0] =	ssyncset.done @!p0 $0x0  }
0x80: {  	[sflag:s0] =	ssyncadd.s32 @!p0 s1  }
0x81: {  	[bflag:$0x3] =	sbarrier.arrive $0xFFFF  }
0x82: {  	_ =	shalt  }

// kernel: kernel.20.cloned.1.call-start
scs
__scs_entry_jumppad:
0x0: {  	(pc) =	sbr.rel $0x88, $3  }
0x1: {  	(tag) =	ssettag $0x0;
	lr =	simm.s32 $0x1  }
0x2: {  	[smem:$0x3F97] =	sst lr;
	_ =	strace $0xD0000000  }
0x3: {  	_ = 	snop  }
0x4: {  	_ = 	snop  }
0x5: {  	_ = 	snop  }
0x6: {  	_ = 	snop  }
0x7: {  	_ = 	snop  }
__scs_overlays_trampoline_lowered:
0x8: {  	[smem:$0x3FA6] =	sst s0  }
0x9: {  	[smem:$0x3FA7] =	sst s1  }
0xa: {  	[smem:$0x3FA8] =	sst s2  }
0xb: {  	[smem:$0x3FA9] =	sst s3  }
0xc: {  	[smem:$0x3FAA] =	sst s4  }
0xd: {  	[smem:$0x3FAB] =	sst s5  }
0xe: {  	[smem:$0x3FAC] =	sst s6  }
0xf: {  	[smem:$0x3FAD] =	sst s7  }
0x10: {  	[smem:$0x3FAE] =	sst s8  }
0x11: {  	[smem:$0x3FAF] =	sst s9;
	s0 =	simm.s32 @!p0 $0x0  }
0x12: {  	s1 =	sld [smem:$0x3F95];
	s0 =	simm.s32 @p0 $0x1  }
0x13: {  	[smem:$0x3FB0] =	sst s0;
	s0 =	simm.s32 @!p1 $0x0  }
0x14: {  	s2 =	sld [smem:$0x3F94];
	s0 =	simm.s32 @p1 $0x1  }
0x15: {  	[smem:$0x3FB1] =	sst s0;
	s0 =	simm.s32 @!p2 $0x0  }
0x16: {  	s3 =	sld [smem:$0x3FDB];
	s0 =	simm.s32 @p2 $0x1  }
0x17: {  	s4 =	simm.s32 $0x1BF5;
	[smem:$0x3FB3] =	sst s0  }
0x18: {  	s0 =	sld [smem:$0x3F96];
	_ =	swait.ge [sflag:s4], $0x0  }
0x19: {  	s7 =	sld [smem:$0x3F97]  }
0x1a: {  	s8 =	sadd.s32 $0xFFFFE003, lr  }
0x1b: {  	s9 =	sadd.s32 $0xFFFFFEF7, lr;
	s5 =	simm.s32 $0xFFFFFFFF;
	p2 =	slt.u32 s8, $0xFFFFF086  }
0x1c: {  	p1 =	slt.u32 s9, $0xF7A;
	s5 =	simm.s32 @!p2 $0x0  }
0x1d: {  	s5 =	simm.s32 @p1 $0x1;
	p0 =	seq.s32 s7, s2  }
0x1e: {  	s7 =	smul.u32 @!p0 $0xF7A, s2;
	p2 =	seq.s32 @!p0 s5, $0x0  }
0x1f: {  	s9 =	smul.u32 $0xF7A, s1;
	s8 =	simm.s32 @!p0 $0x1BF5;
	p2 =	por !p2, p0  }
0x20: {  	[sflag:s8] =	ssyncset.s32 @!p0 $0xFFFFF086;
	s6 =	sadd.s32 @!p0 s3, s7;
	s7 =	simm.s32 @!p0 $0x108  }
0x21: {  	s3 =	sadd.s32 s3, s9;
	s6 =	sadd.s32 @!p0 $0x88, s6;
	s7 =	simm.s32 @p2 $0x1082  }
0x22: {  	[simem:s7], [sflag:s8] =	dma.local @!p0 [hbm:s6], $0xF7A  }
0x23: {  	s9 =	sor.u32 $0xD0000000, s2;
	s6 =	simm.s32 $0x108;
	_ =	swait.ge @!p0 [sflag:s8], $0x0  }
0x24: {  	s3 =	sadd.s32 $0x88, s3;
	s6 =	simm.s32 @!p1 $0x1082;
	[sflag:s4] =	ssyncset.s32 $0xFFFFF086  }
0x25: {  	[simem:s6], [sflag:s4] =	dma.local [hbm:s3], $0xF7A  }
0x26: {  	[smem:$0x3F97] =	sst s1;
	(tag) =	ssettag s2;
	_ =	strace s9  }
0x27: {  	s1 =	sld [smem:$0x3FA7]  }
0x28: {  	s2 =	sld [smem:$0x3FA8]  }
0x29: {  	s4 =	sld [smem:$0x3FAA]  }
0x2a: {  	p0 =	seq.s32 s5, $0x0;
	s5 =	sld [smem:$0x3FAB]  }
0x2b: {  	s6 =	sld [smem:$0x3FAC]  }
0x2c: {  	s7 =	sld [smem:$0x3FAD]  }
0x2d: {  	s3 =	simm.s32 $0x108;
	s8 =	sld [smem:$0x3FAE]  }
0x2e: {  	s3 =	simm.s32 @!p0 $0x1082;
	s9 =	sld [smem:$0x3FAF]  }
0x2f: {  	lr =	sadd.s32 s0, s3;
	s0 =	sld [smem:$0x3FA6]  }
0x30: {  	s3 =	sld [smem:$0x3FA9]  }
0x31: {  	[smem:$0x3FB2] =	sst s10  }
0x32: {  	s10 =	sld [smem:$0x3FB0];
	_ =	sdelay $0x3  }
0x33: {  	p0 =	seq.s32 s10, $0x1;
	s10 =	sld [smem:$0x3FB2];
	_ =	sdelay $0x3  }
0x34: {  	[smem:$0x3FB2] =	sst s10  }
0x35: {  	s10 =	sld [smem:$0x3FB1];
	_ =	sdelay $0x3  }
0x36: {  	p1 =	seq.s32 s10, $0x1;
	s10 =	sld [smem:$0x3FB2];
	_ =	sdelay $0x3  }
0x37: {  	[smem:$0x3FB2] =	sst s10  }
0x38: {  	s10 =	sld [smem:$0x3FB3]  }
0x39: {  	_ = 	snop;
	(pc) =	sbr.ind lr, $3  }
0x3a: {  	_ = 	snop  }
0x3b: {  	_ = 	snop  }
0x3c: {  	p2 =	seq.s32 s10, $0x1;
	s10 =	sld [smem:$0x3FB2]  }
0x3d: {  	_ =	shalt  }
0x3e: {  	_ =	shalt  }
0x3f: {  	_ =	shalt  }
0x40: {  	_ =	shalt  }
0x41: {  	_ =	shalt  }
0x42: {  	_ =	shalt  }
0x43: {  	_ =	shalt  }
0x44: {  	_ =	shalt  }
0x45: {  	_ =	shalt  }
0x46: {  	_ =	shalt  }
0x47: {  	_ =	shalt  }
0x48: {  	_ =	shalt  }
0x49: {  	_ =	shalt  }
0x4a: {  	_ =	shalt  }
0x4b: {  	_ =	shalt  }
0x4c: {  	_ =	shalt  }
0x4d: {  	_ =	shalt  }
0x4e: {  	_ =	shalt  }
0x4f: {  	_ =	shalt  }
0x50: {  	_ =	shalt  }
0x51: {  	_ =	shalt  }
0x52: {  	_ =	shalt  }
0x53: {  	_ =	shalt  }
0x54: {  	_ =	shalt  }
0x55: {  	_ =	shalt  }
0x56: {  	_ =	shalt  }
0x57: {  	_ =	shalt  }
0x58: {  	_ =	shalt  }
0x59: {  	_ =	shalt  }
0x5a: {  	_ =	shalt  }
0x5b: {  	_ =	shalt  }
0x5c: {  	_ =	shalt  }
0x5d: {  	_ =	shalt  }
0x5e: {  	_ =	shalt  }
0x5f: {  	_ =	shalt  }
0x60: {  	_ =	shalt  }
0x61: {  	_ =	shalt  }
0x62: {  	_ =	shalt  }
0x63: {  	_ =	shalt  }
0x64: {  	_ =	shalt  }
0x65: {  	_ =	shalt  }
0x66: {  	_ =	shalt  }
0x67: {  	_ =	shalt  }
0x68: {  	_ =	shalt  }
0x69: {  	_ =	shalt  }
0x6a: {  	_ =	shalt  }
0x6b: {  	_ =	shalt  }
0x6c: {  	_ =	shalt  }
0x6d: {  	_ =	shalt  }
0x6e: {  	_ =	shalt  }
0x6f: {  	_ =	shalt  }
0x70: {  	_ =	shalt  }
0x71: {  	_ =	shalt  }
0x72: {  	_ =	shalt  }
0x73: {  	_ =	shalt  }
0x74: {  	_ =	shalt  }
0x75: {  	_ =	shalt  }
0x76: {  	_ =	shalt  }
0x77: {  	_ =	shalt  }
0x78: {  	_ =	shalt  }
0x79: {  	_ =	shalt  }
0x7a: {  	_ =	shalt  }
0x7b: {  	_ =	shalt  }
0x7c: {  	_ =	shalt  }
0x7d: {  	_ =	shalt  }
0x7e: {  	_ =	shalt  }
0x7f: {  	_ =	shalt  }
0x80: {  	_ =	shalt  }
0x81: {  	_ =	shalt  }
0x82: {  	_ =	shalt  }
0x83: {  	_ =	shalt  }
0x84: {  	_ =	shalt  }
0x85: {  	_ =	shalt  }
0x86: {  	_ =	shalt  }
0x87: {  	_ =	shalt  }
.Lfunc_end0:
.L_simem_size_0:
called_computation.3_lowered:
.L_overlay_start_0:
0x88: {  	s2 =	sld [smem:$0x3FD9]  }
0x89: {  	s3 =	sld [smem:$0x3FFE];
	_ =	sdelay $0x1  }
0x8a: {  	s1 =	srdreg.scid  }
0x8b: {  	s0 =	sand.u32 $0x1, s1  }
0x8c: {  	s16 =	sshll.u32 s0, $0xA;
	s2 =	sadd.s32 s3, s2  }
0x8d: {  	s2 =	sadd.s32 s2, s16  }
0x8e: {  	[smem:$0x3FBE] =	sst s2  }
0x8f: {  	_ = 	snop  }
0x90: {  	(tm) =	ssettm $0x1  }
0x91: {  	s17 =	sld [smem:$0x3FFB];
	_ =	sdelay $0x3  }
0x92: {  	_ =	strace s17  }
0x93: {  	s2 =	sld [smem:$0x3FFC];
	_ =	sdelay $0x3  }
0x94: {  	_ =	strace s2  }
0x95: {  	s2 =	sld [smem:$0x3FFD];
	_ =	sdelay $0x3  }
0x96: {  	_ =	strace s2  }
0x97: {  	_ =	strace $0x8FFFFFFF  }
0x98: {  	s18 =	sld [smem:$0x3FDB];
	_ =	sdelay $0x1  }
0x99: {  	s19 =	simm.s32 $_scs_section_size  }
0x9a: {  	s4 =	simm.s32 $_size__tile_overlayer_lowered;
	s5 =	simm.s32 $_tile_overlayer_lowered  }
0x9b: {  	s22 =	simm.s32 $0x1BFF;
	s21 =	sshll.u32 s5, $0x1;
	s2 =	sadd.s32 s19, s18  }
0x9c: {  	s6 =	simm.s32 $0x0;
	s20 =	sshll.u32 s4, $0x1;
	s4 =	sadd.s32 s21, s2  }
0x9d: {  	[timem:s6], [sflag:s22] =	dma.local [hbm:s4], s20  }
0x9e: {  	_ =	swait.ge [sflag:s22], s20  }
0x9f: {  	s3 =	ssub.s32 $0x0, s20;
	[sflag:s22] =	ssyncset.done $0x0  }
0xa0: {  	[sflag:s22] =	ssyncadd.s32 s3;
	_ =	sdelay $0x1  }
0xa1: {  	s23 =	simm.s32 $0x1B8B  }
0xa2: {  	_ =	swait.ge [sflag:s23], $0x1  }
0xa3: {  	[sflag:s23] =	ssyncset.done $0x0  }
0xa4: {  	s25 =	simm.s32 $0x1B8E;
	s24 =	sld [smem:$0x3FFE];
	[sflag:s23] =	ssyncadd.s32 $0xFFFFFFFF  }
0xa5: {  	s26 =	simm.s32 $execute0_lowered;
	[smem:$0x3FD2] =	sst s25  }
0xa6: {  	s4 =	sshll.u32 s26, $0x1;
	_ =	strace $0x8000004F;
	[dreg:$0x1] =	wrdreg $0xFFFFFFFF  }
0xa7: {  	s28 =	simm.s32 $_size_execute0_lowered;
	s2 =	sadd.s32 s2, s4;
	[dreg:$0x0] =	wrdreg $0x0  }
0xa8: {  	s4 =	sshll.u32 s28, $0x1;
	[dreg:$0x2] =	wrdreg s2  }
0xa9: {  	[dreg:$0x3] =	wrdreg s4  }
0xaa: {  	[dreg:$0x4] =	wrdreg $0xC0  }
0xab: {  	_ =	task [dreg:s6], $0x5FFFF  }
0xac: {  	[dreg:$0x1] =	wrdreg $0xFFFFFFFF  }
0xad: {  	[dreg:$0x0] =	wrdreg $0x60  }
0xae: {  	[dreg:$0x2] =	wrdreg s24  }
0xaf: {  	[dreg:$0x3] =	wrdreg $0x0  }
0xb0: {  	[dreg:$0x4] =	wrdreg $0x9  }
0xb1: {  	_ =	task.clear_ibuf [dreg:s6], $0x5FFFF;
	_ =	strace $0x9000004F  }
0xb2: {  	s29 =	simm.s32 $0x9;
	_ =	strace $0x80000051  }
0xb3: {  	_ =	swait.ge [sflag:s29], $0x1  }
0xb4: {  	[sflag:s29] =	ssyncadd.s32 $0xFFFFFFFF  }
0xb5: {  	_ =	strace $0x90000051  }
0xb6: {  	_ =	sfence  }
0xb7: {  	s30 =	sld [smem:$0x0];
	_ =	sdelay $0x2  }
0xb8: {  	s31 =	sshll.u32 s1, $0xD;
	s1 =	sshrl.u32 s1, $0x2  }
0xb9: {  	s3 =	sand.u32 $0x4000, s31;
	s1 =	sadd.s32 s1, s30  }
0xba: {  	s0 =	sor.u32 s3, s0;
	s1 =	sshll.u32 s1, $0x11  }
0xbb: {  	s0 =	sor.u32 s1, s0  }
0xbc: {  	s0 =	sadd.s32 $0x8F2B, s0  }
0xbd: {  	[sflag:s0] =	ssyncadd.remote.s32 $0x1  }
0xbe: {  	_ =	sfence.sel $0xFFFF  }
0xbf: {  	[dreg:$0x0] =	wrdreg $0xFFFFFFFF;
	(pc) =	sbr.abs _section_cstart, $3  }
0xc0: {  	[dreg:$0x1] =	wrdreg $0xFFFFFFFF  }
0xc1: {  	_ =	task.clear_ibuf [dreg:s6], $0x2FFFF;
	_ =	strace $0x9FFFFFFF  }
0xc2: {  	(tm) =	ssettm $0x7FFFFFFF  }
0xc3: {  	_ =	shalt  }
tec
execute0_lowered:
.L_overlay_start_1:
0x0: {  	(tag) =	ssettag $0x1  }
0x1: {  	s0 =	rddreg [dreg:$0x0]  }
0x2: {  	s1 =	rddreg [dreg:$0x1];
	s2 =	srdreg.scid  }
0x3: {  	s3 =	simm.s32 $0x0;
	s19 =	simm.s32 $0x3;
	s23 =	simm.s32 $0x1  }
0x4: {  	s24 =	simm.s32 $0x2;
	s28 =	simm.s32 $0x138D0;
	s29 =	simm.s32 $0x1AEA0  }
0x5: {  	s31 =	simm.s32 $0x0;
	s9 =	sand.u32 $0x1, s2;
	s2 =	stileid.u32  }
0x6: {  	[smem:$0x7FF] =	sst s3;
	s5 =	sadd.s32 $0x3D800, s0;
	s25 =	smul.u32 $0x13C00, s2  }
0x7: {  	s12 =	sadd.s32 $0x40000, s0;
	s4 =	sshll.u32 s9, $0x4;
	s11 =	smul.u32 $0x4F000, s2  }
0x8: {  	_ =	strace $0x80000050;
	s7 =	ssub.s32 $0x2, s9;
	s13 =	smul.u32 $0x27100, s9  }
0x9: {  	p2 =	seq.s32 s9, $0x0;
	p3 =	seq.s32 s9, $0x1;
	s9 =	smul.u32 $0x138800, s9  }
0xa: {  	p4 =	sne.s32 s2, $0xF;
	p0 =	seq.s32 s2, $0xF;
	s15 =	smul.u32 $0x2780, s2  }
0xb: {  	s30 =	sshll.u32 s2, $0x6;
	s4 =	sor.u32 s2, s4;
	s8 =	sshrl.u32 s7, $0x1  }
0xc: {  	p1 =	por !p2, !p4;
	p2 =	por !p2, !p0;
	p4 =	por !p4, !p3  }
0xd: {  	s17 =	sor.u32 $0x1C03, s30;
	s6 =	smul.u32 $0x4E2, s4;
	s4 =	sadd.s32 $0x16600, s0  }
0xe: {  	s14 =	ssub.s32 s7, s8;
	p1 =	por !p1, !p1;
	p2 =	por !p2, !p2  }
0xf: {  	s26 =	sadd.s32 s25, s1;
	p4 =	por !p4, !p4;
	s11 =	sshrl.u32 s11, $0x2  }
0x10: {  	s9 =	sshrl.u32 s9, $0x3;
	s13 =	sadd.s32 s15, s13;
	s15 =	simm.s32 $0x13880  }
0x11: {  	s8 =	simm.s32 @!p2 $0x0;
	s11 =	sadd.s32 s11, s1;
	s9 =	sadd.s32 s12, s9  }
0x12: {  	s12 =	sadd.s32 s12, s13;
	s14 =	smax.u32 s14, $0x1;
	s18 =	sshrl.u32 s26, $0x3  }
0x13: {  	s26 =	simm.s32 $0x186A0;
	s10 =	sadd.s32 s6, s0;
	s8 =	simm.s32 @p2 $0x1  }
0x14: {  	s0 =	sadd.s32 $0x3B680, s0;
	s13 =	sadd.s32 $0x25080, s9;
	s21 =	sshrl.u32 @p4 s11, $0x3  }
0x15: {  	s6 =	sadd.s32 $0x2A00, s10;
	s7 =	sadd.s32 $0xC800, s10;
	[smem:$0x7FD] =	sst s8  }
0x16: {  	s8 =	sadd.s32 $0x128400, s1;
	[dreg:$0x3] =	wrdreg s0;
	s10 =	sshrl.u32 s25, $0x3  }
0x17: {  	s0 =	sshll.u32 @p4 s2, $0x6;
	s25 =	simm.s32 $0x50;
	s10 =	sadd.s32 s4, s10  }
0x18: {  	s20 =	sor.u32 @p4 $0x1C03, s0;
	s22 =	sshrl.u32 s8, $0x3;
	[dreg:$0x4] =	wrdreg s10  }
.LBB2_1:
.Ltmp0:
0x19: {  	(pc) =	sbr.rel @!p1 .LBB2_5-.Ltmp0, $4  }
0x1a: {  	_ = 	snop  }
0x1b: {  	[tilespmem:s15], [sflag:$0x1] =	stream.linear.gather [hbm4b:s6+s3], $0x2710, $0x38;
	[tilespmem:$0x1FEA0] =	vst v63  }
0x1c: {  	s0 =	simm.s32 $0x15F90  }
0x1d: {  	[tilespmem:s0], [sflag:$0x2] =	stream.linear.gather [hbm4b:s7+s3], $0x2710, $0x38;
	[tilespmem:$0x1FEA0] =	vst v63  }
.Ltmp1:
0x1e: {  	s0 =	rddreg [dreg:$0x4];
	(pc) =	sbr.rel .LBB2_3-.Ltmp1, $4  }
0x1f: {  	[spmem:s18], [sflag:s17] =	dma.local [hbm:s0], $0x2780  }
0x20: {  	_ =	swait.ge [sflag:s19], $0x2780  }
0x21: {  	[sflag:s19] =	ssyncset.done $0x0  }
0x22: {  	p5 =	por $0x0, $0x0;
	[sflag:s19] =	ssyncadd.s32 $0xFFFFD880  }
.LBB2_5:
0x23: {  	s0 =	sld [smem:$0x7FD];
	_ =	sdelay $0x2  }
0x24: {  	p2 =	seq.s32 s0, $0x1  }
.Ltmp2:
0x25: {  	_ = 	snop;
	(pc) =	sbr.rel @!p2 .LBB2_3-.Ltmp2, $2  }
0x26: {  	_ =	sdelay $0x2  }
0x27: {  	p5 =	por p0, p0  }
.Ltmp3:
0x28: {  	(pc) =	sbr.rel .LBB2_7-.Ltmp3, $3  }
0x29: {  	_ =	sdelay $0x1  }
0x2a: {  	s0 =	rddreg [dreg:$0x3];
	s9 =	simm.s32 $0x1FC3;
	p5 =	por $0x1, $0x1  }
0x2b: {  	[spmem:s22], [sflag:s9] =	dma.local [hbm:s0], $0x2080  }
.LBB2_3:
0x2c: {  	[spmem:s21], [sflag:s20] =	dma.local @p4 [hbm:s5], $0x2780  }
0x2d: {  	p6 =	por @p4 $0x1, $0x1  }
0x2e: {  	p6 =	por @!p4 p3, p3  }
0x2f: {  	p6 =	por !p6, !p5  }
0x30: {  	p6 =	por !p6, !p6  }
.Ltmp4:
0x31: {  	_ = 	snop;
	(pc) =	sbr.rel @!p6 .LBB2_8-.Ltmp4, $4  }
0x32: {  	s0 =	simm.s32 @p4 $0x3  }
0x33: {  	_ =	swait.ge @p4 [sflag:s0], $0x2780  }
0x34: {  	[sflag:s0] =	ssyncset.done @p4 $0x0  }
0x35: {  	[sflag:s0] =	ssyncadd.s32 @p4 $0xFFFFD880  }
0x36: {  	[spmem:s22], [sflag:s17] =	dma.local [hbm:s5], $0x2080  }
.LBB2_7:
0x37: {  	_ =	swait.ge [sflag:s19], $0x2080  }
0x38: {  	[sflag:s19] =	ssyncset.done $0x0  }
0x39: {  	[sflag:s19] =	ssyncadd.s32 $0xFFFFDF80  }
.LBB2_8:
0x3a: {  	_ =	swait.ge [sflag:s23], $0x2710  }
0x3b: {  	[sflag:s23] =	ssyncset.done $0x0  }
0x3c: {  	[sflag:s23] =	ssyncadd.s32 $0xFFFFD8F0  }
0x3d: {  	_ =	swait.ge [sflag:s24], $0x2710  }
0x3e: {  	[sflag:s24] =	ssyncset.done $0x0  }
0x3f: {  	[sflag:s24] =	ssyncadd.s32 $0xFFFFD8F0  }
0x40: {  	[bflag:$0x0] =	sbarrier.arrive $0xFFFF  }
0x41: {  	[tilespmem:s26], [sflag:$0x1] =	stream.indirect.gather [hbm4b:s4+s25], $0x80, s15, s25, $0xb8;
	[tilespmem:$0x1FEA0] =	vst v63  }
0x42: {  	s0 =	simm.s32 $0x0;
	s30 =	simm.s32 $0x15F90;
	s9 =	simm.s32 $0x13920  }
0x43: {  	[tilespmem:s29], [sflag:$0x1] =	stream.indirect.gather [hbm4b:s4+s25], $0x80, s28, s25, $0xb8;
	[tilespmem:$0x1FEA0] =	vst v63  }
.LBB2_9:
0x44: {  	_ =	swait.ge [sflag:s23], $0x2800  }
0x45: {  	p6 =	slt.u32 s0, $0x2;
	[sflag:s23] =	ssyncset.done $0x0  }
0x46: {  	s10 =	simm.s32 @!p6 $0x2;
	[sflag:s23] =	ssyncadd.s32 $0xFFFFD800  }
0x47: {  	p2 =	sgt.u32 @!p6 s0, $0x7A;
	_ =	swait.ge @!p6 [sflag:s10], $0x2800  }
0x48: {  	p2 =	por p6, !p2;
	[sflag:s10] =	ssyncset.done @!p6 $0x0  }
0x49: {  	[sflag:s10] =	ssyncadd.s32 @!p6 $0xFFFFD800;
	s10 =	sadd.s32 @p2 $0x2, s0  }
0x4a: {  	s16 =	smul.u32 @p2 $0xAB, s10;
	_ =	sdelay $0x1  }
0x4b: {  	s16 =	sshrl.u32 @p2 s16, $0x9  }
0x4c: {  	s16 =	sand.u32 @p2 $0x7F, s16  }
0x4d: {  	s16 =	smul.u32 @p2 $0x3, s16;
	_ =	sdelay $0x1  }
0x4e: {  	s10 =	ssub.s32 @p2 s10, s16  }
0x4f: {  	s10 =	sand.u32 @p2 $0xFF, s10  }
0x50: {  	s10 =	smul.u32 @p2 $0xA000, s10;
	_ =	sdelay $0x1  }
0x51: {  	s10 =	sshrl.u32 @p2 s10, $0x2  }
0x52: {  	s16 =	smul.u32 $0xAB, s0;
	s10 =	sor.u32 @p2 $0x186A0, s10  }
0x53: {  	[tilespmem:s10], [sflag:$0x1] =	stream.indirect.gather @p2 [hbm4b:s4+s25], $0x80, s9, s25, $0xb8;
	[tilespmem:$0x1FEA0] =	vst v63  }
0x54: {  	s10 =	sshrl.u32 s16, $0x9  }
0x55: {  	s10 =	sand.u32 $0x7F, s10  }
0x56: {  	s10 =	smul.u32 $0x3, s10;
	_ =	sdelay $0x1  }
0x57: {  	s10 =	ssub.s32 s0, s10  }
0x58: {  	s0 =	sadd.s32 $0x1, s0;
	s10 =	sand.u32 $0xFF, s10  }
0x59: {  	p2 =	sne.s32 s0, $0x7D;
	s10 =	smul.u32 $0xA000, s10  }
.Ltmp5:
0x5a: {  	_ = 	snop;
	(pc) =	sbr.rel @p2 .LBB2_9-.Ltmp5, $4  }
0x5b: {  	s10 =	sshrl.u32 s10, $0x2  }
0x5c: {  	s10 =	sor.u32 $0x186A0, s10  }
0x5d: {  	[spmem:s1] =	stream.indirect.scatter.add.f32 [tilespmem:s10], [sflag:$0x2], $0x80, s30, s25, $0xb8;
	[tilespmem:$0x1FEA0] =	vst v63  }
0x5e: {  	s9 =	sadd.s32 $0x50, s9;
	s30 =	sadd.s32 $0x50, s30  }
0x5f: {  	_ =	swait.ge [sflag:s24], $0x2800  }
0x60: {  	[sflag:s24] =	ssyncset.done $0x0  }
0x61: {  	[sflag:s24] =	ssyncadd.s32 $0xFFFFD800  }
0x62: {  	_ =	swait.ge [sflag:s24], $0x2800  }
0x63: {  	[sflag:s24] =	ssyncset.done $0x0  }
0x64: {  	s0 =	sshll.u32 @!p0 s2, $0x6;
	[sflag:s24] =	ssyncadd.s32 $0xFFFFD800  }
0x65: {  	s9 =	sshrl.u32 @!p0 s11, $0x3;
	s0 =	sor.u32 @!p0 $0x1C03, s0;
	[bflag:$0x0] =	sbarrier.arrive $0xFFFF  }
0x66: {  	[hbm:s12], [sflag:s0] =	dma.local @!p0 [spmem:s9], $0x2780  }
0x67: {  	s0 =	simm.s32 @!p0 $0x3  }
0x68: {  	s31 =	sadd.s32 $0x1, s31;
	_ =	swait.ge @!p0 [sflag:s0], $0x2780  }
0x69: {  	p2 =	sne.s32 s31, s14;
	s9 =	sshll.u32 @p5 s2, $0x6;
	[sflag:s0] =	ssyncset.done @!p0 $0x0  }
0x6a: {  	[sflag:s0] =	ssyncadd.s32 @!p0 $0xFFFFD880;
	s0 =	sor.u32 @p5 $0x1C03, s9;
	s9 =	sshrl.u32 @p5 s8, $0x3  }
0x6b: {  	[hbm:s13], [sflag:s0] =	dma.local @p5 [spmem:s9], $0x2080  }
.Ltmp6:
0x6c: {  	_ = 	snop;
	(pc) =	sbr.rel @p2 .LBB2_1-.Ltmp6, $4  }
0x6d: {  	s0 =	simm.s32 @p5 $0x3  }
0x6e: {  	_ =	swait.ge @p5 [sflag:s0], $0x2080  }
0x6f: {  	[sflag:s0] =	ssyncset.done @p5 $0x0  }
0x70: {  	[sflag:s0] =	ssyncadd.s32 @p5 $0xFFFFDF80  }
0x71: {  	_ =	sfence.sel $0x180000  }
0x72: {  	[bflag:$0x0] =	sbarrier.arrive $0xFFFF  }
0x73: {  	_ =	strace $0x90000050  }
0x74: {  	[bflag:$0x2] =	sbarrier.arrive $0xFFFF  }
0x75: {  	p0 =	sne.s32 s2, $0x0;
	s0 =	rddreg [dreg:$0x2]  }
0x76: {  	s0 =	sadd.s32 @!p0 $0x100000, s0  }
0x77: {  	[sflag:s0] =	ssyncadd.tile.s32 @!p0 $0x1;
	_ =	shalt  }
.Lfunc_end2:
_tile_overlayer_lowered:
.L_overlay_start_2:
0x78: {  	(tag) =	ssettag $0x2  }
0x79: {  	s0 =	rddreg [dreg:$0x0];
	s2 =	stileid.u32  }
0x7a: {  	s1 =	rddreg [dreg:$0x1];
	p0 =	sne.s32 s2, $0x0  }
0x7b: {  	s3 =	rddreg [dreg:$0x2];
	[bflag:$0x3] =	sbarrier.arrive $0xFFFF;
	s2 =	simm.s32 @!p0 $0x1C03  }
0x7c: {  	[timem:s3], [sflag:s2] =	dma.local @!p0 [hbm:s0], s1  }
0x7d: {  	s0 =	simm.s32 @!p0 $0x3  }
0x7e: {  	_ =	swait.ge @!p0 [sflag:s0], s1  }
0x7f: {  	s1 =	ssub.s32 @!p0 $0x0, s1;
	[sflag:s0] =	ssyncset.done @!p0 $0x0  }
0x80: {  	[sflag:s0] =	ssyncadd.s32 @!p0 s1  }
0x81: {  	[bflag:$0x3] =	sbarrier.arrive $0xFFFF  }
0x82: {  	_ =	shalt  }

</sc_bundles>
